<compile_context>
chip_gen: v7x
topology: tpu7x:2x2x1
jax: 0.10.2.dev20260603
libtpu: 0.0.44.dev20260713+nightly
codegen_flags: <defaults>
</compile_context>

<pallas_src>
import functools

import jax
import jax.numpy as jnp
from jax import lax
from jax.experimental import pallas as pl
from jax.experimental.pallas import tpu as pltpu
import jax.experimental.pallas.tpu_sc as plsc

NC = 2
NS = 16
L = 16
NW = NC * NS
K = 128
NSEG = 64


def _cdiv(a, b):
    return (a + b - 1) // b



def _make_deg(out_n, acc_n, ch):
    mesh = plsc.VectorSubcoreMesh(core_axis_name="c", subcore_axis_name="s")
    zrows = acc_n // NS
    orows = out_n // NS

    @functools.partial(
        pl.kernel, mesh=mesh,
        out_type=jax.ShapeDtypeStruct((NC, out_n, L), jnp.float32),
        scratch_types=[
            pltpu.VMEM((ch, K), jnp.int32),
            pltpu.VMEM((K, L), jnp.float32),
            pltpu.VMEM((K, L), jnp.float32),
            pltpu.VMEM_SHARED((acc_n, L), jnp.float32),
            pltpu.SemaphoreType.DMA,
        ],
    )
    def deg_kernel(col_hbm, out_hbm, cidx_v, ones_v, zer_v, accum, sem):
        c = lax.axis_index("c")
        s = lax.axis_index("s")
        wid = s * NC + c
        pltpu.sync_copy(col_hbm.at[wid], cidx_v)
        one = jnp.full((L,), 1.0, jnp.float32)
        zero = jnp.zeros((L,), jnp.float32)

        def fill(i, _):
            ones_v[i, :] = one
            zer_v[i, :] = zero
            return ()

        lax.fori_loop(0, K, fill, ())
        base = s * zrows
        off = 0
        while off < zrows:
            m = min(K, zrows - off)
            pltpu.sync_copy(zer_v.at[pl.ds(0, m)], accum.at[pl.ds(base + off, m)])
            off += m
        plsc.subcore_barrier()

        wave = 8

        def body(w, _):
            for q in range(wave):
                pltpu.async_copy(ones_v, accum.at[cidx_v.at[w * wave + q]],
                                 sem, add=True)
            for q in range(wave):
                pltpu.make_async_copy(ones_v, accum.at[cidx_v.at[0]],
                                      sem).wait()
            return ()

        lax.fori_loop(0, ch // wave, body, ())
        plsc.subcore_barrier()
        ob = s * orows
        pltpu.sync_copy(accum.at[pl.ds(ob, orows)], out_hbm.at[c, pl.ds(ob, orows)])

    return deg_kernel


def _make_agg(out_n, acc_n, ch, d):
    mesh = plsc.VectorSubcoreMesh(core_axis_name="c", subcore_axis_name="s")
    zrows = acc_n // NS
    orows = out_n // NS
    hc = ch // 2
    assert (hc - 4) % 4 == 0

    @functools.partial(
        pl.kernel, mesh=mesh,
        out_type=jax.ShapeDtypeStruct((NC, out_n, d), jnp.float32),
        scratch_types=[
            pltpu.VMEM((ch // 2, K), jnp.int32),
            pltpu.VMEM((ch // 2, K), jnp.int32),
            pltpu.VMEM((K, d), jnp.float32),
            pltpu.VMEM((K, d), jnp.float32),
            pltpu.VMEM_SHARED((acc_n, d), jnp.float32),
            pltpu.SemaphoreType.DMA,
            pltpu.SemaphoreType.DMA,
            pltpu.SemaphoreType.DMA,
            pltpu.SemaphoreType.DMA,
        ],
    )
    def agg_kernel(u_hbm, row_hbm, col_hbm, out_hbm, ridx_v, cidx_v,
                   b0, b1, accum, g0, g1, s0, s1):
        c = lax.axis_index("c")
        s = lax.axis_index("s")
        wid = s * NC + c
        bufs = (b0, b1)
        gsem = (g0, g1)
        ssem = (s0, s1)
        zero = jnp.zeros((L,), jnp.float32)

        def zrow(i, _):
            for j in range(d // L):
                b0[i, pl.ds(j * L, L)] = zero
            return ()

        lax.fori_loop(0, K, zrow, ())
        base = s * zrows
        off = 0
        while off < zrows:
            m = min(K, zrows - off)
            pltpu.sync_copy(b0.at[pl.ds(0, m)], accum.at[pl.ds(base + off, m)])
            off += m
        plsc.subcore_barrier()

        def gath(j, q):
            pltpu.async_copy(u_hbm.at[ridx_v.at[j]], bufs[q], gsem[q])

        def wait_g(j, q):
            pltpu.make_async_copy(u_hbm.at[ridx_v.at[j]], bufs[q],
                                  gsem[q]).wait()

        def scat(j, q):
            pltpu.async_copy(bufs[q], accum.at[cidx_v.at[j]], ssem[q],
                             add=True)

        def wait_s(q):
            pltpu.make_async_copy(bufs[q], accum.at[cidx_v.at[0]],
                                  ssem[q]).wait()

        for p in range(2):
            pltpu.sync_copy(row_hbm.at[wid, pl.ds(p * hc, hc)], ridx_v)
            pltpu.sync_copy(col_hbm.at[wid, pl.ds(p * hc, hc)], cidx_v)
            gath(0, 0)
            wait_g(0, 0)
            scat(0, 0)
            gath(1, 1)

            def pair(t, _):
                j = 2 * t + 1
                wait_g(j, 1)
                scat(j, 1)
                wait_s(0)
                gath(j + 1, 0)
                wait_g(j + 1, 0)
                scat(j + 1, 0)
                wait_s(1)
                gath(j + 2, 1)
                return ()

            lax.fori_loop(0, (hc - 2) // 2, pair, ())
            wait_g(hc - 1, 1)
            scat(hc - 1, 1)
            wait_s(0)
            wait_s(1)
        plsc.subcore_barrier()
        ob = s * orows
        pltpu.sync_copy(accum.at[pl.ds(ob, orows)], out_hbm.at[c, pl.ds(ob, orows)])

    return agg_kernel



def _mm_body(x_ref, w_ref, o_ref):
    o_ref[...] = jnp.dot(x_ref[...], w_ref[...],
                         preferred_element_type=jnp.float32)


def _scale_body(degp_ref, h_ref, u_ref, dinv_ref):
    deg = degp_ref[0, :, 0:1] + degp_ref[1, :, 0:1] + 1.0
    dinv = lax.rsqrt(deg)
    u_ref[...] = h_ref[...] * dinv
    dinv_ref[...] = dinv


def _layer_body(agg_ref, u_ref, dinv_ref, b_ref, w_ref, o_ref):
    z = agg_ref[0] + agg_ref[1] + u_ref[...]
    z = jnp.maximum(z * dinv_ref[...] + b_ref[...], 0.0)
    o_ref[...] = jnp.dot(z, w_ref[...],
                         preferred_element_type=jnp.float32) * dinv_ref[...]


def _final_body(agg_ref, u_ref, dinv_ref, b_ref, bat_ref, ws1_ref, bs1_ref,
                ws2_ref, bs2_ref, o_ref, sums, cnts):
    i = pl.program_id(0)

    @pl.when(i == 0)
    def _():
        sums[...] = jnp.zeros_like(sums)
        cnts[...] = jnp.zeros_like(cnts)

    z = agg_ref[0] + agg_ref[1] + u_ref[...]
    z = jnp.maximum(z * dinv_ref[...] + b_ref[...], 0.0)
    blk = z.shape[0]
    oh = (bat_ref[...] == lax.broadcasted_iota(jnp.int32, (1, NSEG), 1))
    oh = oh.astype(jnp.float32)
    sums[...] += lax.dot_general(oh, z, (((0,), (0,)), ((), ())),
                                 preferred_element_type=jnp.float32)
    cnts[...] += lax.dot_general(oh, jnp.ones((blk, 1), jnp.float32),
                                 (((0,), (0,)), ((), ())),
                                 preferred_element_type=jnp.float32)

    @pl.when(i == pl.num_programs(0) - 1)
    def _():
        g = sums[...] / jnp.maximum(cnts[...], 1.0)
        t = jnp.maximum(jnp.dot(g, ws1_ref[...],
                                preferred_element_type=jnp.float32)
                        + bs1_ref[...], 0.0)
        o_ref[...] = jnp.dot(t, ws2_ref[...],
                             preferred_element_type=jnp.float32) + bs2_ref[...]



def kernel(x, edge_index, batch, W1, b1, W2, b2, Ws1, bs1, Ws2, bs2):
    n, d = x.shape
    e = edge_index.shape[1]
    ch = 16 * _cdiv(e, NW * K * 16)
    pad = NW * ch * K - e
    out_n = _cdiv(n, NS * 8) * NS * 8
    acc_n = out_n + 128

    row, col = edge_index[0], edge_index[1]
    ar = jnp.arange(pad, dtype=jnp.int32)
    row3 = jnp.concatenate([row, (ar * 37) % n]).reshape(NW, ch, K)
    col3 = jnp.concatenate([col, out_n + (ar % 64)]).reshape(NW, ch, K)

    blk = 1000
    grid = n // blk
    bspec_nd = pl.BlockSpec((blk, d), lambda i: (i, 0))
    bspec_agg = pl.BlockSpec((NC, blk, d), lambda i: (0, i, 0))
    bspec_dinv = pl.BlockSpec((blk, 1), lambda i: (i, 0))
    bspec_w = pl.BlockSpec((d, d), lambda i: (0, 0))
    bspec_b = pl.BlockSpec((1, d), lambda i: (0, 0))

    deg_fn = _make_deg(out_n, acc_n, ch)
    agg_fn = _make_agg(out_n, acc_n, ch, d)

    h1 = pl.pallas_call(
        _mm_body, grid=(grid,),
        in_specs=[bspec_nd, bspec_w], out_specs=bspec_nd,
        out_shape=jax.ShapeDtypeStruct((n, d), jnp.float32),
    )(x, W1)

    degp = deg_fn(col3)

    u1, dinv = pl.pallas_call(
        _scale_body, grid=(grid,),
        in_specs=[pl.BlockSpec((NC, blk, L), lambda i: (0, i, 0)), bspec_nd],
        out_specs=[bspec_nd, bspec_dinv],
        out_shape=[jax.ShapeDtypeStruct((n, d), jnp.float32),
                   jax.ShapeDtypeStruct((n, 1), jnp.float32)],
    )(degp, h1)

    agg1 = agg_fn(u1, row3, col3)

    u2 = pl.pallas_call(
        _layer_body, grid=(grid,),
        in_specs=[bspec_agg, bspec_nd, bspec_dinv, bspec_b, bspec_w],
        out_specs=bspec_nd,
        out_shape=jax.ShapeDtypeStruct((n, d), jnp.float32),
    )(agg1, u1, dinv, b1.reshape(1, d), W2)

    agg2 = agg_fn(u2, row3, col3)

    out = pl.pallas_call(
        _final_body, grid=(grid,),
        in_specs=[bspec_agg, bspec_nd, bspec_dinv, bspec_b,
                  pl.BlockSpec((blk, 1), lambda i: (i, 0)),
                  bspec_w, bspec_b,
                  pl.BlockSpec((d, 1), lambda i: (0, 0)),
                  pl.BlockSpec((1, 1), lambda i: (0, 0))],
        out_specs=pl.BlockSpec((NSEG, 1), lambda i: (0, 0)),
        out_shape=jax.ShapeDtypeStruct((NSEG, 1), jnp.float32),
        scratch_shapes=[pltpu.VMEM((NSEG, d), jnp.float32),
                        pltpu.VMEM((NSEG, 1), jnp.float32)],
    )(agg2, u2, dinv, b2.reshape(1, d),
      batch.reshape(n, 1).astype(jnp.int32),
      Ws1, bs1.reshape(1, d), Ws2, bs2.reshape(1, 1))

    return out

# --- scband reference (transcript-rebuilt; emitter-appended) ---
"""Pipeline reference for scband-gnn-57818849738867 (READ-ONLY COPY).

The authoritative reference and input builder live on the scoring server;
editing this copy changes nothing except your own understanding.
"""

import jax, jax.numpy as jnp
import numpy as np

N = 10000
E = 320000
D = 128
H = 128
B = 64


def _glorot(key, shape):
    fan_in, fan_out = shape[0], shape[1]
    lim = np.sqrt(6.0 / (fan_in + fan_out))
    return jax.random.uniform(key, shape, dtype=jnp.float32, minval=-lim, maxval=lim)


def setup_inputs(seed: int = 0) -> dict:
    key = jax.random.key(seed)
    ks = jax.random.split(key, 12)
    x = jax.random.normal(ks[0], (N, D), dtype=jnp.float32)
    edge_index = jax.random.randint(ks[1], (2, E), 0, N, dtype=jnp.int32)
    seg = jnp.sort(jax.random.randint(ks[2], (N,), 0, B, dtype=jnp.int32))
    W1 = _glorot(ks[3], (D, H))
    b1 = jnp.zeros((H,), dtype=jnp.float32)
    W2 = _glorot(ks[4], (H, H))
    b2 = jnp.zeros((H,), dtype=jnp.float32)
    Ws1 = _glorot(ks[5], (H, H))
    bs1 = jnp.zeros((H,), dtype=jnp.float32)
    Ws2 = _glorot(ks[6], (H, 1))
    bs2 = jnp.zeros((1,), dtype=jnp.float32)
    return {"x": x, "edge_index": edge_index, "batch": seg,
            "W1": W1, "b1": b1, "W2": W2, "b2": b2,
            "Ws1": Ws1, "bs1": bs1, "Ws2": Ws2, "bs2": bs2}


def _gcn_conv(x, row, col, W, b):
    # PyG GCNConv: add self-loops, symmetric normalization, linear transform,
    # scatter-add aggregation to destination nodes, plus bias.
    loop = jnp.arange(N, dtype=row.dtype)
    row = jnp.concatenate([row, loop])
    col = jnp.concatenate([col, loop])
    h = x @ W
    deg = jax.ops.segment_sum(jnp.ones_like(col, dtype=h.dtype), col, num_segments=N)
    dinv = jnp.where(deg > 0, 1.0 / jnp.sqrt(deg), 0.0)
    norm = dinv[row] * dinv[col]
    msg = h[row] * norm[:, None]
    out = jax.ops.segment_sum(msg, col, num_segments=N)
    return out + b


def reference(x, edge_index, batch, W1, b1, W2, b2, Ws1, bs1, Ws2, bs2):
    row, col = edge_index[0], edge_index[1]
    h = jax.nn.relu(_gcn_conv(x, row, col, W1, b1))
    h = jax.nn.relu(_gcn_conv(h, row, col, W2, b2))
    # global mean pool (gap)
    s = jax.ops.segment_sum(h, batch, num_segments=B)
    cnt = jax.ops.segment_sum(jnp.ones((N,), dtype=h.dtype), batch, num_segments=B)
    g = s / jnp.clip(cnt, 1.0)[:, None]
    out = jax.nn.relu(g @ Ws1 + bs1) @ Ws2 + bs2
    return out

if __name__ == "__main__":
    import jax
    _d = setup_inputs()
    print(jax.jit(kernel)(*tuple(_d.values())))

</pallas_src>

<mosaic_0001>
#map = affine_map<(d0, d1) -> (0, 0, 0)>
module attributes {stable_mosaic.version = 14 : i64} {
  func.func @deg_kernel(%arg0: i32, %arg1: i32, %arg2: memref<32x80x128xi32, #tpu.memory_space<hbm>>, %arg3: memref<2x10112x16xf32, #tpu.memory_space<hbm>>, %arg4: memref<80x128xi32, #tpu.memory_space<vmem>>, %arg5: memref<128x16xf32, #tpu.memory_space<vmem>>, %arg6: memref<128x16xf32, #tpu.memory_space<vmem>>, %arg7: memref<10240x16xf32, #tpu.memory_space<vmem_shared>>, %arg8: memref<!tpu.dma_semaphore, #tpu.memory_space<semaphore_mem>>) attributes {dimension_semantics = [#tpu.dimension_semantics<core_parallel>, #tpu.dimension_semantics<subcore_parallel>], iteration_bounds = array<i64: 2, 16>, scalar_prefetch = 0 : i64, scratch_operands = 5 : i64, tpu.core_type = #tpu.core_type<sc_vector_subcore>, window_params = [{transform_indices = #map}, {transform_indices = #map}]} {
    %mul3A = arith.constant 2 : i32
    %mul3A_0 = arith.muli %arg1, %mul3A : i32
    %add3A = arith.addi %mul3A_0, %arg0 : i32
    "tpu.region"() ({
      %run_scoped3A = tpu.sem_alloc : memref<!tpu.dma_semaphore, #tpu.memory_space<semaphore_mem>>
      %dma_start3A = arith.constant 0 : i32
      %dma_start3A_28 = arith.constant 0 : i32
      %dma_start3A_29 = tpu.memref_slice %arg2[%add3A, %dma_start3A, %dma_start3A_28] : memref<32x80x128xi32, #tpu.memory_space<hbm>> -> memref<1x80x128xi32, #tpu.memory_space<hbm>>
      %dma_start3A_30 = tpu.memref_squeeze %dma_start3A_29 : memref<1x80x128xi32, #tpu.memory_space<hbm>> -> memref<80x128xi32, #tpu.memory_space<hbm>>
      %dma_start3A_31 = arith.constant 0 : i32
      %dma_start3A_32 = arith.constant 0 : i32
      %dma_start3A_33 = tpu.memref_slice %arg2[%add3A, %dma_start3A_31, %dma_start3A_32] : memref<32x80x128xi32, #tpu.memory_space<hbm>> -> memref<1x80x128xi32, #tpu.memory_space<hbm>>
      %dma_start3A_34 = tpu.memref_squeeze %dma_start3A_33 : memref<1x80x128xi32, #tpu.memory_space<hbm>> -> memref<80x128xi32, #tpu.memory_space<hbm>>
      tpu.enqueue_dma source(%dma_start3A_34 : memref<80x128xi32, #tpu.memory_space<hbm>>) target(%arg4 : memref<80x128xi32, #tpu.memory_space<vmem>>) target_semaphore(%run_scoped3A : memref<!tpu.dma_semaphore, #tpu.memory_space<semaphore_mem>>)
      %dma_wait3A = arith.constant 0 : i32
      %dma_wait3A_35 = arith.constant 0 : i32
      %dma_wait3A_36 = tpu.memref_slice %arg2[%add3A, %dma_wait3A, %dma_wait3A_35] : memref<32x80x128xi32, #tpu.memory_space<hbm>> -> memref<1x80x128xi32, #tpu.memory_space<hbm>>
      %dma_wait3A_37 = tpu.memref_squeeze %dma_wait3A_36 : memref<1x80x128xi32, #tpu.memory_space<hbm>> -> memref<80x128xi32, #tpu.memory_space<hbm>>
      %dma_wait3A_38 = arith.constant 0 : i32
      %dma_wait3A_39 = arith.constant 0 : i32
      %dma_wait3A_40 = tpu.memref_slice %arg2[%add3A, %dma_wait3A_38, %dma_wait3A_39] : memref<32x80x128xi32, #tpu.memory_space<hbm>> -> memref<1x80x128xi32, #tpu.memory_space<hbm>>
      %dma_wait3A_41 = tpu.memref_squeeze %dma_wait3A_40 : memref<1x80x128xi32, #tpu.memory_space<hbm>> -> memref<80x128xi32, #tpu.memory_space<hbm>>
      tpu.wait_dma2 semaphore(%run_scoped3A : memref<!tpu.dma_semaphore, #tpu.memory_space<semaphore_mem>>) src(%dma_wait3A_41 : memref<80x128xi32, #tpu.memory_space<hbm>>) dst(%arg4 : memref<80x128xi32, #tpu.memory_space<vmem>>)
      tpu.yield
    }) : () -> ()
    %broadcast_in_dim3A = arith.constant 1.000000e+00 : f32
    %broadcast_in_dim3A_1 = vector.broadcast %broadcast_in_dim3A : f32 to vector<16xf32>
    %broadcast_in_dim3A_2 = arith.constant 0.000000e+00 : f32
    %broadcast_in_dim3A_3 = vector.broadcast %broadcast_in_dim3A_2 : f32 to vector<16xf32>
    %scan3A = arith.constant 0 : i32
    %scan3A_4 = arith.constant 128 : i32
    %scan3A_5 = arith.addi %scan3A, %scan3A_4 : i32
    %scan3A_6 = arith.constant 1 : i32
    scf.for %scan3A_28 = %scan3A to %scan3A_5 step %scan3A_6  : i32 {
      %swap3A = arith.index_cast %scan3A_28 : i32 to index
      %swap3A_29 = arith.constant 0 : index
      %swap3A_30 = tpu.vector_load %arg5[%swap3A, %swap3A_29] {strides = array<i32>} : memref<128x16xf32, #tpu.memory_space<vmem>>, vector<1x16xf32>,
      %swap3A_31 = vector.shape_cast %swap3A_30 : vector<1x16xf32> to vector<16xf32>
      %swap3A_32 = vector.shape_cast %broadcast_in_dim3A_1 : vector<16xf32> to vector<1x16xf32>
      tpu.vector_store %arg5[%swap3A, %swap3A_29], %swap3A_32 {strides = array<i32>} : memref<128x16xf32, #tpu.memory_space<vmem>>, vector<1x16xf32>,
      %swap3A_33 = arith.index_cast %scan3A_28 : i32 to index
      %swap3A_34 = arith.constant 0 : index
      %swap3A_35 = tpu.vector_load %arg6[%swap3A_33, %swap3A_34] {strides = array<i32>} : memref<128x16xf32, #tpu.memory_space<vmem>>, vector<1x16xf32>,
      %swap3A_36 = vector.shape_cast %swap3A_35 : vector<1x16xf32> to vector<16xf32>
      %swap3A_37 = vector.shape_cast %broadcast_in_dim3A_3 : vector<16xf32> to vector<1x16xf32>
      tpu.vector_store %arg6[%swap3A_33, %swap3A_34], %swap3A_37 {strides = array<i32>} : memref<128x16xf32, #tpu.memory_space<vmem>>, vector<1x16xf32>,
    }
    %scan3A_7 = arith.constant 128 : i32
    %mul3A_8 = arith.constant 640 : i32
    %mul3A_9 = arith.muli %arg1, %mul3A_8 : i32
    %add3A_10 = arith.constant 0 : i32
    %add3A_11 = arith.addi %mul3A_9, %add3A_10 : i32
    "tpu.region"() ({
      %run_scoped3A = tpu.sem_alloc : memref<!tpu.dma_semaphore, #tpu.memory_space<semaphore_mem>>
      %dma_start3A = arith.constant 0 : i32
      %dma_start3A_28 = arith.constant 0 : i32
      %dma_start3A_29 = tpu.memref_slice %arg6[%dma_start3A, %dma_start3A_28] : memref<128x16xf32, #tpu.memory_space<vmem>> -> memref<128x16xf32, #tpu.memory_space<vmem>>
      %dma_start3A_30 = arith.constant 0 : i32
      %dma_start3A_31 = tpu.memref_slice %arg7[%add3A_11, %dma_start3A_30] : memref<10240x16xf32, #tpu.memory_space<vmem_shared>> -> memref<128x16xf32, #tpu.memory_space<vmem_shared>>
      %dma_start3A_32 = arith.constant 0 : i32
      %dma_start3A_33 = tpu.memref_slice %arg7[%add3A_11, %dma_start3A_32] : memref<10240x16xf32, #tpu.memory_space<vmem_shared>> -> memref<128x16xf32, #tpu.memory_space<vmem_shared>>
      %dma_start3A_34 = arith.constant 0 : i32
      %dma_start3A_35 = arith.constant 0 : i32
      %dma_start3A_36 = tpu.memref_slice %arg6[%dma_start3A_34, %dma_start3A_35] : memref<128x16xf32, #tpu.memory_space<vmem>> -> memref<128x16xf32, #tpu.memory_space<vmem>>
      tpu.enqueue_dma source(%dma_start3A_36 : memref<128x16xf32, #tpu.memory_space<vmem>>) target(%dma_start3A_33 : memref<128x16xf32, #tpu.memory_space<vmem_shared>>) target_semaphore(%run_scoped3A : memref<!tpu.dma_semaphore, #tpu.memory_space<semaphore_mem>>)
      %dma_wait3A = arith.constant 0 : i32
      %dma_wait3A_37 = arith.constant 0 : i32
      %dma_wait3A_38 = tpu.memref_slice %arg6[%dma_wait3A, %dma_wait3A_37] : memref<128x16xf32, #tpu.memory_space<vmem>> -> memref<128x16xf32, #tpu.memory_space<vmem>>
      %dma_wait3A_39 = arith.constant 0 : i32
      %dma_wait3A_40 = tpu.memref_slice %arg7[%add3A_11, %dma_wait3A_39] : memref<10240x16xf32, #tpu.memory_space<vmem_shared>> -> memref<128x16xf32, #tpu.memory_space<vmem_shared>>
      %dma_wait3A_41 = arith.constant 0 : i32
      %dma_wait3A_42 = tpu.memref_slice %arg7[%add3A_11, %dma_wait3A_41] : memref<10240x16xf32, #tpu.memory_space<vmem_shared>> -> memref<128x16xf32, #tpu.memory_space<vmem_shared>>
      %dma_wait3A_43 = arith.constant 0 : i32
      %dma_wait3A_44 = arith.constant 0 : i32
      %dma_wait3A_45 = tpu.memref_slice %arg6[%dma_wait3A_43, %dma_wait3A_44] : memref<128x16xf32, #tpu.memory_space<vmem>> -> memref<128x16xf32, #tpu.memory_space<vmem>>
      tpu.wait_dma2 semaphore(%run_scoped3A : memref<!tpu.dma_semaphore, #tpu.memory_space<semaphore_mem>>) src(%dma_wait3A_45 : memref<128x16xf32, #tpu.memory_space<vmem>>) dst(%dma_wait3A_42 : memref<128x16xf32, #tpu.memory_space<vmem_shared>>)
      tpu.yield
    }) : () -> ()
    %add3A_12 = arith.constant 128 : i32
    %add3A_13 = arith.addi %mul3A_9, %add3A_12 : i32
    "tpu.region"() ({
      %run_scoped3A = tpu.sem_alloc : memref<!tpu.dma_semaphore, #tpu.memory_space<semaphore_mem>>
      %dma_start3A = arith.constant 0 : i32
      %dma_start3A_28 = arith.constant 0 : i32
      %dma_start3A_29 = tpu.memref_slice %arg6[%dma_start3A, %dma_start3A_28] : memref<128x16xf32, #tpu.memory_space<vmem>> -> memref<128x16xf32, #tpu.memory_space<vmem>>
      %dma_start3A_30 = arith.constant 0 : i32
      %dma_start3A_31 = tpu.memref_slice %arg7[%add3A_13, %dma_start3A_30] : memref<10240x16xf32, #tpu.memory_space<vmem_shared>> -> memref<128x16xf32, #tpu.memory_space<vmem_shared>>
      %dma_start3A_32 = arith.constant 0 : i32
      %dma_start3A_33 = tpu.memref_slice %arg7[%add3A_13, %dma_start3A_32] : memref<10240x16xf32, #tpu.memory_space<vmem_shared>> -> memref<128x16xf32, #tpu.memory_space<vmem_shared>>
      %dma_start3A_34 = arith.constant 0 : i32
      %dma_start3A_35 = arith.constant 0 : i32
      %dma_start3A_36 = tpu.memref_slice %arg6[%dma_start3A_34, %dma_start3A_35] : memref<128x16xf32, #tpu.memory_space<vmem>> -> memref<128x16xf32, #tpu.memory_space<vmem>>
      tpu.enqueue_dma source(%dma_start3A_36 : memref<128x16xf32, #tpu.memory_space<vmem>>) target(%dma_start3A_33 : memref<128x16xf32, #tpu.memory_space<vmem_shared>>) target_semaphore(%run_scoped3A : memref<!tpu.dma_semaphore, #tpu.memory_space<semaphore_mem>>)
      %dma_wait3A = arith.constant 0 : i32
      %dma_wait3A_37 = arith.constant 0 : i32
      %dma_wait3A_38 = tpu.memref_slice %arg6[%dma_wait3A, %dma_wait3A_37] : memref<128x16xf32, #tpu.memory_space<vmem>> -> memref<128x16xf32, #tpu.memory_space<vmem>>
      %dma_wait3A_39 = arith.constant 0 : i32
      %dma_wait3A_40 = tpu.memref_slice %arg7[%add3A_13, %dma_wait3A_39] : memref<10240x16xf32, #tpu.memory_space<vmem_shared>> -> memref<128x16xf32, #tpu.memory_space<vmem_shared>>
      %dma_wait3A_41 = arith.constant 0 : i32
      %dma_wait3A_42 = tpu.memref_slice %arg7[%add3A_13, %dma_wait3A_41] : memref<10240x16xf32, #tpu.memory_space<vmem_shared>> -> memref<128x16xf32, #tpu.memory_space<vmem_shared>>
      %dma_wait3A_43 = arith.constant 0 : i32
      %dma_wait3A_44 = arith.constant 0 : i32
      %dma_wait3A_45 = tpu.memref_slice %arg6[%dma_wait3A_43, %dma_wait3A_44] : memref<128x16xf32, #tpu.memory_space<vmem>> -> memref<128x16xf32, #tpu.memory_space<vmem>>
      tpu.wait_dma2 semaphore(%run_scoped3A : memref<!tpu.dma_semaphore, #tpu.memory_space<semaphore_mem>>) src(%dma_wait3A_45 : memref<128x16xf32, #tpu.memory_space<vmem>>) dst(%dma_wait3A_42 : memref<128x16xf32, #tpu.memory_space<vmem_shared>>)
      tpu.yield
    }) : () -> ()
    %add3A_14 = arith.constant 256 : i32
    %add3A_15 = arith.addi %mul3A_9, %add3A_14 : i32
    "tpu.region"() ({
      %run_scoped3A = tpu.sem_alloc : memref<!tpu.dma_semaphore, #tpu.memory_space<semaphore_mem>>
      %dma_start3A = arith.constant 0 : i32
      %dma_start3A_28 = arith.constant 0 : i32
      %dma_start3A_29 = tpu.memref_slice %arg6[%dma_start3A, %dma_start3A_28] : memref<128x16xf32, #tpu.memory_space<vmem>> -> memref<128x16xf32, #tpu.memory_space<vmem>>
      %dma_start3A_30 = arith.constant 0 : i32
      %dma_start3A_31 = tpu.memref_slice %arg7[%add3A_15, %dma_start3A_30] : memref<10240x16xf32, #tpu.memory_space<vmem_shared>> -> memref<128x16xf32, #tpu.memory_space<vmem_shared>>
      %dma_start3A_32 = arith.constant 0 : i32
      %dma_start3A_33 = tpu.memref_slice %arg7[%add3A_15, %dma_start3A_32] : memref<10240x16xf32, #tpu.memory_space<vmem_shared>> -> memref<128x16xf32, #tpu.memory_space<vmem_shared>>
      %dma_start3A_34 = arith.constant 0 : i32
      %dma_start3A_35 = arith.constant 0 : i32
      %dma_start3A_36 = tpu.memref_slice %arg6[%dma_start3A_34, %dma_start3A_35] : memref<128x16xf32, #tpu.memory_space<vmem>> -> memref<128x16xf32, #tpu.memory_space<vmem>>
      tpu.enqueue_dma source(%dma_start3A_36 : memref<128x16xf32, #tpu.memory_space<vmem>>) target(%dma_start3A_33 : memref<128x16xf32, #tpu.memory_space<vmem_shared>>) target_semaphore(%run_scoped3A : memref<!tpu.dma_semaphore, #tpu.memory_space<semaphore_mem>>)
      %dma_wait3A = arith.constant 0 : i32
      %dma_wait3A_37 = arith.constant 0 : i32
      %dma_wait3A_38 = tpu.memref_slice %arg6[%dma_wait3A, %dma_wait3A_37] : memref<128x16xf32, #tpu.memory_space<vmem>> -> memref<128x16xf32, #tpu.memory_space<vmem>>
      %dma_wait3A_39 = arith.constant 0 : i32
      %dma_wait3A_40 = tpu.memref_slice %arg7[%add3A_15, %dma_wait3A_39] : memref<10240x16xf32, #tpu.memory_space<vmem_shared>> -> memref<128x16xf32, #tpu.memory_space<vmem_shared>>
      %dma_wait3A_41 = arith.constant 0 : i32
      %dma_wait3A_42 = tpu.memref_slice %arg7[%add3A_15, %dma_wait3A_41] : memref<10240x16xf32, #tpu.memory_space<vmem_shared>> -> memref<128x16xf32, #tpu.memory_space<vmem_shared>>
      %dma_wait3A_43 = arith.constant 0 : i32
      %dma_wait3A_44 = arith.constant 0 : i32
      %dma_wait3A_45 = tpu.memref_slice %arg6[%dma_wait3A_43, %dma_wait3A_44] : memref<128x16xf32, #tpu.memory_space<vmem>> -> memref<128x16xf32, #tpu.memory_space<vmem>>
      tpu.wait_dma2 semaphore(%run_scoped3A : memref<!tpu.dma_semaphore, #tpu.memory_space<semaphore_mem>>) src(%dma_wait3A_45 : memref<128x16xf32, #tpu.memory_space<vmem>>) dst(%dma_wait3A_42 : memref<128x16xf32, #tpu.memory_space<vmem_shared>>)
      tpu.yield
    }) : () -> ()
    %add3A_16 = arith.constant 384 : i32
    %add3A_17 = arith.addi %mul3A_9, %add3A_16 : i32
    "tpu.region"() ({
      %run_scoped3A = tpu.sem_alloc : memref<!tpu.dma_semaphore, #tpu.memory_space<semaphore_mem>>
      %dma_start3A = arith.constant 0 : i32
      %dma_start3A_28 = arith.constant 0 : i32
      %dma_start3A_29 = tpu.memref_slice %arg6[%dma_start3A, %dma_start3A_28] : memref<128x16xf32, #tpu.memory_space<vmem>> -> memref<128x16xf32, #tpu.memory_space<vmem>>
      %dma_start3A_30 = arith.constant 0 : i32
      %dma_start3A_31 = tpu.memref_slice %arg7[%add3A_17, %dma_start3A_30] : memref<10240x16xf32, #tpu.memory_space<vmem_shared>> -> memref<128x16xf32, #tpu.memory_space<vmem_shared>>
      %dma_start3A_32 = arith.constant 0 : i32
      %dma_start3A_33 = tpu.memref_slice %arg7[%add3A_17, %dma_start3A_32] : memref<10240x16xf32, #tpu.memory_space<vmem_shared>> -> memref<128x16xf32, #tpu.memory_space<vmem_shared>>
      %dma_start3A_34 = arith.constant 0 : i32
      %dma_start3A_35 = arith.constant 0 : i32
      %dma_start3A_36 = tpu.memref_slice %arg6[%dma_start3A_34, %dma_start3A_35] : memref<128x16xf32, #tpu.memory_space<vmem>> -> memref<128x16xf32, #tpu.memory_space<vmem>>
      tpu.enqueue_dma source(%dma_start3A_36 : memref<128x16xf32, #tpu.memory_space<vmem>>) target(%dma_start3A_33 : memref<128x16xf32, #tpu.memory_space<vmem_shared>>) target_semaphore(%run_scoped3A : memref<!tpu.dma_semaphore, #tpu.memory_space<semaphore_mem>>)
      %dma_wait3A = arith.constant 0 : i32
      %dma_wait3A_37 = arith.constant 0 : i32
      %dma_wait3A_38 = tpu.memref_slice %arg6[%dma_wait3A, %dma_wait3A_37] : memref<128x16xf32, #tpu.memory_space<vmem>> -> memref<128x16xf32, #tpu.memory_space<vmem>>
      %dma_wait3A_39 = arith.constant 0 : i32
      %dma_wait3A_40 = tpu.memref_slice %arg7[%add3A_17, %dma_wait3A_39] : memref<10240x16xf32, #tpu.memory_space<vmem_shared>> -> memref<128x16xf32, #tpu.memory_space<vmem_shared>>
      %dma_wait3A_41 = arith.constant 0 : i32
      %dma_wait3A_42 = tpu.memref_slice %arg7[%add3A_17, %dma_wait3A_41] : memref<10240x16xf32, #tpu.memory_space<vmem_shared>> -> memref<128x16xf32, #tpu.memory_space<vmem_shared>>
      %dma_wait3A_43 = arith.constant 0 : i32
      %dma_wait3A_44 = arith.constant 0 : i32
      %dma_wait3A_45 = tpu.memref_slice %arg6[%dma_wait3A_43, %dma_wait3A_44] : memref<128x16xf32, #tpu.memory_space<vmem>> -> memref<128x16xf32, #tpu.memory_space<vmem>>
      tpu.wait_dma2 semaphore(%run_scoped3A : memref<!tpu.dma_semaphore, #tpu.memory_space<semaphore_mem>>) src(%dma_wait3A_45 : memref<128x16xf32, #tpu.memory_space<vmem>>) dst(%dma_wait3A_42 : memref<128x16xf32, #tpu.memory_space<vmem_shared>>)
      tpu.yield
    }) : () -> ()
    %add3A_18 = arith.constant 512 : i32
    %add3A_19 = arith.addi %mul3A_9, %add3A_18 : i32
    "tpu.region"() ({
      %run_scoped3A = tpu.sem_alloc : memref<!tpu.dma_semaphore, #tpu.memory_space<semaphore_mem>>
      %dma_start3A = arith.constant 0 : i32
      %dma_start3A_28 = arith.constant 0 : i32
      %dma_start3A_29 = tpu.memref_slice %arg6[%dma_start3A, %dma_start3A_28] : memref<128x16xf32, #tpu.memory_space<vmem>> -> memref<128x16xf32, #tpu.memory_space<vmem>>
      %dma_start3A_30 = arith.constant 0 : i32
      %dma_start3A_31 = tpu.memref_slice %arg7[%add3A_19, %dma_start3A_30] : memref<10240x16xf32, #tpu.memory_space<vmem_shared>> -> memref<128x16xf32, #tpu.memory_space<vmem_shared>>
      %dma_start3A_32 = arith.constant 0 : i32
      %dma_start3A_33 = tpu.memref_slice %arg7[%add3A_19, %dma_start3A_32] : memref<10240x16xf32, #tpu.memory_space<vmem_shared>> -> memref<128x16xf32, #tpu.memory_space<vmem_shared>>
      %dma_start3A_34 = arith.constant 0 : i32
      %dma_start3A_35 = arith.constant 0 : i32
      %dma_start3A_36 = tpu.memref_slice %arg6[%dma_start3A_34, %dma_start3A_35] : memref<128x16xf32, #tpu.memory_space<vmem>> -> memref<128x16xf32, #tpu.memory_space<vmem>>
      tpu.enqueue_dma source(%dma_start3A_36 : memref<128x16xf32, #tpu.memory_space<vmem>>) target(%dma_start3A_33 : memref<128x16xf32, #tpu.memory_space<vmem_shared>>) target_semaphore(%run_scoped3A : memref<!tpu.dma_semaphore, #tpu.memory_space<semaphore_mem>>)
      %dma_wait3A = arith.constant 0 : i32
      %dma_wait3A_37 = arith.constant 0 : i32
      %dma_wait3A_38 = tpu.memref_slice %arg6[%dma_wait3A, %dma_wait3A_37] : memref<128x16xf32, #tpu.memory_space<vmem>> -> memref<128x16xf32, #tpu.memory_space<vmem>>
      %dma_wait3A_39 = arith.constant 0 : i32
      %dma_wait3A_40 = tpu.memref_slice %arg7[%add3A_19, %dma_wait3A_39] : memref<10240x16xf32, #tpu.memory_space<vmem_shared>> -> memref<128x16xf32, #tpu.memory_space<vmem_shared>>
      %dma_wait3A_41 = arith.constant 0 : i32
      %dma_wait3A_42 = tpu.memref_slice %arg7[%add3A_19, %dma_wait3A_41] : memref<10240x16xf32, #tpu.memory_space<vmem_shared>> -> memref<128x16xf32, #tpu.memory_space<vmem_shared>>
      %dma_wait3A_43 = arith.constant 0 : i32
      %dma_wait3A_44 = arith.constant 0 : i32
      %dma_wait3A_45 = tpu.memref_slice %arg6[%dma_wait3A_43, %dma_wait3A_44] : memref<128x16xf32, #tpu.memory_space<vmem>> -> memref<128x16xf32, #tpu.memory_space<vmem>>
      tpu.wait_dma2 semaphore(%run_scoped3A : memref<!tpu.dma_semaphore, #tpu.memory_space<semaphore_mem>>) src(%dma_wait3A_45 : memref<128x16xf32, #tpu.memory_space<vmem>>) dst(%dma_wait3A_42 : memref<128x16xf32, #tpu.memory_space<vmem_shared>>)
      tpu.yield
    }) : () -> ()
    %barrier3A = arith.constant 0 : index
    tpu.barrier barrier_id(%barrier3A)
    %scan3A_20 = arith.constant 0 : i32
    %scan3A_21 = arith.constant 10 : i32
    %scan3A_22 = arith.addi %scan3A_20, %scan3A_21 : i32
    %scan3A_23 = arith.constant 1 : i32
    scf.for %scan3A_28 = %scan3A_20 to %scan3A_22 step %scan3A_23  : i32 {
      %mul3A_29 = arith.constant 8 : i32
      %mul3A_30 = arith.muli %scan3A_28, %mul3A_29 : i32
      %add3A_31 = arith.constant 0 : i32
      %add3A_32 = arith.addi %mul3A_30, %add3A_31 : i32
      %dma_start3A = arith.constant 0 : i32
      %dma_start3A_33 = tpu.memref_slice %arg4[%add3A_32, %dma_start3A] : memref<80x128xi32, #tpu.memory_space<vmem>> -> memref<1x128xi32, #tpu.memory_space<vmem>>
      %dma_start3A_34 = tpu.memref_squeeze %dma_start3A_33 : memref<1x128xi32, #tpu.memory_space<vmem>> -> memref<128xi32, #tpu.memory_space<vmem>>
      %dma_start3A_35 = arith.constant 0 : i32
      %dma_start3A_36 = arith.constant 0 : i32
      %dma_start3A_37 = tpu.memref_slice %arg7[%dma_start3A_35, %dma_start3A_36] : memref<10240x16xf32, #tpu.memory_space<vmem_shared>> -> memref<10240x16xf32, #tpu.memory_space<vmem_shared>>
      tpu.enqueue_indirect_dma source(%arg5 : memref<128x16xf32, #tpu.memory_space<vmem>>) target(%dma_start3A_37 : memref<10240x16xf32, #tpu.memory_space<vmem_shared>>) offsets(%dma_start3A_34 : memref<128xi32, #tpu.memory_space<vmem>>) semaphore(%arg8 : memref<!tpu.dma_semaphore, #tpu.memory_space<semaphore_mem>>) {add = true}
      %mul3A_38 = arith.constant 8 : i32
      %mul3A_39 = arith.muli %scan3A_28, %mul3A_38 : i32
      %add3A_40 = arith.constant 1 : i32
      %add3A_41 = arith.addi %mul3A_39, %add3A_40 : i32
      %dma_start3A_42 = arith.constant 0 : i32
      %dma_start3A_43 = tpu.memref_slice %arg4[%add3A_41, %dma_start3A_42] : memref<80x128xi32, #tpu.memory_space<vmem>> -> memref<1x128xi32, #tpu.memory_space<vmem>>
      %dma_start3A_44 = tpu.memref_squeeze %dma_start3A_43 : memref<1x128xi32, #tpu.memory_space<vmem>> -> memref<128xi32, #tpu.memory_space<vmem>>
      %dma_start3A_45 = arith.constant 0 : i32
      %dma_start3A_46 = arith.constant 0 : i32
      %dma_start3A_47 = tpu.memref_slice %arg7[%dma_start3A_45, %dma_start3A_46] : memref<10240x16xf32, #tpu.memory_space<vmem_shared>> -> memref<10240x16xf32, #tpu.memory_space<vmem_shared>>
      tpu.enqueue_indirect_dma source(%arg5 : memref<128x16xf32, #tpu.memory_space<vmem>>) target(%dma_start3A_47 : memref<10240x16xf32, #tpu.memory_space<vmem_shared>>) offsets(%dma_start3A_44 : memref<128xi32, #tpu.memory_space<vmem>>) semaphore(%arg8 : memref<!tpu.dma_semaphore, #tpu.memory_space<semaphore_mem>>) {add = true}
      %mul3A_48 = arith.constant 8 : i32
      %mul3A_49 = arith.muli %scan3A_28, %mul3A_48 : i32
      %add3A_50 = arith.constant 2 : i32
      %add3A_51 = arith.addi %mul3A_49, %add3A_50 : i32
      %dma_start3A_52 = arith.constant 0 : i32
      %dma_start3A_53 = tpu.memref_slice %arg4[%add3A_51, %dma_start3A_52] : memref<80x128xi32, #tpu.memory_space<vmem>> -> memref<1x128xi32, #tpu.memory_space<vmem>>
      %dma_start3A_54 = tpu.memref_squeeze %dma_start3A_53 : memref<1x128xi32, #tpu.memory_space<vmem>> -> memref<128xi32, #tpu.memory_space<vmem>>
      %dma_start3A_55 = arith.constant 0 : i32
      %dma_start3A_56 = arith.constant 0 : i32
      %dma_start3A_57 = tpu.memref_slice %arg7[%dma_start3A_55, %dma_start3A_56] : memref<10240x16xf32, #tpu.memory_space<vmem_shared>> -> memref<10240x16xf32, #tpu.memory_space<vmem_shared>>
      tpu.enqueue_indirect_dma source(%arg5 : memref<128x16xf32, #tpu.memory_space<vmem>>) target(%dma_start3A_57 : memref<10240x16xf32, #tpu.memory_space<vmem_shared>>) offsets(%dma_start3A_54 : memref<128xi32, #tpu.memory_space<vmem>>) semaphore(%arg8 : memref<!tpu.dma_semaphore, #tpu.memory_space<semaphore_mem>>) {add = true}
      %mul3A_58 = arith.constant 8 : i32
      %mul3A_59 = arith.muli %scan3A_28, %mul3A_58 : i32
      %add3A_60 = arith.constant 3 : i32
      %add3A_61 = arith.addi %mul3A_59, %add3A_60 : i32
      %dma_start3A_62 = arith.constant 0 : i32
      %dma_start3A_63 = tpu.memref_slice %arg4[%add3A_61, %dma_start3A_62] : memref<80x128xi32, #tpu.memory_space<vmem>> -> memref<1x128xi32, #tpu.memory_space<vmem>>
      %dma_start3A_64 = tpu.memref_squeeze %dma_start3A_63 : memref<1x128xi32, #tpu.memory_space<vmem>> -> memref<128xi32, #tpu.memory_space<vmem>>
      %dma_start3A_65 = arith.constant 0 : i32
      %dma_start3A_66 = arith.constant 0 : i32
      %dma_start3A_67 = tpu.memref_slice %arg7[%dma_start3A_65, %dma_start3A_66] : memref<10240x16xf32, #tpu.memory_space<vmem_shared>> -> memref<10240x16xf32, #tpu.memory_space<vmem_shared>>
      tpu.enqueue_indirect_dma source(%arg5 : memref<128x16xf32, #tpu.memory_space<vmem>>) target(%dma_start3A_67 : memref<10240x16xf32, #tpu.memory_space<vmem_shared>>) offsets(%dma_start3A_64 : memref<128xi32, #tpu.memory_space<vmem>>) semaphore(%arg8 : memref<!tpu.dma_semaphore, #tpu.memory_space<semaphore_mem>>) {add = true}
      %mul3A_68 = arith.constant 8 : i32
      %mul3A_69 = arith.muli %scan3A_28, %mul3A_68 : i32
      %add3A_70 = arith.constant 4 : i32
      %add3A_71 = arith.addi %mul3A_69, %add3A_70 : i32
      %dma_start3A_72 = arith.constant 0 : i32
      %dma_start3A_73 = tpu.memref_slice %arg4[%add3A_71, %dma_start3A_72] : memref<80x128xi32, #tpu.memory_space<vmem>> -> memref<1x128xi32, #tpu.memory_space<vmem>>
      %dma_start3A_74 = tpu.memref_squeeze %dma_start3A_73 : memref<1x128xi32, #tpu.memory_space<vmem>> -> memref<128xi32, #tpu.memory_space<vmem>>
      %dma_start3A_75 = arith.constant 0 : i32
      %dma_start3A_76 = arith.constant 0 : i32
      %dma_start3A_77 = tpu.memref_slice %arg7[%dma_start3A_75, %dma_start3A_76] : memref<10240x16xf32, #tpu.memory_space<vmem_shared>> -> memref<10240x16xf32, #tpu.memory_space<vmem_shared>>
      tpu.enqueue_indirect_dma source(%arg5 : memref<128x16xf32, #tpu.memory_space<vmem>>) target(%dma_start3A_77 : memref<10240x16xf32, #tpu.memory_space<vmem_shared>>) offsets(%dma_start3A_74 : memref<128xi32, #tpu.memory_space<vmem>>) semaphore(%arg8 : memref<!tpu.dma_semaphore, #tpu.memory_space<semaphore_mem>>) {add = true}
      %mul3A_78 = arith.constant 8 : i32
      %mul3A_79 = arith.muli %scan3A_28, %mul3A_78 : i32
      %add3A_80 = arith.constant 5 : i32
      %add3A_81 = arith.addi %mul3A_79, %add3A_80 : i32
      %dma_start3A_82 = arith.constant 0 : i32
      %dma_start3A_83 = tpu.memref_slice %arg4[%add3A_81, %dma_start3A_82] : memref<80x128xi32, #tpu.memory_space<vmem>> -> memref<1x128xi32, #tpu.memory_space<vmem>>
      %dma_start3A_84 = tpu.memref_squeeze %dma_start3A_83 : memref<1x128xi32, #tpu.memory_space<vmem>> -> memref<128xi32, #tpu.memory_space<vmem>>
      %dma_start3A_85 = arith.constant 0 : i32
      %dma_start3A_86 = arith.constant 0 : i32
      %dma_start3A_87 = tpu.memref_slice %arg7[%dma_start3A_85, %dma_start3A_86] : memref<10240x16xf32, #tpu.memory_space<vmem_shared>> -> memref<10240x16xf32, #tpu.memory_space<vmem_shared>>
      tpu.enqueue_indirect_dma source(%arg5 : memref<128x16xf32, #tpu.memory_space<vmem>>) target(%dma_start3A_87 : memref<10240x16xf32, #tpu.memory_space<vmem_shared>>) offsets(%dma_start3A_84 : memref<128xi32, #tpu.memory_space<vmem>>) semaphore(%arg8 : memref<!tpu.dma_semaphore, #tpu.memory_space<semaphore_mem>>) {add = true}
      %mul3A_88 = arith.constant 8 : i32
      %mul3A_89 = arith.muli %scan3A_28, %mul3A_88 : i32
      %add3A_90 = arith.constant 6 : i32
      %add3A_91 = arith.addi %mul3A_89, %add3A_90 : i32
      %dma_start3A_92 = arith.constant 0 : i32
      %dma_start3A_93 = tpu.memref_slice %arg4[%add3A_91, %dma_start3A_92] : memref<80x128xi32, #tpu.memory_space<vmem>> -> memref<1x128xi32, #tpu.memory_space<vmem>>
      %dma_start3A_94 = tpu.memref_squeeze %dma_start3A_93 : memref<1x128xi32, #tpu.memory_space<vmem>> -> memref<128xi32, #tpu.memory_space<vmem>>
      %dma_start3A_95 = arith.constant 0 : i32
      %dma_start3A_96 = arith.constant 0 : i32
      %dma_start3A_97 = tpu.memref_slice %arg7[%dma_start3A_95, %dma_start3A_96] : memref<10240x16xf32, #tpu.memory_space<vmem_shared>> -> memref<10240x16xf32, #tpu.memory_space<vmem_shared>>
      tpu.enqueue_indirect_dma source(%arg5 : memref<128x16xf32, #tpu.memory_space<vmem>>) target(%dma_start3A_97 : memref<10240x16xf32, #tpu.memory_space<vmem_shared>>) offsets(%dma_start3A_94 : memref<128xi32, #tpu.memory_space<vmem>>) semaphore(%arg8 : memref<!tpu.dma_semaphore, #tpu.memory_space<semaphore_mem>>) {add = true}
      %mul3A_98 = arith.constant 8 : i32
      %mul3A_99 = arith.muli %scan3A_28, %mul3A_98 : i32
      %add3A_100 = arith.constant 7 : i32
      %add3A_101 = arith.addi %mul3A_99, %add3A_100 : i32
      %dma_start3A_102 = arith.constant 0 : i32
      %dma_start3A_103 = tpu.memref_slice %arg4[%add3A_101, %dma_start3A_102] : memref<80x128xi32, #tpu.memory_space<vmem>> -> memref<1x128xi32, #tpu.memory_space<vmem>>
      %dma_start3A_104 = tpu.memref_squeeze %dma_start3A_103 : memref<1x128xi32, #tpu.memory_space<vmem>> -> memref<128xi32, #tpu.memory_space<vmem>>
      %dma_start3A_105 = arith.constant 0 : i32
      %dma_start3A_106 = arith.constant 0 : i32
      %dma_start3A_107 = tpu.memref_slice %arg7[%dma_start3A_105, %dma_start3A_106] : memref<10240x16xf32, #tpu.memory_space<vmem_shared>> -> memref<10240x16xf32, #tpu.memory_space<vmem_shared>>
      tpu.enqueue_indirect_dma source(%arg5 : memref<128x16xf32, #tpu.memory_space<vmem>>) target(%dma_start3A_107 : memref<10240x16xf32, #tpu.memory_space<vmem_shared>>) offsets(%dma_start3A_104 : memref<128xi32, #tpu.memory_space<vmem>>) semaphore(%arg8 : memref<!tpu.dma_semaphore, #tpu.memory_space<semaphore_mem>>) {add = true}
      %dma_wait3A = arith.constant 0 : i32
      %dma_wait3A_108 = arith.constant 0 : i32
      %dma_wait3A_109 = tpu.memref_slice %arg4[%dma_wait3A, %dma_wait3A_108] : memref<80x128xi32, #tpu.memory_space<vmem>> -> memref<1x128xi32, #tpu.memory_space<vmem>>
      %dma_wait3A_110 = tpu.memref_squeeze %dma_wait3A_109 : memref<1x128xi32, #tpu.memory_space<vmem>> -> memref<128xi32, #tpu.memory_space<vmem>>
      %dma_wait3A_111 = arith.constant 0 : i32
      %dma_wait3A_112 = arith.constant 0 : i32
      %dma_wait3A_113 = tpu.memref_slice %arg7[%dma_wait3A_111, %dma_wait3A_112] : memref<10240x16xf32, #tpu.memory_space<vmem_shared>> -> memref<10240x16xf32, #tpu.memory_space<vmem_shared>>
      tpu.wait_indirect_dma semaphore(%arg8 : memref<!tpu.dma_semaphore, #tpu.memory_space<semaphore_mem>>) src(%arg5 : memref<128x16xf32, #tpu.memory_space<vmem>>) dst(%dma_wait3A_113 : memref<10240x16xf32, #tpu.memory_space<vmem_shared>>)
      %dma_wait3A_114 = arith.constant 0 : i32
      %dma_wait3A_115 = arith.constant 0 : i32
      %dma_wait3A_116 = tpu.memref_slice %arg4[%dma_wait3A_114, %dma_wait3A_115] : memref<80x128xi32, #tpu.memory_space<vmem>> -> memref<1x128xi32, #tpu.memory_space<vmem>>
      %dma_wait3A_117 = tpu.memref_squeeze %dma_wait3A_116 : memref<1x128xi32, #tpu.memory_space<vmem>> -> memref<128xi32, #tpu.memory_space<vmem>>
      %dma_wait3A_118 = arith.constant 0 : i32
      %dma_wait3A_119 = arith.constant 0 : i32
      %dma_wait3A_120 = tpu.memref_slice %arg7[%dma_wait3A_118, %dma_wait3A_119] : memref<10240x16xf32, #tpu.memory_space<vmem_shared>> -> memref<10240x16xf32, #tpu.memory_space<vmem_shared>>
      tpu.wait_indirect_dma semaphore(%arg8 : memref<!tpu.dma_semaphore, #tpu.memory_space<semaphore_mem>>) src(%arg5 : memref<128x16xf32, #tpu.memory_space<vmem>>) dst(%dma_wait3A_120 : memref<10240x16xf32, #tpu.memory_space<vmem_shared>>)
      %dma_wait3A_121 = arith.constant 0 : i32
      %dma_wait3A_122 = arith.constant 0 : i32
      %dma_wait3A_123 = tpu.memref_slice %arg4[%dma_wait3A_121, %dma_wait3A_122] : memref<80x128xi32, #tpu.memory_space<vmem>> -> memref<1x128xi32, #tpu.memory_space<vmem>>
      %dma_wait3A_124 = tpu.memref_squeeze %dma_wait3A_123 : memref<1x128xi32, #tpu.memory_space<vmem>> -> memref<128xi32, #tpu.memory_space<vmem>>
      %dma_wait3A_125 = arith.constant 0 : i32
      %dma_wait3A_126 = arith.constant 0 : i32
      %dma_wait3A_127 = tpu.memref_slice %arg7[%dma_wait3A_125, %dma_wait3A_126] : memref<10240x16xf32, #tpu.memory_space<vmem_shared>> -> memref<10240x16xf32, #tpu.memory_space<vmem_shared>>
      tpu.wait_indirect_dma semaphore(%arg8 : memref<!tpu.dma_semaphore, #tpu.memory_space<semaphore_mem>>) src(%arg5 : memref<128x16xf32, #tpu.memory_space<vmem>>) dst(%dma_wait3A_127 : memref<10240x16xf32, #tpu.memory_space<vmem_shared>>)
      %dma_wait3A_128 = arith.constant 0 : i32
      %dma_wait3A_129 = arith.constant 0 : i32
      %dma_wait3A_130 = tpu.memref_slice %arg4[%dma_wait3A_128, %dma_wait3A_129] : memref<80x128xi32, #tpu.memory_space<vmem>> -> memref<1x128xi32, #tpu.memory_space<vmem>>
      %dma_wait3A_131 = tpu.memref_squeeze %dma_wait3A_130 : memref<1x128xi32, #tpu.memory_space<vmem>> -> memref<128xi32, #tpu.memory_space<vmem>>
      %dma_wait3A_132 = arith.constant 0 : i32
      %dma_wait3A_133 = arith.constant 0 : i32
      %dma_wait3A_134 = tpu.memref_slice %arg7[%dma_wait3A_132, %dma_wait3A_133] : memref<10240x16xf32, #tpu.memory_space<vmem_shared>> -> memref<10240x16xf32, #tpu.memory_space<vmem_shared>>
      tpu.wait_indirect_dma semaphore(%arg8 : memref<!tpu.dma_semaphore, #tpu.memory_space<semaphore_mem>>) src(%arg5 : memref<128x16xf32, #tpu.memory_space<vmem>>) dst(%dma_wait3A_134 : memref<10240x16xf32, #tpu.memory_space<vmem_shared>>)
      %dma_wait3A_135 = arith.constant 0 : i32
      %dma_wait3A_136 = arith.constant 0 : i32
      %dma_wait3A_137 = tpu.memref_slice %arg4[%dma_wait3A_135, %dma_wait3A_136] : memref<80x128xi32, #tpu.memory_space<vmem>> -> memref<1x128xi32, #tpu.memory_space<vmem>>
      %dma_wait3A_138 = tpu.memref_squeeze %dma_wait3A_137 : memref<1x128xi32, #tpu.memory_space<vmem>> -> memref<128xi32, #tpu.memory_space<vmem>>
      %dma_wait3A_139 = arith.constant 0 : i32
      %dma_wait3A_140 = arith.constant 0 : i32
      %dma_wait3A_141 = tpu.memref_slice %arg7[%dma_wait3A_139, %dma_wait3A_140] : memref<10240x16xf32, #tpu.memory_space<vmem_shared>> -> memref<10240x16xf32, #tpu.memory_space<vmem_shared>>
      tpu.wait_indirect_dma semaphore(%arg8 : memref<!tpu.dma_semaphore, #tpu.memory_space<semaphore_mem>>) src(%arg5 : memref<128x16xf32, #tpu.memory_space<vmem>>) dst(%dma_wait3A_141 : memref<10240x16xf32, #tpu.memory_space<vmem_shared>>)
      %dma_wait3A_142 = arith.constant 0 : i32
      %dma_wait3A_143 = arith.constant 0 : i32
      %dma_wait3A_144 = tpu.memref_slice %arg4[%dma_wait3A_142, %dma_wait3A_143] : memref<80x128xi32, #tpu.memory_space<vmem>> -> memref<1x128xi32, #tpu.memory_space<vmem>>
      %dma_wait3A_145 = tpu.memref_squeeze %dma_wait3A_144 : memref<1x128xi32, #tpu.memory_space<vmem>> -> memref<128xi32, #tpu.memory_space<vmem>>
      %dma_wait3A_146 = arith.constant 0 : i32
      %dma_wait3A_147 = arith.constant 0 : i32
      %dma_wait3A_148 = tpu.memref_slice %arg7[%dma_wait3A_146, %dma_wait3A_147] : memref<10240x16xf32, #tpu.memory_space<vmem_shared>> -> memref<10240x16xf32, #tpu.memory_space<vmem_shared>>
      tpu.wait_indirect_dma semaphore(%arg8 : memref<!tpu.dma_semaphore, #tpu.memory_space<semaphore_mem>>) src(%arg5 : memref<128x16xf32, #tpu.memory_space<vmem>>) dst(%dma_wait3A_148 : memref<10240x16xf32, #tpu.memory_space<vmem_shared>>)
      %dma_wait3A_149 = arith.constant 0 : i32
      %dma_wait3A_150 = arith.constant 0 : i32
      %dma_wait3A_151 = tpu.memref_slice %arg4[%dma_wait3A_149, %dma_wait3A_150] : memref<80x128xi32, #tpu.memory_space<vmem>> -> memref<1x128xi32, #tpu.memory_space<vmem>>
      %dma_wait3A_152 = tpu.memref_squeeze %dma_wait3A_151 : memref<1x128xi32, #tpu.memory_space<vmem>> -> memref<128xi32, #tpu.memory_space<vmem>>
      %dma_wait3A_153 = arith.constant 0 : i32
      %dma_wait3A_154 = arith.constant 0 : i32
      %dma_wait3A_155 = tpu.memref_slice %arg7[%dma_wait3A_153, %dma_wait3A_154] : memref<10240x16xf32, #tpu.memory_space<vmem_shared>> -> memref<10240x16xf32, #tpu.memory_space<vmem_shared>>
      tpu.wait_indirect_dma semaphore(%arg8 : memref<!tpu.dma_semaphore, #tpu.memory_space<semaphore_mem>>) src(%arg5 : memref<128x16xf32, #tpu.memory_space<vmem>>) dst(%dma_wait3A_155 : memref<10240x16xf32, #tpu.memory_space<vmem_shared>>)
      %dma_wait3A_156 = arith.constant 0 : i32
      %dma_wait3A_157 = arith.constant 0 : i32
      %dma_wait3A_158 = tpu.memref_slice %arg4[%dma_wait3A_156, %dma_wait3A_157] : memref<80x128xi32, #tpu.memory_space<vmem>> -> memref<1x128xi32, #tpu.memory_space<vmem>>
      %dma_wait3A_159 = tpu.memref_squeeze %dma_wait3A_158 : memref<1x128xi32, #tpu.memory_space<vmem>> -> memref<128xi32, #tpu.memory_space<vmem>>
      %dma_wait3A_160 = arith.constant 0 : i32
      %dma_wait3A_161 = arith.constant 0 : i32
      %dma_wait3A_162 = tpu.memref_slice %arg7[%dma_wait3A_160, %dma_wait3A_161] : memref<10240x16xf32, #tpu.memory_space<vmem_shared>> -> memref<10240x16xf32, #tpu.memory_space<vmem_shared>>
      tpu.wait_indirect_dma semaphore(%arg8 : memref<!tpu.dma_semaphore, #tpu.memory_space<semaphore_mem>>) src(%arg5 : memref<128x16xf32, #tpu.memory_space<vmem>>) dst(%dma_wait3A_162 : memref<10240x16xf32, #tpu.memory_space<vmem_shared>>)
    }
    %scan3A_24 = arith.constant 10 : i32
    %barrier3A_25 = arith.constant 0 : index
    tpu.barrier barrier_id(%barrier3A_25)
    %mul3A_26 = arith.constant 632 : i32
    %mul3A_27 = arith.muli %arg1, %mul3A_26 : i32
    "tpu.region"() ({
      %run_scoped3A = tpu.sem_alloc : memref<!tpu.dma_semaphore, #tpu.memory_space<semaphore_mem>>
      %dma_start3A = arith.constant 0 : i32
      %dma_start3A_28 = tpu.memref_slice %arg3[%arg0, %mul3A_27, %dma_start3A] : memref<2x10112x16xf32, #tpu.memory_space<hbm>> -> memref<1x632x16xf32, #tpu.memory_space<hbm>>
      %dma_start3A_29 = tpu.memref_squeeze %dma_start3A_28 : memref<1x632x16xf32, #tpu.memory_space<hbm>> -> memref<632x16xf32, #tpu.memory_space<hbm>>
      %dma_start3A_30 = arith.constant 0 : i32
      %dma_start3A_31 = tpu.memref_slice %arg7[%mul3A_27, %dma_start3A_30] : memref<10240x16xf32, #tpu.memory_space<vmem_shared>> -> memref<632x16xf32, #tpu.memory_space<vmem_shared>>
      tpu.enqueue_dma source(%dma_start3A_31 : memref<632x16xf32, #tpu.memory_space<vmem_shared>>) target(%dma_start3A_29 : memref<632x16xf32, #tpu.memory_space<hbm>>) target_semaphore(%run_scoped3A : memref<!tpu.dma_semaphore, #tpu.memory_space<semaphore_mem>>)
      %dma_wait3A = arith.constant 0 : i32
      %dma_wait3A_32 = tpu.memref_slice %arg3[%arg0, %mul3A_27, %dma_wait3A] : memref<2x10112x16xf32, #tpu.memory_space<hbm>> -> memref<1x632x16xf32, #tpu.memory_space<hbm>>
      %dma_wait3A_33 = tpu.memref_squeeze %dma_wait3A_32 : memref<1x632x16xf32, #tpu.memory_space<hbm>> -> memref<632x16xf32, #tpu.memory_space<hbm>>
      %dma_wait3A_34 = arith.constant 0 : i32
      %dma_wait3A_35 = tpu.memref_slice %arg7[%mul3A_27, %dma_wait3A_34] : memref<10240x16xf32, #tpu.memory_space<vmem_shared>> -> memref<632x16xf32, #tpu.memory_space<vmem_shared>>
      tpu.wait_dma2 semaphore(%run_scoped3A : memref<!tpu.dma_semaphore, #tpu.memory_space<semaphore_mem>>) src(%dma_wait3A_35 : memref<632x16xf32, #tpu.memory_space<vmem_shared>>) dst(%dma_wait3A_33 : memref<632x16xf32, #tpu.memory_space<hbm>>)
      tpu.yield
    }) : () -> ()
    return
  }
}

#map = affine_map<(d0, d1) -> (0, 0)>
#map1 = affine_map<(d0, d1) -> (0, 0, 0)>
module attributes {stable_mosaic.version = 14 : i64} {
  func.func @agg_kernel(%arg0: i32, %arg1: i32, %arg2: memref<10000x128xf32, #tpu.memory_space<hbm>>, %arg3: memref<32x80x128xi32, #tpu.memory_space<hbm>>, %arg4: memref<32x80x128xi32, #tpu.memory_space<hbm>>, %arg5: memref<2x10112x128xf32, #tpu.memory_space<hbm>>, %arg6: memref<40x128xi32, #tpu.memory_space<vmem>>, %arg7: memref<40x128xi32, #tpu.memory_space<vmem>>, %arg8: memref<128x128xf32, #tpu.memory_space<vmem>>, %arg9: memref<128x128xf32, #tpu.memory_space<vmem>>, %arg10: memref<10240x128xf32, #tpu.memory_space<vmem_shared>>, %arg11: memref<!tpu.dma_semaphore, #tpu.memory_space<semaphore_mem>>, %arg12: memref<!tpu.dma_semaphore, #tpu.memory_space<semaphore_mem>>, %arg13: memref<!tpu.dma_semaphore, #tpu.memory_space<semaphore_mem>>, %arg14: memref<!tpu.dma_semaphore, #tpu.memory_space<semaphore_mem>>) attributes {dimension_semantics = [#tpu.dimension_semantics<core_parallel>, #tpu.dimension_semantics<subcore_parallel>], iteration_bounds = array<i64: 2, 16>, scalar_prefetch = 0 : i64, scratch_operands = 9 : i64, tpu.core_type = #tpu.core_type<sc_vector_subcore>, window_params = [{transform_indices = #map}, {transform_indices = #map1}, {transform_indices = #map1}, {transform_indices = #map1}]} {
    %mul3A = arith.constant 2 : i32
    %mul3A_0 = arith.muli %arg1, %mul3A : i32
    %add3A = arith.addi %mul3A_0, %arg0 : i32
    %broadcast_in_dim3A = arith.constant 0.000000e+00 : f32
    %broadcast_in_dim3A_1 = vector.broadcast %broadcast_in_dim3A : f32 to vector<16xf32>
    %scan3A = arith.constant 0 : i32
    %scan3A_2 = arith.constant 128 : i32
    %scan3A_3 = arith.addi %scan3A, %scan3A_2 : i32
    %scan3A_4 = arith.constant 1 : i32
    scf.for %scan3A_141 = %scan3A to %scan3A_3 step %scan3A_4  : i32 {
      %swap3A = arith.index_cast %scan3A_141 : i32 to index
      %swap3A_142 = arith.constant 0 : index
      %swap3A_143 = tpu.vector_load %arg8[%swap3A, %swap3A_142] {strides = array<i32>} : memref<128x128xf32, #tpu.memory_space<vmem>>, vector<1x16xf32>,
      %swap3A_144 = vector.shape_cast %swap3A_143 : vector<1x16xf32> to vector<16xf32>
      %swap3A_145 = vector.shape_cast %broadcast_in_dim3A_1 : vector<16xf32> to vector<1x16xf32>
      tpu.vector_store %arg8[%swap3A, %swap3A_142], %swap3A_145 {strides = array<i32>} : memref<128x128xf32, #tpu.memory_space<vmem>>, vector<1x16xf32>,
      %swap3A_146 = arith.index_cast %scan3A_141 : i32 to index
      %swap3A_147 = arith.constant 16 : index
      %swap3A_148 = tpu.vector_load %arg8[%swap3A_146, %swap3A_147] {strides = array<i32>} : memref<128x128xf32, #tpu.memory_space<vmem>>, vector<1x16xf32>,
      %swap3A_149 = vector.shape_cast %swap3A_148 : vector<1x16xf32> to vector<16xf32>
      %swap3A_150 = vector.shape_cast %broadcast_in_dim3A_1 : vector<16xf32> to vector<1x16xf32>
      tpu.vector_store %arg8[%swap3A_146, %swap3A_147], %swap3A_150 {strides = array<i32>} : memref<128x128xf32, #tpu.memory_space<vmem>>, vector<1x16xf32>,
      %swap3A_151 = arith.index_cast %scan3A_141 : i32 to index
      %swap3A_152 = arith.constant 32 : index
      %swap3A_153 = tpu.vector_load %arg8[%swap3A_151, %swap3A_152] {strides = array<i32>} : memref<128x128xf32, #tpu.memory_space<vmem>>, vector<1x16xf32>,
      %swap3A_154 = vector.shape_cast %swap3A_153 : vector<1x16xf32> to vector<16xf32>
      %swap3A_155 = vector.shape_cast %broadcast_in_dim3A_1 : vector<16xf32> to vector<1x16xf32>
      tpu.vector_store %arg8[%swap3A_151, %swap3A_152], %swap3A_155 {strides = array<i32>} : memref<128x128xf32, #tpu.memory_space<vmem>>, vector<1x16xf32>,
      %swap3A_156 = arith.index_cast %scan3A_141 : i32 to index
      %swap3A_157 = arith.constant 48 : index
      %swap3A_158 = tpu.vector_load %arg8[%swap3A_156, %swap3A_157] {strides = array<i32>} : memref<128x128xf32, #tpu.memory_space<vmem>>, vector<1x16xf32>,
      %swap3A_159 = vector.shape_cast %swap3A_158 : vector<1x16xf32> to vector<16xf32>
      %swap3A_160 = vector.shape_cast %broadcast_in_dim3A_1 : vector<16xf32> to vector<1x16xf32>
      tpu.vector_store %arg8[%swap3A_156, %swap3A_157], %swap3A_160 {strides = array<i32>} : memref<128x128xf32, #tpu.memory_space<vmem>>, vector<1x16xf32>,
      %swap3A_161 = arith.index_cast %scan3A_141 : i32 to index
      %swap3A_162 = arith.constant 64 : index
      %swap3A_163 = tpu.vector_load %arg8[%swap3A_161, %swap3A_162] {strides = array<i32>} : memref<128x128xf32, #tpu.memory_space<vmem>>, vector<1x16xf32>,
      %swap3A_164 = vector.shape_cast %swap3A_163 : vector<1x16xf32> to vector<16xf32>
      %swap3A_165 = vector.shape_cast %broadcast_in_dim3A_1 : vector<16xf32> to vector<1x16xf32>
      tpu.vector_store %arg8[%swap3A_161, %swap3A_162], %swap3A_165 {strides = array<i32>} : memref<128x128xf32, #tpu.memory_space<vmem>>, vector<1x16xf32>,
      %swap3A_166 = arith.index_cast %scan3A_141 : i32 to index
      %swap3A_167 = arith.constant 80 : index
      %swap3A_168 = tpu.vector_load %arg8[%swap3A_166, %swap3A_167] {strides = array<i32>} : memref<128x128xf32, #tpu.memory_space<vmem>>, vector<1x16xf32>,
      %swap3A_169 = vector.shape_cast %swap3A_168 : vector<1x16xf32> to vector<16xf32>
      %swap3A_170 = vector.shape_cast %broadcast_in_dim3A_1 : vector<16xf32> to vector<1x16xf32>
      tpu.vector_store %arg8[%swap3A_166, %swap3A_167], %swap3A_170 {strides = array<i32>} : memref<128x128xf32, #tpu.memory_space<vmem>>, vector<1x16xf32>,
      %swap3A_171 = arith.index_cast %scan3A_141 : i32 to index
      %swap3A_172 = arith.constant 96 : index
      %swap3A_173 = tpu.vector_load %arg8[%swap3A_171, %swap3A_172] {strides = array<i32>} : memref<128x128xf32, #tpu.memory_space<vmem>>, vector<1x16xf32>,
      %swap3A_174 = vector.shape_cast %swap3A_173 : vector<1x16xf32> to vector<16xf32>
      %swap3A_175 = vector.shape_cast %broadcast_in_dim3A_1 : vector<16xf32> to vector<1x16xf32>
      tpu.vector_store %arg8[%swap3A_171, %swap3A_172], %swap3A_175 {strides = array<i32>} : memref<128x128xf32, #tpu.memory_space<vmem>>, vector<1x16xf32>,
      %swap3A_176 = arith.index_cast %scan3A_141 : i32 to index
      %swap3A_177 = arith.constant 112 : index
      %swap3A_178 = tpu.vector_load %arg8[%swap3A_176, %swap3A_177] {strides = array<i32>} : memref<128x128xf32, #tpu.memory_space<vmem>>, vector<1x16xf32>,
      %swap3A_179 = vector.shape_cast %swap3A_178 : vector<1x16xf32> to vector<16xf32>
      %swap3A_180 = vector.shape_cast %broadcast_in_dim3A_1 : vector<16xf32> to vector<1x16xf32>
      tpu.vector_store %arg8[%swap3A_176, %swap3A_177], %swap3A_180 {strides = array<i32>} : memref<128x128xf32, #tpu.memory_space<vmem>>, vector<1x16xf32>,
    }
    %scan3A_5 = arith.constant 128 : i32
    %mul3A_6 = arith.constant 640 : i32
    %mul3A_7 = arith.muli %arg1, %mul3A_6 : i32
    %add3A_8 = arith.constant 0 : i32
    %add3A_9 = arith.addi %mul3A_7, %add3A_8 : i32
    "tpu.region"() ({
      %run_scoped3A = tpu.sem_alloc : memref<!tpu.dma_semaphore, #tpu.memory_space<semaphore_mem>>
      %dma_start3A_141 = arith.constant 0 : i32
      %dma_start3A_142 = arith.constant 0 : i32
      %dma_start3A_143 = tpu.memref_slice %arg8[%dma_start3A_141, %dma_start3A_142] : memref<128x128xf32, #tpu.memory_space<vmem>> -> memref<128x128xf32, #tpu.memory_space<vmem>>
      %dma_start3A_144 = arith.constant 0 : i32
      %dma_start3A_145 = tpu.memref_slice %arg10[%add3A_9, %dma_start3A_144] : memref<10240x128xf32, #tpu.memory_space<vmem_shared>> -> memref<128x128xf32, #tpu.memory_space<vmem_shared>>
      %dma_start3A_146 = arith.constant 0 : i32
      %dma_start3A_147 = tpu.memref_slice %arg10[%add3A_9, %dma_start3A_146] : memref<10240x128xf32, #tpu.memory_space<vmem_shared>> -> memref<128x128xf32, #tpu.memory_space<vmem_shared>>
      %dma_start3A_148 = arith.constant 0 : i32
      %dma_start3A_149 = arith.constant 0 : i32
      %dma_start3A_150 = tpu.memref_slice %arg8[%dma_start3A_148, %dma_start3A_149] : memref<128x128xf32, #tpu.memory_space<vmem>> -> memref<128x128xf32, #tpu.memory_space<vmem>>
      tpu.enqueue_dma source(%dma_start3A_150 : memref<128x128xf32, #tpu.memory_space<vmem>>) target(%dma_start3A_147 : memref<128x128xf32, #tpu.memory_space<vmem_shared>>) target_semaphore(%run_scoped3A : memref<!tpu.dma_semaphore, #tpu.memory_space<semaphore_mem>>)
      %dma_wait3A_151 = arith.constant 0 : i32
      %dma_wait3A_152 = arith.constant 0 : i32
      %dma_wait3A_153 = tpu.memref_slice %arg8[%dma_wait3A_151, %dma_wait3A_152] : memref<128x128xf32, #tpu.memory_space<vmem>> -> memref<128x128xf32, #tpu.memory_space<vmem>>
      %dma_wait3A_154 = arith.constant 0 : i32
      %dma_wait3A_155 = tpu.memref_slice %arg10[%add3A_9, %dma_wait3A_154] : memref<10240x128xf32, #tpu.memory_space<vmem_shared>> -> memref<128x128xf32, #tpu.memory_space<vmem_shared>>
      %dma_wait3A_156 = arith.constant 0 : i32
      %dma_wait3A_157 = tpu.memref_slice %arg10[%add3A_9, %dma_wait3A_156] : memref<10240x128xf32, #tpu.memory_space<vmem_shared>> -> memref<128x128xf32, #tpu.memory_space<vmem_shared>>
      %dma_wait3A_158 = arith.constant 0 : i32
      %dma_wait3A_159 = arith.constant 0 : i32
      %dma_wait3A_160 = tpu.memref_slice %arg8[%dma_wait3A_158, %dma_wait3A_159] : memref<128x128xf32, #tpu.memory_space<vmem>> -> memref<128x128xf32, #tpu.memory_space<vmem>>
      tpu.wait_dma2 semaphore(%run_scoped3A : memref<!tpu.dma_semaphore, #tpu.memory_space<semaphore_mem>>) src(%dma_wait3A_160 : memref<128x128xf32, #tpu.memory_space<vmem>>) dst(%dma_wait3A_157 : memref<128x128xf32, #tpu.memory_space<vmem_shared>>)
      tpu.yield
    }) : () -> ()
    %add3A_10 = arith.constant 128 : i32
    %add3A_11 = arith.addi %mul3A_7, %add3A_10 : i32
    "tpu.region"() ({
      %run_scoped3A = tpu.sem_alloc : memref<!tpu.dma_semaphore, #tpu.memory_space<semaphore_mem>>
      %dma_start3A_141 = arith.constant 0 : i32
      %dma_start3A_142 = arith.constant 0 : i32
      %dma_start3A_143 = tpu.memref_slice %arg8[%dma_start3A_141, %dma_start3A_142] : memref<128x128xf32, #tpu.memory_space<vmem>> -> memref<128x128xf32, #tpu.memory_space<vmem>>
      %dma_start3A_144 = arith.constant 0 : i32
      %dma_start3A_145 = tpu.memref_slice %arg10[%add3A_11, %dma_start3A_144] : memref<10240x128xf32, #tpu.memory_space<vmem_shared>> -> memref<128x128xf32, #tpu.memory_space<vmem_shared>>
      %dma_start3A_146 = arith.constant 0 : i32
      %dma_start3A_147 = tpu.memref_slice %arg10[%add3A_11, %dma_start3A_146] : memref<10240x128xf32, #tpu.memory_space<vmem_shared>> -> memref<128x128xf32, #tpu.memory_space<vmem_shared>>
      %dma_start3A_148 = arith.constant 0 : i32
      %dma_start3A_149 = arith.constant 0 : i32
      %dma_start3A_150 = tpu.memref_slice %arg8[%dma_start3A_148, %dma_start3A_149] : memref<128x128xf32, #tpu.memory_space<vmem>> -> memref<128x128xf32, #tpu.memory_space<vmem>>
      tpu.enqueue_dma source(%dma_start3A_150 : memref<128x128xf32, #tpu.memory_space<vmem>>) target(%dma_start3A_147 : memref<128x128xf32, #tpu.memory_space<vmem_shared>>) target_semaphore(%run_scoped3A : memref<!tpu.dma_semaphore, #tpu.memory_space<semaphore_mem>>)
      %dma_wait3A_151 = arith.constant 0 : i32
      %dma_wait3A_152 = arith.constant 0 : i32
      %dma_wait3A_153 = tpu.memref_slice %arg8[%dma_wait3A_151, %dma_wait3A_152] : memref<128x128xf32, #tpu.memory_space<vmem>> -> memref<128x128xf32, #tpu.memory_space<vmem>>
      %dma_wait3A_154 = arith.constant 0 : i32
      %dma_wait3A_155 = tpu.memref_slice %arg10[%add3A_11, %dma_wait3A_154] : memref<10240x128xf32, #tpu.memory_space<vmem_shared>> -> memref<128x128xf32, #tpu.memory_space<vmem_shared>>
      %dma_wait3A_156 = arith.constant 0 : i32
      %dma_wait3A_157 = tpu.memref_slice %arg10[%add3A_11, %dma_wait3A_156] : memref<10240x128xf32, #tpu.memory_space<vmem_shared>> -> memref<128x128xf32, #tpu.memory_space<vmem_shared>>
      %dma_wait3A_158 = arith.constant 0 : i32
      %dma_wait3A_159 = arith.constant 0 : i32
      %dma_wait3A_160 = tpu.memref_slice %arg8[%dma_wait3A_158, %dma_wait3A_159] : memref<128x128xf32, #tpu.memory_space<vmem>> -> memref<128x128xf32, #tpu.memory_space<vmem>>
      tpu.wait_dma2 semaphore(%run_scoped3A : memref<!tpu.dma_semaphore, #tpu.memory_space<semaphore_mem>>) src(%dma_wait3A_160 : memref<128x128xf32, #tpu.memory_space<vmem>>) dst(%dma_wait3A_157 : memref<128x128xf32, #tpu.memory_space<vmem_shared>>)
      tpu.yield
    }) : () -> ()
    %add3A_12 = arith.constant 256 : i32
    %add3A_13 = arith.addi %mul3A_7, %add3A_12 : i32
    "tpu.region"() ({
      %run_scoped3A = tpu.sem_alloc : memref<!tpu.dma_semaphore, #tpu.memory_space<semaphore_mem>>
      %dma_start3A_141 = arith.constant 0 : i32
      %dma_start3A_142 = arith.constant 0 : i32
      %dma_start3A_143 = tpu.memref_slice %arg8[%dma_start3A_141, %dma_start3A_142] : memref<128x128xf32, #tpu.memory_space<vmem>> -> memref<128x128xf32, #tpu.memory_space<vmem>>
      %dma_start3A_144 = arith.constant 0 : i32
      %dma_start3A_145 = tpu.memref_slice %arg10[%add3A_13, %dma_start3A_144] : memref<10240x128xf32, #tpu.memory_space<vmem_shared>> -> memref<128x128xf32, #tpu.memory_space<vmem_shared>>
      %dma_start3A_146 = arith.constant 0 : i32
      %dma_start3A_147 = tpu.memref_slice %arg10[%add3A_13, %dma_start3A_146] : memref<10240x128xf32, #tpu.memory_space<vmem_shared>> -> memref<128x128xf32, #tpu.memory_space<vmem_shared>>
      %dma_start3A_148 = arith.constant 0 : i32
      %dma_start3A_149 = arith.constant 0 : i32
      %dma_start3A_150 = tpu.memref_slice %arg8[%dma_start3A_148, %dma_start3A_149] : memref<128x128xf32, #tpu.memory_space<vmem>> -> memref<128x128xf32, #tpu.memory_space<vmem>>
      tpu.enqueue_dma source(%dma_start3A_150 : memref<128x128xf32, #tpu.memory_space<vmem>>) target(%dma_start3A_147 : memref<128x128xf32, #tpu.memory_space<vmem_shared>>) target_semaphore(%run_scoped3A : memref<!tpu.dma_semaphore, #tpu.memory_space<semaphore_mem>>)
      %dma_wait3A_151 = arith.constant 0 : i32
      %dma_wait3A_152 = arith.constant 0 : i32
      %dma_wait3A_153 = tpu.memref_slice %arg8[%dma_wait3A_151, %dma_wait3A_152] : memref<128x128xf32, #tpu.memory_space<vmem>> -> memref<128x128xf32, #tpu.memory_space<vmem>>
      %dma_wait3A_154 = arith.constant 0 : i32
      %dma_wait3A_155 = tpu.memref_slice %arg10[%add3A_13, %dma_wait3A_154] : memref<10240x128xf32, #tpu.memory_space<vmem_shared>> -> memref<128x128xf32, #tpu.memory_space<vmem_shared>>
      %dma_wait3A_156 = arith.constant 0 : i32
      %dma_wait3A_157 = tpu.memref_slice %arg10[%add3A_13, %dma_wait3A_156] : memref<10240x128xf32, #tpu.memory_space<vmem_shared>> -> memref<128x128xf32, #tpu.memory_space<vmem_shared>>
      %dma_wait3A_158 = arith.constant 0 : i32
      %dma_wait3A_159 = arith.constant 0 : i32
      %dma_wait3A_160 = tpu.memref_slice %arg8[%dma_wait3A_158, %dma_wait3A_159] : memref<128x128xf32, #tpu.memory_space<vmem>> -> memref<128x128xf32, #tpu.memory_space<vmem>>
      tpu.wait_dma2 semaphore(%run_scoped3A : memref<!tpu.dma_semaphore, #tpu.memory_space<semaphore_mem>>) src(%dma_wait3A_160 : memref<128x128xf32, #tpu.memory_space<vmem>>) dst(%dma_wait3A_157 : memref<128x128xf32, #tpu.memory_space<vmem_shared>>)
      tpu.yield
    }) : () -> ()
    %add3A_14 = arith.constant 384 : i32
    %add3A_15 = arith.addi %mul3A_7, %add3A_14 : i32
    "tpu.region"() ({
      %run_scoped3A = tpu.sem_alloc : memref<!tpu.dma_semaphore, #tpu.memory_space<semaphore_mem>>
      %dma_start3A_141 = arith.constant 0 : i32
      %dma_start3A_142 = arith.constant 0 : i32
      %dma_start3A_143 = tpu.memref_slice %arg8[%dma_start3A_141, %dma_start3A_142] : memref<128x128xf32, #tpu.memory_space<vmem>> -> memref<128x128xf32, #tpu.memory_space<vmem>>
      %dma_start3A_144 = arith.constant 0 : i32
      %dma_start3A_145 = tpu.memref_slice %arg10[%add3A_15, %dma_start3A_144] : memref<10240x128xf32, #tpu.memory_space<vmem_shared>> -> memref<128x128xf32, #tpu.memory_space<vmem_shared>>
      %dma_start3A_146 = arith.constant 0 : i32
      %dma_start3A_147 = tpu.memref_slice %arg10[%add3A_15, %dma_start3A_146] : memref<10240x128xf32, #tpu.memory_space<vmem_shared>> -> memref<128x128xf32, #tpu.memory_space<vmem_shared>>
      %dma_start3A_148 = arith.constant 0 : i32
      %dma_start3A_149 = arith.constant 0 : i32
      %dma_start3A_150 = tpu.memref_slice %arg8[%dma_start3A_148, %dma_start3A_149] : memref<128x128xf32, #tpu.memory_space<vmem>> -> memref<128x128xf32, #tpu.memory_space<vmem>>
      tpu.enqueue_dma source(%dma_start3A_150 : memref<128x128xf32, #tpu.memory_space<vmem>>) target(%dma_start3A_147 : memref<128x128xf32, #tpu.memory_space<vmem_shared>>) target_semaphore(%run_scoped3A : memref<!tpu.dma_semaphore, #tpu.memory_space<semaphore_mem>>)
      %dma_wait3A_151 = arith.constant 0 : i32
      %dma_wait3A_152 = arith.constant 0 : i32
      %dma_wait3A_153 = tpu.memref_slice %arg8[%dma_wait3A_151, %dma_wait3A_152] : memref<128x128xf32, #tpu.memory_space<vmem>> -> memref<128x128xf32, #tpu.memory_space<vmem>>
      %dma_wait3A_154 = arith.constant 0 : i32
      %dma_wait3A_155 = tpu.memref_slice %arg10[%add3A_15, %dma_wait3A_154] : memref<10240x128xf32, #tpu.memory_space<vmem_shared>> -> memref<128x128xf32, #tpu.memory_space<vmem_shared>>
      %dma_wait3A_156 = arith.constant 0 : i32
      %dma_wait3A_157 = tpu.memref_slice %arg10[%add3A_15, %dma_wait3A_156] : memref<10240x128xf32, #tpu.memory_space<vmem_shared>> -> memref<128x128xf32, #tpu.memory_space<vmem_shared>>
      %dma_wait3A_158 = arith.constant 0 : i32
      %dma_wait3A_159 = arith.constant 0 : i32
      %dma_wait3A_160 = tpu.memref_slice %arg8[%dma_wait3A_158, %dma_wait3A_159] : memref<128x128xf32, #tpu.memory_space<vmem>> -> memref<128x128xf32, #tpu.memory_space<vmem>>
      tpu.wait_dma2 semaphore(%run_scoped3A : memref<!tpu.dma_semaphore, #tpu.memory_space<semaphore_mem>>) src(%dma_wait3A_160 : memref<128x128xf32, #tpu.memory_space<vmem>>) dst(%dma_wait3A_157 : memref<128x128xf32, #tpu.memory_space<vmem_shared>>)
      tpu.yield
    }) : () -> ()
    %add3A_16 = arith.constant 512 : i32
    %add3A_17 = arith.addi %mul3A_7, %add3A_16 : i32
    "tpu.region"() ({
      %run_scoped3A = tpu.sem_alloc : memref<!tpu.dma_semaphore, #tpu.memory_space<semaphore_mem>>
      %dma_start3A_141 = arith.constant 0 : i32
      %dma_start3A_142 = arith.constant 0 : i32
      %dma_start3A_143 = tpu.memref_slice %arg8[%dma_start3A_141, %dma_start3A_142] : memref<128x128xf32, #tpu.memory_space<vmem>> -> memref<128x128xf32, #tpu.memory_space<vmem>>
      %dma_start3A_144 = arith.constant 0 : i32
      %dma_start3A_145 = tpu.memref_slice %arg10[%add3A_17, %dma_start3A_144] : memref<10240x128xf32, #tpu.memory_space<vmem_shared>> -> memref<128x128xf32, #tpu.memory_space<vmem_shared>>
      %dma_start3A_146 = arith.constant 0 : i32
      %dma_start3A_147 = tpu.memref_slice %arg10[%add3A_17, %dma_start3A_146] : memref<10240x128xf32, #tpu.memory_space<vmem_shared>> -> memref<128x128xf32, #tpu.memory_space<vmem_shared>>
      %dma_start3A_148 = arith.constant 0 : i32
      %dma_start3A_149 = arith.constant 0 : i32
      %dma_start3A_150 = tpu.memref_slice %arg8[%dma_start3A_148, %dma_start3A_149] : memref<128x128xf32, #tpu.memory_space<vmem>> -> memref<128x128xf32, #tpu.memory_space<vmem>>
      tpu.enqueue_dma source(%dma_start3A_150 : memref<128x128xf32, #tpu.memory_space<vmem>>) target(%dma_start3A_147 : memref<128x128xf32, #tpu.memory_space<vmem_shared>>) target_semaphore(%run_scoped3A : memref<!tpu.dma_semaphore, #tpu.memory_space<semaphore_mem>>)
      %dma_wait3A_151 = arith.constant 0 : i32
      %dma_wait3A_152 = arith.constant 0 : i32
      %dma_wait3A_153 = tpu.memref_slice %arg8[%dma_wait3A_151, %dma_wait3A_152] : memref<128x128xf32, #tpu.memory_space<vmem>> -> memref<128x128xf32, #tpu.memory_space<vmem>>
      %dma_wait3A_154 = arith.constant 0 : i32
      %dma_wait3A_155 = tpu.memref_slice %arg10[%add3A_17, %dma_wait3A_154] : memref<10240x128xf32, #tpu.memory_space<vmem_shared>> -> memref<128x128xf32, #tpu.memory_space<vmem_shared>>
      %dma_wait3A_156 = arith.constant 0 : i32
      %dma_wait3A_157 = tpu.memref_slice %arg10[%add3A_17, %dma_wait3A_156] : memref<10240x128xf32, #tpu.memory_space<vmem_shared>> -> memref<128x128xf32, #tpu.memory_space<vmem_shared>>
      %dma_wait3A_158 = arith.constant 0 : i32
      %dma_wait3A_159 = arith.constant 0 : i32
      %dma_wait3A_160 = tpu.memref_slice %arg8[%dma_wait3A_158, %dma_wait3A_159] : memref<128x128xf32, #tpu.memory_space<vmem>> -> memref<128x128xf32, #tpu.memory_space<vmem>>
      tpu.wait_dma2 semaphore(%run_scoped3A : memref<!tpu.dma_semaphore, #tpu.memory_space<semaphore_mem>>) src(%dma_wait3A_160 : memref<128x128xf32, #tpu.memory_space<vmem>>) dst(%dma_wait3A_157 : memref<128x128xf32, #tpu.memory_space<vmem_shared>>)
      tpu.yield
    }) : () -> ()
    %barrier3A = arith.constant 0 : index
    tpu.barrier barrier_id(%barrier3A)
    "tpu.region"() ({
      %run_scoped3A = tpu.sem_alloc : memref<!tpu.dma_semaphore, #tpu.memory_space<semaphore_mem>>
      %dma_start3A_141 = arith.constant 0 : i32
      %dma_start3A_142 = arith.constant 0 : i32
      %dma_start3A_143 = tpu.memref_slice %arg3[%add3A, %dma_start3A_141, %dma_start3A_142] : memref<32x80x128xi32, #tpu.memory_space<hbm>> -> memref<1x40x128xi32, #tpu.memory_space<hbm>>
      %dma_start3A_144 = tpu.memref_squeeze %dma_start3A_143 : memref<1x40x128xi32, #tpu.memory_space<hbm>> -> memref<40x128xi32, #tpu.memory_space<hbm>>
      %dma_start3A_145 = arith.constant 0 : i32
      %dma_start3A_146 = arith.constant 0 : i32
      %dma_start3A_147 = tpu.memref_slice %arg3[%add3A, %dma_start3A_145, %dma_start3A_146] : memref<32x80x128xi32, #tpu.memory_space<hbm>> -> memref<1x40x128xi32, #tpu.memory_space<hbm>>
      %dma_start3A_148 = tpu.memref_squeeze %dma_start3A_147 : memref<1x40x128xi32, #tpu.memory_space<hbm>> -> memref<40x128xi32, #tpu.memory_space<hbm>>
      tpu.enqueue_dma source(%dma_start3A_148 : memref<40x128xi32, #tpu.memory_space<hbm>>) target(%arg6 : memref<40x128xi32, #tpu.memory_space<vmem>>) target_semaphore(%run_scoped3A : memref<!tpu.dma_semaphore, #tpu.memory_space<semaphore_mem>>)
      %dma_wait3A_149 = arith.constant 0 : i32
      %dma_wait3A_150 = arith.constant 0 : i32
      %dma_wait3A_151 = tpu.memref_slice %arg3[%add3A, %dma_wait3A_149, %dma_wait3A_150] : memref<32x80x128xi32, #tpu.memory_space<hbm>> -> memref<1x40x128xi32, #tpu.memory_space<hbm>>
      %dma_wait3A_152 = tpu.memref_squeeze %dma_wait3A_151 : memref<1x40x128xi32, #tpu.memory_space<hbm>> -> memref<40x128xi32, #tpu.memory_space<hbm>>
      %dma_wait3A_153 = arith.constant 0 : i32
      %dma_wait3A_154 = arith.constant 0 : i32
      %dma_wait3A_155 = tpu.memref_slice %arg3[%add3A, %dma_wait3A_153, %dma_wait3A_154] : memref<32x80x128xi32, #tpu.memory_space<hbm>> -> memref<1x40x128xi32, #tpu.memory_space<hbm>>
      %dma_wait3A_156 = tpu.memref_squeeze %dma_wait3A_155 : memref<1x40x128xi32, #tpu.memory_space<hbm>> -> memref<40x128xi32, #tpu.memory_space<hbm>>
      tpu.wait_dma2 semaphore(%run_scoped3A : memref<!tpu.dma_semaphore, #tpu.memory_space<semaphore_mem>>) src(%dma_wait3A_156 : memref<40x128xi32, #tpu.memory_space<hbm>>) dst(%arg6 : memref<40x128xi32, #tpu.memory_space<vmem>>)
      tpu.yield
    }) : () -> ()
    "tpu.region"() ({
      %run_scoped3A = tpu.sem_alloc : memref<!tpu.dma_semaphore, #tpu.memory_space<semaphore_mem>>
      %dma_start3A_141 = arith.constant 0 : i32
      %dma_start3A_142 = arith.constant 0 : i32
      %dma_start3A_143 = tpu.memref_slice %arg4[%add3A, %dma_start3A_141, %dma_start3A_142] : memref<32x80x128xi32, #tpu.memory_space<hbm>> -> memref<1x40x128xi32, #tpu.memory_space<hbm>>
      %dma_start3A_144 = tpu.memref_squeeze %dma_start3A_143 : memref<1x40x128xi32, #tpu.memory_space<hbm>> -> memref<40x128xi32, #tpu.memory_space<hbm>>
      %dma_start3A_145 = arith.constant 0 : i32
      %dma_start3A_146 = arith.constant 0 : i32
      %dma_start3A_147 = tpu.memref_slice %arg4[%add3A, %dma_start3A_145, %dma_start3A_146] : memref<32x80x128xi32, #tpu.memory_space<hbm>> -> memref<1x40x128xi32, #tpu.memory_space<hbm>>
      %dma_start3A_148 = tpu.memref_squeeze %dma_start3A_147 : memref<1x40x128xi32, #tpu.memory_space<hbm>> -> memref<40x128xi32, #tpu.memory_space<hbm>>
      tpu.enqueue_dma source(%dma_start3A_148 : memref<40x128xi32, #tpu.memory_space<hbm>>) target(%arg7 : memref<40x128xi32, #tpu.memory_space<vmem>>) target_semaphore(%run_scoped3A : memref<!tpu.dma_semaphore, #tpu.memory_space<semaphore_mem>>)
      %dma_wait3A_149 = arith.constant 0 : i32
      %dma_wait3A_150 = arith.constant 0 : i32
      %dma_wait3A_151 = tpu.memref_slice %arg4[%add3A, %dma_wait3A_149, %dma_wait3A_150] : memref<32x80x128xi32, #tpu.memory_space<hbm>> -> memref<1x40x128xi32, #tpu.memory_space<hbm>>
      %dma_wait3A_152 = tpu.memref_squeeze %dma_wait3A_151 : memref<1x40x128xi32, #tpu.memory_space<hbm>> -> memref<40x128xi32, #tpu.memory_space<hbm>>
      %dma_wait3A_153 = arith.constant 0 : i32
      %dma_wait3A_154 = arith.constant 0 : i32
      %dma_wait3A_155 = tpu.memref_slice %arg4[%add3A, %dma_wait3A_153, %dma_wait3A_154] : memref<32x80x128xi32, #tpu.memory_space<hbm>> -> memref<1x40x128xi32, #tpu.memory_space<hbm>>
      %dma_wait3A_156 = tpu.memref_squeeze %dma_wait3A_155 : memref<1x40x128xi32, #tpu.memory_space<hbm>> -> memref<40x128xi32, #tpu.memory_space<hbm>>
      tpu.wait_dma2 semaphore(%run_scoped3A : memref<!tpu.dma_semaphore, #tpu.memory_space<semaphore_mem>>) src(%dma_wait3A_156 : memref<40x128xi32, #tpu.memory_space<hbm>>) dst(%arg7 : memref<40x128xi32, #tpu.memory_space<vmem>>)
      tpu.yield
    }) : () -> ()
    %dma_start3A = arith.constant 0 : i32
    %dma_start3A_18 = arith.constant 0 : i32
    %dma_start3A_19 = tpu.memref_slice %arg6[%dma_start3A, %dma_start3A_18] : memref<40x128xi32, #tpu.memory_space<vmem>> -> memref<1x128xi32, #tpu.memory_space<vmem>>
    %dma_start3A_20 = tpu.memref_squeeze %dma_start3A_19 : memref<1x128xi32, #tpu.memory_space<vmem>> -> memref<128xi32, #tpu.memory_space<vmem>>
    %dma_start3A_21 = arith.constant 0 : i32
    %dma_start3A_22 = arith.constant 0 : i32
    %dma_start3A_23 = tpu.memref_slice %arg2[%dma_start3A_21, %dma_start3A_22] : memref<10000x128xf32, #tpu.memory_space<hbm>> -> memref<10000x128xf32, #tpu.memory_space<hbm>>
    tpu.enqueue_indirect_dma source(%dma_start3A_23 : memref<10000x128xf32, #tpu.memory_space<hbm>>) target(%arg8 : memref<128x128xf32, #tpu.memory_space<vmem>>) offsets(%dma_start3A_20 : memref<128xi32, #tpu.memory_space<vmem>>) semaphore(%arg11 : memref<!tpu.dma_semaphore, #tpu.memory_space<semaphore_mem>>)
    %dma_wait3A = arith.constant 0 : i32
    %dma_wait3A_24 = arith.constant 0 : i32
    %dma_wait3A_25 = tpu.memref_slice %arg6[%dma_wait3A, %dma_wait3A_24] : memref<40x128xi32, #tpu.memory_space<vmem>> -> memref<1x128xi32, #tpu.memory_space<vmem>>
    %dma_wait3A_26 = tpu.memref_squeeze %dma_wait3A_25 : memref<1x128xi32, #tpu.memory_space<vmem>> -> memref<128xi32, #tpu.memory_space<vmem>>
    %dma_wait3A_27 = arith.constant 0 : i32
    %dma_wait3A_28 = arith.constant 0 : i32
    %dma_wait3A_29 = tpu.memref_slice %arg2[%dma_wait3A_27, %dma_wait3A_28] : memref<10000x128xf32, #tpu.memory_space<hbm>> -> memref<10000x128xf32, #tpu.memory_space<hbm>>
    tpu.wait_indirect_dma semaphore(%arg11 : memref<!tpu.dma_semaphore, #tpu.memory_space<semaphore_mem>>) src(%dma_wait3A_29 : memref<10000x128xf32, #tpu.memory_space<hbm>>) dst(%arg8 : memref<128x128xf32, #tpu.memory_space<vmem>>)
    %dma_start3A_30 = arith.constant 0 : i32
    %dma_start3A_31 = arith.constant 0 : i32
    %dma_start3A_32 = tpu.memref_slice %arg7[%dma_start3A_30, %dma_start3A_31] : memref<40x128xi32, #tpu.memory_space<vmem>> -> memref<1x128xi32, #tpu.memory_space<vmem>>
    %dma_start3A_33 = tpu.memref_squeeze %dma_start3A_32 : memref<1x128xi32, #tpu.memory_space<vmem>> -> memref<128xi32, #tpu.memory_space<vmem>>
    %dma_start3A_34 = arith.constant 0 : i32
    %dma_start3A_35 = arith.constant 0 : i32
    %dma_start3A_36 = tpu.memref_slice %arg10[%dma_start3A_34, %dma_start3A_35] : memref<10240x128xf32, #tpu.memory_space<vmem_shared>> -> memref<10240x128xf32, #tpu.memory_space<vmem_shared>>
    tpu.enqueue_indirect_dma source(%arg8 : memref<128x128xf32, #tpu.memory_space<vmem>>) target(%dma_start3A_36 : memref<10240x128xf32, #tpu.memory_space<vmem_shared>>) offsets(%dma_start3A_33 : memref<128xi32, #tpu.memory_space<vmem>>) semaphore(%arg13 : memref<!tpu.dma_semaphore, #tpu.memory_space<semaphore_mem>>) {add = true}
    %dma_start3A_37 = arith.constant 1 : i32
    %dma_start3A_38 = arith.constant 0 : i32
    %dma_start3A_39 = tpu.memref_slice %arg6[%dma_start3A_37, %dma_start3A_38] : memref<40x128xi32, #tpu.memory_space<vmem>> -> memref<1x128xi32, #tpu.memory_space<vmem>>
    %dma_start3A_40 = tpu.memref_squeeze %dma_start3A_39 : memref<1x128xi32, #tpu.memory_space<vmem>> -> memref<128xi32, #tpu.memory_space<vmem>>
    %dma_start3A_41 = arith.constant 0 : i32
    %dma_start3A_42 = arith.constant 0 : i32
    %dma_start3A_43 = tpu.memref_slice %arg2[%dma_start3A_41, %dma_start3A_42] : memref<10000x128xf32, #tpu.memory_space<hbm>> -> memref<10000x128xf32, #tpu.memory_space<hbm>>
    tpu.enqueue_indirect_dma source(%dma_start3A_43 : memref<10000x128xf32, #tpu.memory_space<hbm>>) target(%arg9 : memref<128x128xf32, #tpu.memory_space<vmem>>) offsets(%dma_start3A_40 : memref<128xi32, #tpu.memory_space<vmem>>) semaphore(%arg12 : memref<!tpu.dma_semaphore, #tpu.memory_space<semaphore_mem>>)
    %scan3A_44 = arith.constant 0 : i32
    %scan3A_45 = arith.constant 19 : i32
    %scan3A_46 = arith.addi %scan3A_44, %scan3A_45 : i32
    %scan3A_47 = arith.constant 1 : i32
    scf.for %scan3A_141 = %scan3A_44 to %scan3A_46 step %scan3A_47  : i32 {
      %mul3A_142 = arith.constant 2 : i32
      %mul3A_143 = arith.muli %mul3A_142, %scan3A_141 : i32
      %add3A_144 = arith.constant 1 : i32
      %add3A_145 = arith.addi %mul3A_143, %add3A_144 : i32
      %dma_wait3A_146 = arith.constant 0 : i32
      %dma_wait3A_147 = tpu.memref_slice %arg6[%add3A_145, %dma_wait3A_146] : memref<40x128xi32, #tpu.memory_space<vmem>> -> memref<1x128xi32, #tpu.memory_space<vmem>>
      %dma_wait3A_148 = tpu.memref_squeeze %dma_wait3A_147 : memref<1x128xi32, #tpu.memory_space<vmem>> -> memref<128xi32, #tpu.memory_space<vmem>>
      %dma_wait3A_149 = arith.constant 0 : i32
      %dma_wait3A_150 = arith.constant 0 : i32
      %dma_wait3A_151 = tpu.memref_slice %arg2[%dma_wait3A_149, %dma_wait3A_150] : memref<10000x128xf32, #tpu.memory_space<hbm>> -> memref<10000x128xf32, #tpu.memory_space<hbm>>
      tpu.wait_indirect_dma semaphore(%arg12 : memref<!tpu.dma_semaphore, #tpu.memory_space<semaphore_mem>>) src(%dma_wait3A_151 : memref<10000x128xf32, #tpu.memory_space<hbm>>) dst(%arg9 : memref<128x128xf32, #tpu.memory_space<vmem>>)
      %dma_start3A_152 = arith.constant 0 : i32
      %dma_start3A_153 = tpu.memref_slice %arg7[%add3A_145, %dma_start3A_152] : memref<40x128xi32, #tpu.memory_space<vmem>> -> memref<1x128xi32, #tpu.memory_space<vmem>>
      %dma_start3A_154 = tpu.memref_squeeze %dma_start3A_153 : memref<1x128xi32, #tpu.memory_space<vmem>> -> memref<128xi32, #tpu.memory_space<vmem>>
      %dma_start3A_155 = arith.constant 0 : i32
      %dma_start3A_156 = arith.constant 0 : i32
      %dma_start3A_157 = tpu.memref_slice %arg10[%dma_start3A_155, %dma_start3A_156] : memref<10240x128xf32, #tpu.memory_space<vmem_shared>> -> memref<10240x128xf32, #tpu.memory_space<vmem_shared>>
      tpu.enqueue_indirect_dma source(%arg9 : memref<128x128xf32, #tpu.memory_space<vmem>>) target(%dma_start3A_157 : memref<10240x128xf32, #tpu.memory_space<vmem_shared>>) offsets(%dma_start3A_154 : memref<128xi32, #tpu.memory_space<vmem>>) semaphore(%arg14 : memref<!tpu.dma_semaphore, #tpu.memory_space<semaphore_mem>>) {add = true}
      %dma_wait3A_158 = arith.constant 0 : i32
      %dma_wait3A_159 = arith.constant 0 : i32
      %dma_wait3A_160 = tpu.memref_slice %arg7[%dma_wait3A_158, %dma_wait3A_159] : memref<40x128xi32, #tpu.memory_space<vmem>> -> memref<1x128xi32, #tpu.memory_space<vmem>>
      %dma_wait3A_161 = tpu.memref_squeeze %dma_wait3A_160 : memref<1x128xi32, #tpu.memory_space<vmem>> -> memref<128xi32, #tpu.memory_space<vmem>>
      %dma_wait3A_162 = arith.constant 0 : i32
      %dma_wait3A_163 = arith.constant 0 : i32
      %dma_wait3A_164 = tpu.memref_slice %arg10[%dma_wait3A_162, %dma_wait3A_163] : memref<10240x128xf32, #tpu.memory_space<vmem_shared>> -> memref<10240x128xf32, #tpu.memory_space<vmem_shared>>
      tpu.wait_indirect_dma semaphore(%arg13 : memref<!tpu.dma_semaphore, #tpu.memory_space<semaphore_mem>>) src(%arg8 : memref<128x128xf32, #tpu.memory_space<vmem>>) dst(%dma_wait3A_164 : memref<10240x128xf32, #tpu.memory_space<vmem_shared>>)
      %add3A_165 = arith.constant 1 : i32
      %add3A_166 = arith.addi %add3A_145, %add3A_165 : i32
      %dma_start3A_167 = arith.constant 0 : i32
      %dma_start3A_168 = tpu.memref_slice %arg6[%add3A_166, %dma_start3A_167] : memref<40x128xi32, #tpu.memory_space<vmem>> -> memref<1x128xi32, #tpu.memory_space<vmem>>
      %dma_start3A_169 = tpu.memref_squeeze %dma_start3A_168 : memref<1x128xi32, #tpu.memory_space<vmem>> -> memref<128xi32, #tpu.memory_space<vmem>>
      %dma_start3A_170 = arith.constant 0 : i32
      %dma_start3A_171 = arith.constant 0 : i32
      %dma_start3A_172 = tpu.memref_slice %arg2[%dma_start3A_170, %dma_start3A_171] : memref<10000x128xf32, #tpu.memory_space<hbm>> -> memref<10000x128xf32, #tpu.memory_space<hbm>>
      tpu.enqueue_indirect_dma source(%dma_start3A_172 : memref<10000x128xf32, #tpu.memory_space<hbm>>) target(%arg8 : memref<128x128xf32, #tpu.memory_space<vmem>>) offsets(%dma_start3A_169 : memref<128xi32, #tpu.memory_space<vmem>>) semaphore(%arg11 : memref<!tpu.dma_semaphore, #tpu.memory_space<semaphore_mem>>)
      %add3A_173 = arith.constant 1 : i32
      %add3A_174 = arith.addi %add3A_145, %add3A_173 : i32
      %dma_wait3A_175 = arith.constant 0 : i32
      %dma_wait3A_176 = tpu.memref_slice %arg6[%add3A_174, %dma_wait3A_175] : memref<40x128xi32, #tpu.memory_space<vmem>> -> memref<1x128xi32, #tpu.memory_space<vmem>>
      %dma_wait3A_177 = tpu.memref_squeeze %dma_wait3A_176 : memref<1x128xi32, #tpu.memory_space<vmem>> -> memref<128xi32, #tpu.memory_space<vmem>>
      %dma_wait3A_178 = arith.constant 0 : i32
      %dma_wait3A_179 = arith.constant 0 : i32
      %dma_wait3A_180 = tpu.memref_slice %arg2[%dma_wait3A_178, %dma_wait3A_179] : memref<10000x128xf32, #tpu.memory_space<hbm>> -> memref<10000x128xf32, #tpu.memory_space<hbm>>
      tpu.wait_indirect_dma semaphore(%arg11 : memref<!tpu.dma_semaphore, #tpu.memory_space<semaphore_mem>>) src(%dma_wait3A_180 : memref<10000x128xf32, #tpu.memory_space<hbm>>) dst(%arg8 : memref<128x128xf32, #tpu.memory_space<vmem>>)
      %add3A_181 = arith.constant 1 : i32
      %add3A_182 = arith.addi %add3A_145, %add3A_181 : i32
      %dma_start3A_183 = arith.constant 0 : i32
      %dma_start3A_184 = tpu.memref_slice %arg7[%add3A_182, %dma_start3A_183] : memref<40x128xi32, #tpu.memory_space<vmem>> -> memref<1x128xi32, #tpu.memory_space<vmem>>
      %dma_start3A_185 = tpu.memref_squeeze %dma_start3A_184 : memref<1x128xi32, #tpu.memory_space<vmem>> -> memref<128xi32, #tpu.memory_space<vmem>>
      %dma_start3A_186 = arith.constant 0 : i32
      %dma_start3A_187 = arith.constant 0 : i32
      %dma_start3A_188 = tpu.memref_slice %arg10[%dma_start3A_186, %dma_start3A_187] : memref<10240x128xf32, #tpu.memory_space<vmem_shared>> -> memref<10240x128xf32, #tpu.memory_space<vmem_shared>>
      tpu.enqueue_indirect_dma source(%arg8 : memref<128x128xf32, #tpu.memory_space<vmem>>) target(%dma_start3A_188 : memref<10240x128xf32, #tpu.memory_space<vmem_shared>>) offsets(%dma_start3A_185 : memref<128xi32, #tpu.memory_space<vmem>>) semaphore(%arg13 : memref<!tpu.dma_semaphore, #tpu.memory_space<semaphore_mem>>) {add = true}
      %dma_wait3A_189 = arith.constant 0 : i32
      %dma_wait3A_190 = arith.constant 0 : i32
      %dma_wait3A_191 = tpu.memref_slice %arg7[%dma_wait3A_189, %dma_wait3A_190] : memref<40x128xi32, #tpu.memory_space<vmem>> -> memref<1x128xi32, #tpu.memory_space<vmem>>
      %dma_wait3A_192 = tpu.memref_squeeze %dma_wait3A_191 : memref<1x128xi32, #tpu.memory_space<vmem>> -> memref<128xi32, #tpu.memory_space<vmem>>
      %dma_wait3A_193 = arith.constant 0 : i32
      %dma_wait3A_194 = arith.constant 0 : i32
      %dma_wait3A_195 = tpu.memref_slice %arg10[%dma_wait3A_193, %dma_wait3A_194] : memref<10240x128xf32, #tpu.memory_space<vmem_shared>> -> memref<10240x128xf32, #tpu.memory_space<vmem_shared>>
      tpu.wait_indirect_dma semaphore(%arg14 : memref<!tpu.dma_semaphore, #tpu.memory_space<semaphore_mem>>) src(%arg9 : memref<128x128xf32, #tpu.memory_space<vmem>>) dst(%dma_wait3A_195 : memref<10240x128xf32, #tpu.memory_space<vmem_shared>>)
      %add3A_196 = arith.constant 2 : i32
      %add3A_197 = arith.addi %add3A_145, %add3A_196 : i32
      %dma_start3A_198 = arith.constant 0 : i32
      %dma_start3A_199 = tpu.memref_slice %arg6[%add3A_197, %dma_start3A_198] : memref<40x128xi32, #tpu.memory_space<vmem>> -> memref<1x128xi32, #tpu.memory_space<vmem>>
      %dma_start3A_200 = tpu.memref_squeeze %dma_start3A_199 : memref<1x128xi32, #tpu.memory_space<vmem>> -> memref<128xi32, #tpu.memory_space<vmem>>
      %dma_start3A_201 = arith.constant 0 : i32
      %dma_start3A_202 = arith.constant 0 : i32
      %dma_start3A_203 = tpu.memref_slice %arg2[%dma_start3A_201, %dma_start3A_202] : memref<10000x128xf32, #tpu.memory_space<hbm>> -> memref<10000x128xf32, #tpu.memory_space<hbm>>
      tpu.enqueue_indirect_dma source(%dma_start3A_203 : memref<10000x128xf32, #tpu.memory_space<hbm>>) target(%arg9 : memref<128x128xf32, #tpu.memory_space<vmem>>) offsets(%dma_start3A_200 : memref<128xi32, #tpu.memory_space<vmem>>) semaphore(%arg12 : memref<!tpu.dma_semaphore, #tpu.memory_space<semaphore_mem>>)
    }
    %scan3A_48 = arith.constant 19 : i32
    %dma_wait3A_49 = arith.constant 39 : i32
    %dma_wait3A_50 = arith.constant 0 : i32
    %dma_wait3A_51 = tpu.memref_slice %arg6[%dma_wait3A_49, %dma_wait3A_50] : memref<40x128xi32, #tpu.memory_space<vmem>> -> memref<1x128xi32, #tpu.memory_space<vmem>>
    %dma_wait3A_52 = tpu.memref_squeeze %dma_wait3A_51 : memref<1x128xi32, #tpu.memory_space<vmem>> -> memref<128xi32, #tpu.memory_space<vmem>>
    %dma_wait3A_53 = arith.constant 0 : i32
    %dma_wait3A_54 = arith.constant 0 : i32
    %dma_wait3A_55 = tpu.memref_slice %arg2[%dma_wait3A_53, %dma_wait3A_54] : memref<10000x128xf32, #tpu.memory_space<hbm>> -> memref<10000x128xf32, #tpu.memory_space<hbm>>
    tpu.wait_indirect_dma semaphore(%arg12 : memref<!tpu.dma_semaphore, #tpu.memory_space<semaphore_mem>>) src(%dma_wait3A_55 : memref<10000x128xf32, #tpu.memory_space<hbm>>) dst(%arg9 : memref<128x128xf32, #tpu.memory_space<vmem>>)
    %dma_start3A_56 = arith.constant 39 : i32
    %dma_start3A_57 = arith.constant 0 : i32
    %dma_start3A_58 = tpu.memref_slice %arg7[%dma_start3A_56, %dma_start3A_57] : memref<40x128xi32, #tpu.memory_space<vmem>> -> memref<1x128xi32, #tpu.memory_space<vmem>>
    %dma_start3A_59 = tpu.memref_squeeze %dma_start3A_58 : memref<1x128xi32, #tpu.memory_space<vmem>> -> memref<128xi32, #tpu.memory_space<vmem>>
    %dma_start3A_60 = arith.constant 0 : i32
    %dma_start3A_61 = arith.constant 0 : i32
    %dma_start3A_62 = tpu.memref_slice %arg10[%dma_start3A_60, %dma_start3A_61] : memref<10240x128xf32, #tpu.memory_space<vmem_shared>> -> memref<10240x128xf32, #tpu.memory_space<vmem_shared>>
    tpu.enqueue_indirect_dma source(%arg9 : memref<128x128xf32, #tpu.memory_space<vmem>>) target(%dma_start3A_62 : memref<10240x128xf32, #tpu.memory_space<vmem_shared>>) offsets(%dma_start3A_59 : memref<128xi32, #tpu.memory_space<vmem>>) semaphore(%arg14 : memref<!tpu.dma_semaphore, #tpu.memory_space<semaphore_mem>>) {add = true}
    %dma_wait3A_63 = arith.constant 0 : i32
    %dma_wait3A_64 = arith.constant 0 : i32
    %dma_wait3A_65 = tpu.memref_slice %arg7[%dma_wait3A_63, %dma_wait3A_64] : memref<40x128xi32, #tpu.memory_space<vmem>> -> memref<1x128xi32, #tpu.memory_space<vmem>>
    %dma_wait3A_66 = tpu.memref_squeeze %dma_wait3A_65 : memref<1x128xi32, #tpu.memory_space<vmem>> -> memref<128xi32, #tpu.memory_space<vmem>>
    %dma_wait3A_67 = arith.constant 0 : i32
    %dma_wait3A_68 = arith.constant 0 : i32
    %dma_wait3A_69 = tpu.memref_slice %arg10[%dma_wait3A_67, %dma_wait3A_68] : memref<10240x128xf32, #tpu.memory_space<vmem_shared>> -> memref<10240x128xf32, #tpu.memory_space<vmem_shared>>
    tpu.wait_indirect_dma semaphore(%arg13 : memref<!tpu.dma_semaphore, #tpu.memory_space<semaphore_mem>>) src(%arg8 : memref<128x128xf32, #tpu.memory_space<vmem>>) dst(%dma_wait3A_69 : memref<10240x128xf32, #tpu.memory_space<vmem_shared>>)
    %dma_wait3A_70 = arith.constant 0 : i32
    %dma_wait3A_71 = arith.constant 0 : i32
    %dma_wait3A_72 = tpu.memref_slice %arg7[%dma_wait3A_70, %dma_wait3A_71] : memref<40x128xi32, #tpu.memory_space<vmem>> -> memref<1x128xi32, #tpu.memory_space<vmem>>
    %dma_wait3A_73 = tpu.memref_squeeze %dma_wait3A_72 : memref<1x128xi32, #tpu.memory_space<vmem>> -> memref<128xi32, #tpu.memory_space<vmem>>
    %dma_wait3A_74 = arith.constant 0 : i32
    %dma_wait3A_75 = arith.constant 0 : i32
    %dma_wait3A_76 = tpu.memref_slice %arg10[%dma_wait3A_74, %dma_wait3A_75] : memref<10240x128xf32, #tpu.memory_space<vmem_shared>> -> memref<10240x128xf32, #tpu.memory_space<vmem_shared>>
    tpu.wait_indirect_dma semaphore(%arg14 : memref<!tpu.dma_semaphore, #tpu.memory_space<semaphore_mem>>) src(%arg9 : memref<128x128xf32, #tpu.memory_space<vmem>>) dst(%dma_wait3A_76 : memref<10240x128xf32, #tpu.memory_space<vmem_shared>>)
    "tpu.region"() ({
      %run_scoped3A = tpu.sem_alloc : memref<!tpu.dma_semaphore, #tpu.memory_space<semaphore_mem>>
      %dma_start3A_141 = arith.constant 40 : i32
      %dma_start3A_142 = arith.constant 0 : i32
      %dma_start3A_143 = tpu.memref_slice %arg3[%add3A, %dma_start3A_141, %dma_start3A_142] : memref<32x80x128xi32, #tpu.memory_space<hbm>> -> memref<1x40x128xi32, #tpu.memory_space<hbm>>
      %dma_start3A_144 = tpu.memref_squeeze %dma_start3A_143 : memref<1x40x128xi32, #tpu.memory_space<hbm>> -> memref<40x128xi32, #tpu.memory_space<hbm>>
      %dma_start3A_145 = arith.constant 40 : i32
      %dma_start3A_146 = arith.constant 0 : i32
      %dma_start3A_147 = tpu.memref_slice %arg3[%add3A, %dma_start3A_145, %dma_start3A_146] : memref<32x80x128xi32, #tpu.memory_space<hbm>> -> memref<1x40x128xi32, #tpu.memory_space<hbm>>
      %dma_start3A_148 = tpu.memref_squeeze %dma_start3A_147 : memref<1x40x128xi32, #tpu.memory_space<hbm>> -> memref<40x128xi32, #tpu.memory_space<hbm>>
      tpu.enqueue_dma source(%dma_start3A_148 : memref<40x128xi32, #tpu.memory_space<hbm>>) target(%arg6 : memref<40x128xi32, #tpu.memory_space<vmem>>) target_semaphore(%run_scoped3A : memref<!tpu.dma_semaphore, #tpu.memory_space<semaphore_mem>>)
      %dma_wait3A_149 = arith.constant 40 : i32
      %dma_wait3A_150 = arith.constant 0 : i32
      %dma_wait3A_151 = tpu.memref_slice %arg3[%add3A, %dma_wait3A_149, %dma_wait3A_150] : memref<32x80x128xi32, #tpu.memory_space<hbm>> -> memref<1x40x128xi32, #tpu.memory_space<hbm>>
      %dma_wait3A_152 = tpu.memref_squeeze %dma_wait3A_151 : memref<1x40x128xi32, #tpu.memory_space<hbm>> -> memref<40x128xi32, #tpu.memory_space<hbm>>
      %dma_wait3A_153 = arith.constant 40 : i32
      %dma_wait3A_154 = arith.constant 0 : i32
      %dma_wait3A_155 = tpu.memref_slice %arg3[%add3A, %dma_wait3A_153, %dma_wait3A_154] : memref<32x80x128xi32, #tpu.memory_space<hbm>> -> memref<1x40x128xi32, #tpu.memory_space<hbm>>
      %dma_wait3A_156 = tpu.memref_squeeze %dma_wait3A_155 : memref<1x40x128xi32, #tpu.memory_space<hbm>> -> memref<40x128xi32, #tpu.memory_space<hbm>>
      tpu.wait_dma2 semaphore(%run_scoped3A : memref<!tpu.dma_semaphore, #tpu.memory_space<semaphore_mem>>) src(%dma_wait3A_156 : memref<40x128xi32, #tpu.memory_space<hbm>>) dst(%arg6 : memref<40x128xi32, #tpu.memory_space<vmem>>)
      tpu.yield
    }) : () -> ()
    "tpu.region"() ({
      %run_scoped3A = tpu.sem_alloc : memref<!tpu.dma_semaphore, #tpu.memory_space<semaphore_mem>>
      %dma_start3A_141 = arith.constant 40 : i32
      %dma_start3A_142 = arith.constant 0 : i32
      %dma_start3A_143 = tpu.memref_slice %arg4[%add3A, %dma_start3A_141, %dma_start3A_142] : memref<32x80x128xi32, #tpu.memory_space<hbm>> -> memref<1x40x128xi32, #tpu.memory_space<hbm>>
      %dma_start3A_144 = tpu.memref_squeeze %dma_start3A_143 : memref<1x40x128xi32, #tpu.memory_space<hbm>> -> memref<40x128xi32, #tpu.memory_space<hbm>>
      %dma_start3A_145 = arith.constant 40 : i32
      %dma_start3A_146 = arith.constant 0 : i32
      %dma_start3A_147 = tpu.memref_slice %arg4[%add3A, %dma_start3A_145, %dma_start3A_146] : memref<32x80x128xi32, #tpu.memory_space<hbm>> -> memref<1x40x128xi32, #tpu.memory_space<hbm>>
      %dma_start3A_148 = tpu.memref_squeeze %dma_start3A_147 : memref<1x40x128xi32, #tpu.memory_space<hbm>> -> memref<40x128xi32, #tpu.memory_space<hbm>>
      tpu.enqueue_dma source(%dma_start3A_148 : memref<40x128xi32, #tpu.memory_space<hbm>>) target(%arg7 : memref<40x128xi32, #tpu.memory_space<vmem>>) target_semaphore(%run_scoped3A : memref<!tpu.dma_semaphore, #tpu.memory_space<semaphore_mem>>)
      %dma_wait3A_149 = arith.constant 40 : i32
      %dma_wait3A_150 = arith.constant 0 : i32
      %dma_wait3A_151 = tpu.memref_slice %arg4[%add3A, %dma_wait3A_149, %dma_wait3A_150] : memref<32x80x128xi32, #tpu.memory_space<hbm>> -> memref<1x40x128xi32, #tpu.memory_space<hbm>>
      %dma_wait3A_152 = tpu.memref_squeeze %dma_wait3A_151 : memref<1x40x128xi32, #tpu.memory_space<hbm>> -> memref<40x128xi32, #tpu.memory_space<hbm>>
      %dma_wait3A_153 = arith.constant 40 : i32
      %dma_wait3A_154 = arith.constant 0 : i32
      %dma_wait3A_155 = tpu.memref_slice %arg4[%add3A, %dma_wait3A_153, %dma_wait3A_154] : memref<32x80x128xi32, #tpu.memory_space<hbm>> -> memref<1x40x128xi32, #tpu.memory_space<hbm>>
      %dma_wait3A_156 = tpu.memref_squeeze %dma_wait3A_155 : memref<1x40x128xi32, #tpu.memory_space<hbm>> -> memref<40x128xi32, #tpu.memory_space<hbm>>
      tpu.wait_dma2 semaphore(%run_scoped3A : memref<!tpu.dma_semaphore, #tpu.memory_space<semaphore_mem>>) src(%dma_wait3A_156 : memref<40x128xi32, #tpu.memory_space<hbm>>) dst(%arg7 : memref<40x128xi32, #tpu.memory_space<vmem>>)
      tpu.yield
    }) : () -> ()
    %dma_start3A_77 = arith.constant 0 : i32
    %dma_start3A_78 = arith.constant 0 : i32
    %dma_start3A_79 = tpu.memref_slice %arg6[%dma_start3A_77, %dma_start3A_78] : memref<40x128xi32, #tpu.memory_space<vmem>> -> memref<1x128xi32, #tpu.memory_space<vmem>>
    %dma_start3A_80 = tpu.memref_squeeze %dma_start3A_79 : memref<1x128xi32, #tpu.memory_space<vmem>> -> memref<128xi32, #tpu.memory_space<vmem>>
    %dma_start3A_81 = arith.constant 0 : i32
    %dma_start3A_82 = arith.constant 0 : i32
    %dma_start3A_83 = tpu.memref_slice %arg2[%dma_start3A_81, %dma_start3A_82] : memref<10000x128xf32, #tpu.memory_space<hbm>> -> memref<10000x128xf32, #tpu.memory_space<hbm>>
    tpu.enqueue_indirect_dma source(%dma_start3A_83 : memref<10000x128xf32, #tpu.memory_space<hbm>>) target(%arg8 : memref<128x128xf32, #tpu.memory_space<vmem>>) offsets(%dma_start3A_80 : memref<128xi32, #tpu.memory_space<vmem>>) semaphore(%arg11 : memref<!tpu.dma_semaphore, #tpu.memory_space<semaphore_mem>>)
    %dma_wait3A_84 = arith.constant 0 : i32
    %dma_wait3A_85 = arith.constant 0 : i32
    %dma_wait3A_86 = tpu.memref_slice %arg6[%dma_wait3A_84, %dma_wait3A_85] : memref<40x128xi32, #tpu.memory_space<vmem>> -> memref<1x128xi32, #tpu.memory_space<vmem>>
    %dma_wait3A_87 = tpu.memref_squeeze %dma_wait3A_86 : memref<1x128xi32, #tpu.memory_space<vmem>> -> memref<128xi32, #tpu.memory_space<vmem>>
    %dma_wait3A_88 = arith.constant 0 : i32
    %dma_wait3A_89 = arith.constant 0 : i32
    %dma_wait3A_90 = tpu.memref_slice %arg2[%dma_wait3A_88, %dma_wait3A_89] : memref<10000x128xf32, #tpu.memory_space<hbm>> -> memref<10000x128xf32, #tpu.memory_space<hbm>>
    tpu.wait_indirect_dma semaphore(%arg11 : memref<!tpu.dma_semaphore, #tpu.memory_space<semaphore_mem>>) src(%dma_wait3A_90 : memref<10000x128xf32, #tpu.memory_space<hbm>>) dst(%arg8 : memref<128x128xf32, #tpu.memory_space<vmem>>)
    %dma_start3A_91 = arith.constant 0 : i32
    %dma_start3A_92 = arith.constant 0 : i32
    %dma_start3A_93 = tpu.memref_slice %arg7[%dma_start3A_91, %dma_start3A_92] : memref<40x128xi32, #tpu.memory_space<vmem>> -> memref<1x128xi32, #tpu.memory_space<vmem>>
    %dma_start3A_94 = tpu.memref_squeeze %dma_start3A_93 : memref<1x128xi32, #tpu.memory_space<vmem>> -> memref<128xi32, #tpu.memory_space<vmem>>
    %dma_start3A_95 = arith.constant 0 : i32
    %dma_start3A_96 = arith.constant 0 : i32
    %dma_start3A_97 = tpu.memref_slice %arg10[%dma_start3A_95, %dma_start3A_96] : memref<10240x128xf32, #tpu.memory_space<vmem_shared>> -> memref<10240x128xf32, #tpu.memory_space<vmem_shared>>
    tpu.enqueue_indirect_dma source(%arg8 : memref<128x128xf32, #tpu.memory_space<vmem>>) target(%dma_start3A_97 : memref<10240x128xf32, #tpu.memory_space<vmem_shared>>) offsets(%dma_start3A_94 : memref<128xi32, #tpu.memory_space<vmem>>) semaphore(%arg13 : memref<!tpu.dma_semaphore, #tpu.memory_space<semaphore_mem>>) {add = true}
    %dma_start3A_98 = arith.constant 1 : i32
    %dma_start3A_99 = arith.constant 0 : i32
    %dma_start3A_100 = tpu.memref_slice %arg6[%dma_start3A_98, %dma_start3A_99] : memref<40x128xi32, #tpu.memory_space<vmem>> -> memref<1x128xi32, #tpu.memory_space<vmem>>
    %dma_start3A_101 = tpu.memref_squeeze %dma_start3A_100 : memref<1x128xi32, #tpu.memory_space<vmem>> -> memref<128xi32, #tpu.memory_space<vmem>>
    %dma_start3A_102 = arith.constant 0 : i32
    %dma_start3A_103 = arith.constant 0 : i32
    %dma_start3A_104 = tpu.memref_slice %arg2[%dma_start3A_102, %dma_start3A_103] : memref<10000x128xf32, #tpu.memory_space<hbm>> -> memref<10000x128xf32, #tpu.memory_space<hbm>>
    tpu.enqueue_indirect_dma source(%dma_start3A_104 : memref<10000x128xf32, #tpu.memory_space<hbm>>) target(%arg9 : memref<128x128xf32, #tpu.memory_space<vmem>>) offsets(%dma_start3A_101 : memref<128xi32, #tpu.memory_space<vmem>>) semaphore(%arg12 : memref<!tpu.dma_semaphore, #tpu.memory_space<semaphore_mem>>)
    %scan3A_105 = arith.constant 0 : i32
    %scan3A_106 = arith.constant 19 : i32
    %scan3A_107 = arith.addi %scan3A_105, %scan3A_106 : i32
    %scan3A_108 = arith.constant 1 : i32
    scf.for %scan3A_141 = %scan3A_105 to %scan3A_107 step %scan3A_108  : i32 {
      %mul3A_142 = arith.constant 2 : i32
      %mul3A_143 = arith.muli %mul3A_142, %scan3A_141 : i32
      %add3A_144 = arith.constant 1 : i32
      %add3A_145 = arith.addi %mul3A_143, %add3A_144 : i32
      %dma_wait3A_146 = arith.constant 0 : i32
      %dma_wait3A_147 = tpu.memref_slice %arg6[%add3A_145, %dma_wait3A_146] : memref<40x128xi32, #tpu.memory_space<vmem>> -> memref<1x128xi32, #tpu.memory_space<vmem>>
      %dma_wait3A_148 = tpu.memref_squeeze %dma_wait3A_147 : memref<1x128xi32, #tpu.memory_space<vmem>> -> memref<128xi32, #tpu.memory_space<vmem>>
      %dma_wait3A_149 = arith.constant 0 : i32
      %dma_wait3A_150 = arith.constant 0 : i32
      %dma_wait3A_151 = tpu.memref_slice %arg2[%dma_wait3A_149, %dma_wait3A_150] : memref<10000x128xf32, #tpu.memory_space<hbm>> -> memref<10000x128xf32, #tpu.memory_space<hbm>>
      tpu.wait_indirect_dma semaphore(%arg12 : memref<!tpu.dma_semaphore, #tpu.memory_space<semaphore_mem>>) src(%dma_wait3A_151 : memref<10000x128xf32, #tpu.memory_space<hbm>>) dst(%arg9 : memref<128x128xf32, #tpu.memory_space<vmem>>)
      %dma_start3A_152 = arith.constant 0 : i32
      %dma_start3A_153 = tpu.memref_slice %arg7[%add3A_145, %dma_start3A_152] : memref<40x128xi32, #tpu.memory_space<vmem>> -> memref<1x128xi32, #tpu.memory_space<vmem>>
      %dma_start3A_154 = tpu.memref_squeeze %dma_start3A_153 : memref<1x128xi32, #tpu.memory_space<vmem>> -> memref<128xi32, #tpu.memory_space<vmem>>
      %dma_start3A_155 = arith.constant 0 : i32
      %dma_start3A_156 = arith.constant 0 : i32
      %dma_start3A_157 = tpu.memref_slice %arg10[%dma_start3A_155, %dma_start3A_156] : memref<10240x128xf32, #tpu.memory_space<vmem_shared>> -> memref<10240x128xf32, #tpu.memory_space<vmem_shared>>
      tpu.enqueue_indirect_dma source(%arg9 : memref<128x128xf32, #tpu.memory_space<vmem>>) target(%dma_start3A_157 : memref<10240x128xf32, #tpu.memory_space<vmem_shared>>) offsets(%dma_start3A_154 : memref<128xi32, #tpu.memory_space<vmem>>) semaphore(%arg14 : memref<!tpu.dma_semaphore, #tpu.memory_space<semaphore_mem>>) {add = true}
      %dma_wait3A_158 = arith.constant 0 : i32
      %dma_wait3A_159 = arith.constant 0 : i32
      %dma_wait3A_160 = tpu.memref_slice %arg7[%dma_wait3A_158, %dma_wait3A_159] : memref<40x128xi32, #tpu.memory_space<vmem>> -> memref<1x128xi32, #tpu.memory_space<vmem>>
      %dma_wait3A_161 = tpu.memref_squeeze %dma_wait3A_160 : memref<1x128xi32, #tpu.memory_space<vmem>> -> memref<128xi32, #tpu.memory_space<vmem>>
      %dma_wait3A_162 = arith.constant 0 : i32
      %dma_wait3A_163 = arith.constant 0 : i32
      %dma_wait3A_164 = tpu.memref_slice %arg10[%dma_wait3A_162, %dma_wait3A_163] : memref<10240x128xf32, #tpu.memory_space<vmem_shared>> -> memref<10240x128xf32, #tpu.memory_space<vmem_shared>>
      tpu.wait_indirect_dma semaphore(%arg13 : memref<!tpu.dma_semaphore, #tpu.memory_space<semaphore_mem>>) src(%arg8 : memref<128x128xf32, #tpu.memory_space<vmem>>) dst(%dma_wait3A_164 : memref<10240x128xf32, #tpu.memory_space<vmem_shared>>)
      %add3A_165 = arith.constant 1 : i32
      %add3A_166 = arith.addi %add3A_145, %add3A_165 : i32
      %dma_start3A_167 = arith.constant 0 : i32
      %dma_start3A_168 = tpu.memref_slice %arg6[%add3A_166, %dma_start3A_167] : memref<40x128xi32, #tpu.memory_space<vmem>> -> memref<1x128xi32, #tpu.memory_space<vmem>>
      %dma_start3A_169 = tpu.memref_squeeze %dma_start3A_168 : memref<1x128xi32, #tpu.memory_space<vmem>> -> memref<128xi32, #tpu.memory_space<vmem>>
      %dma_start3A_170 = arith.constant 0 : i32
      %dma_start3A_171 = arith.constant 0 : i32
      %dma_start3A_172 = tpu.memref_slice %arg2[%dma_start3A_170, %dma_start3A_171] : memref<10000x128xf32, #tpu.memory_space<hbm>> -> memref<10000x128xf32, #tpu.memory_space<hbm>>
      tpu.enqueue_indirect_dma source(%dma_start3A_172 : memref<10000x128xf32, #tpu.memory_space<hbm>>) target(%arg8 : memref<128x128xf32, #tpu.memory_space<vmem>>) offsets(%dma_start3A_169 : memref<128xi32, #tpu.memory_space<vmem>>) semaphore(%arg11 : memref<!tpu.dma_semaphore, #tpu.memory_space<semaphore_mem>>)
      %add3A_173 = arith.constant 1 : i32
      %add3A_174 = arith.addi %add3A_145, %add3A_173 : i32
      %dma_wait3A_175 = arith.constant 0 : i32
      %dma_wait3A_176 = tpu.memref_slice %arg6[%add3A_174, %dma_wait3A_175] : memref<40x128xi32, #tpu.memory_space<vmem>> -> memref<1x128xi32, #tpu.memory_space<vmem>>
      %dma_wait3A_177 = tpu.memref_squeeze %dma_wait3A_176 : memref<1x128xi32, #tpu.memory_space<vmem>> -> memref<128xi32, #tpu.memory_space<vmem>>
      %dma_wait3A_178 = arith.constant 0 : i32
      %dma_wait3A_179 = arith.constant 0 : i32
      %dma_wait3A_180 = tpu.memref_slice %arg2[%dma_wait3A_178, %dma_wait3A_179] : memref<10000x128xf32, #tpu.memory_space<hbm>> -> memref<10000x128xf32, #tpu.memory_space<hbm>>
      tpu.wait_indirect_dma semaphore(%arg11 : memref<!tpu.dma_semaphore, #tpu.memory_space<semaphore_mem>>) src(%dma_wait3A_180 : memref<10000x128xf32, #tpu.memory_space<hbm>>) dst(%arg8 : memref<128x128xf32, #tpu.memory_space<vmem>>)
      %add3A_181 = arith.constant 1 : i32
      %add3A_182 = arith.addi %add3A_145, %add3A_181 : i32
      %dma_start3A_183 = arith.constant 0 : i32
      %dma_start3A_184 = tpu.memref_slice %arg7[%add3A_182, %dma_start3A_183] : memref<40x128xi32, #tpu.memory_space<vmem>> -> memref<1x128xi32, #tpu.memory_space<vmem>>
      %dma_start3A_185 = tpu.memref_squeeze %dma_start3A_184 : memref<1x128xi32, #tpu.memory_space<vmem>> -> memref<128xi32, #tpu.memory_space<vmem>>
      %dma_start3A_186 = arith.constant 0 : i32
      %dma_start3A_187 = arith.constant 0 : i32
      %dma_start3A_188 = tpu.memref_slice %arg10[%dma_start3A_186, %dma_start3A_187] : memref<10240x128xf32, #tpu.memory_space<vmem_shared>> -> memref<10240x128xf32, #tpu.memory_space<vmem_shared>>
      tpu.enqueue_indirect_dma source(%arg8 : memref<128x128xf32, #tpu.memory_space<vmem>>) target(%dma_start3A_188 : memref<10240x128xf32, #tpu.memory_space<vmem_shared>>) offsets(%dma_start3A_185 : memref<128xi32, #tpu.memory_space<vmem>>) semaphore(%arg13 : memref<!tpu.dma_semaphore, #tpu.memory_space<semaphore_mem>>) {add = true}
      %dma_wait3A_189 = arith.constant 0 : i32
      %dma_wait3A_190 = arith.constant 0 : i32
      %dma_wait3A_191 = tpu.memref_slice %arg7[%dma_wait3A_189, %dma_wait3A_190] : memref<40x128xi32, #tpu.memory_space<vmem>> -> memref<1x128xi32, #tpu.memory_space<vmem>>
      %dma_wait3A_192 = tpu.memref_squeeze %dma_wait3A_191 : memref<1x128xi32, #tpu.memory_space<vmem>> -> memref<128xi32, #tpu.memory_space<vmem>>
      %dma_wait3A_193 = arith.constant 0 : i32
      %dma_wait3A_194 = arith.constant 0 : i32
      %dma_wait3A_195 = tpu.memref_slice %arg10[%dma_wait3A_193, %dma_wait3A_194] : memref<10240x128xf32, #tpu.memory_space<vmem_shared>> -> memref<10240x128xf32, #tpu.memory_space<vmem_shared>>
      tpu.wait_indirect_dma semaphore(%arg14 : memref<!tpu.dma_semaphore, #tpu.memory_space<semaphore_mem>>) src(%arg9 : memref<128x128xf32, #tpu.memory_space<vmem>>) dst(%dma_wait3A_195 : memref<10240x128xf32, #tpu.memory_space<vmem_shared>>)
      %add3A_196 = arith.constant 2 : i32
      %add3A_197 = arith.addi %add3A_145, %add3A_196 : i32
      %dma_start3A_198 = arith.constant 0 : i32
      %dma_start3A_199 = tpu.memref_slice %arg6[%add3A_197, %dma_start3A_198] : memref<40x128xi32, #tpu.memory_space<vmem>> -> memref<1x128xi32, #tpu.memory_space<vmem>>
      %dma_start3A_200 = tpu.memref_squeeze %dma_start3A_199 : memref<1x128xi32, #tpu.memory_space<vmem>> -> memref<128xi32, #tpu.memory_space<vmem>>
      %dma_start3A_201 = arith.constant 0 : i32
      %dma_start3A_202 = arith.constant 0 : i32
      %dma_start3A_203 = tpu.memref_slice %arg2[%dma_start3A_201, %dma_start3A_202] : memref<10000x128xf32, #tpu.memory_space<hbm>> -> memref<10000x128xf32, #tpu.memory_space<hbm>>
      tpu.enqueue_indirect_dma source(%dma_start3A_203 : memref<10000x128xf32, #tpu.memory_space<hbm>>) target(%arg9 : memref<128x128xf32, #tpu.memory_space<vmem>>) offsets(%dma_start3A_200 : memref<128xi32, #tpu.memory_space<vmem>>) semaphore(%arg12 : memref<!tpu.dma_semaphore, #tpu.memory_space<semaphore_mem>>)
    }
    %scan3A_109 = arith.constant 19 : i32
    %dma_wait3A_110 = arith.constant 39 : i32
    %dma_wait3A_111 = arith.constant 0 : i32
    %dma_wait3A_112 = tpu.memref_slice %arg6[%dma_wait3A_110, %dma_wait3A_111] : memref<40x128xi32, #tpu.memory_space<vmem>> -> memref<1x128xi32, #tpu.memory_space<vmem>>
    %dma_wait3A_113 = tpu.memref_squeeze %dma_wait3A_112 : memref<1x128xi32, #tpu.memory_space<vmem>> -> memref<128xi32, #tpu.memory_space<vmem>>
    %dma_wait3A_114 = arith.constant 0 : i32
    %dma_wait3A_115 = arith.constant 0 : i32
    %dma_wait3A_116 = tpu.memref_slice %arg2[%dma_wait3A_114, %dma_wait3A_115] : memref<10000x128xf32, #tpu.memory_space<hbm>> -> memref<10000x128xf32, #tpu.memory_space<hbm>>
    tpu.wait_indirect_dma semaphore(%arg12 : memref<!tpu.dma_semaphore, #tpu.memory_space<semaphore_mem>>) src(%dma_wait3A_116 : memref<10000x128xf32, #tpu.memory_space<hbm>>) dst(%arg9 : memref<128x128xf32, #tpu.memory_space<vmem>>)
    %dma_start3A_117 = arith.constant 39 : i32
    %dma_start3A_118 = arith.constant 0 : i32
    %dma_start3A_119 = tpu.memref_slice %arg7[%dma_start3A_117, %dma_start3A_118] : memref<40x128xi32, #tpu.memory_space<vmem>> -> memref<1x128xi32, #tpu.memory_space<vmem>>
    %dma_start3A_120 = tpu.memref_squeeze %dma_start3A_119 : memref<1x128xi32, #tpu.memory_space<vmem>> -> memref<128xi32, #tpu.memory_space<vmem>>
    %dma_start3A_121 = arith.constant 0 : i32
    %dma_start3A_122 = arith.constant 0 : i32
    %dma_start3A_123 = tpu.memref_slice %arg10[%dma_start3A_121, %dma_start3A_122] : memref<10240x128xf32, #tpu.memory_space<vmem_shared>> -> memref<10240x128xf32, #tpu.memory_space<vmem_shared>>
    tpu.enqueue_indirect_dma source(%arg9 : memref<128x128xf32, #tpu.memory_space<vmem>>) target(%dma_start3A_123 : memref<10240x128xf32, #tpu.memory_space<vmem_shared>>) offsets(%dma_start3A_120 : memref<128xi32, #tpu.memory_space<vmem>>) semaphore(%arg14 : memref<!tpu.dma_semaphore, #tpu.memory_space<semaphore_mem>>) {add = true}
    %dma_wait3A_124 = arith.constant 0 : i32
    %dma_wait3A_125 = arith.constant 0 : i32
    %dma_wait3A_126 = tpu.memref_slice %arg7[%dma_wait3A_124, %dma_wait3A_125] : memref<40x128xi32, #tpu.memory_space<vmem>> -> memref<1x128xi32, #tpu.memory_space<vmem>>
    %dma_wait3A_127 = tpu.memref_squeeze %dma_wait3A_126 : memref<1x128xi32, #tpu.memory_space<vmem>> -> memref<128xi32, #tpu.memory_space<vmem>>
    %dma_wait3A_128 = arith.constant 0 : i32
    %dma_wait3A_129 = arith.constant 0 : i32
    %dma_wait3A_130 = tpu.memref_slice %arg10[%dma_wait3A_128, %dma_wait3A_129] : memref<10240x128xf32, #tpu.memory_space<vmem_shared>> -> memref<10240x128xf32, #tpu.memory_space<vmem_shared>>
    tpu.wait_indirect_dma semaphore(%arg13 : memref<!tpu.dma_semaphore, #tpu.memory_space<semaphore_mem>>) src(%arg8 : memref<128x128xf32, #tpu.memory_space<vmem>>) dst(%dma_wait3A_130 : memref<10240x128xf32, #tpu.memory_space<vmem_shared>>)
    %dma_wait3A_131 = arith.constant 0 : i32
    %dma_wait3A_132 = arith.constant 0 : i32
    %dma_wait3A_133 = tpu.memref_slice %arg7[%dma_wait3A_131, %dma_wait3A_132] : memref<40x128xi32, #tpu.memory_space<vmem>> -> memref<1x128xi32, #tpu.memory_space<vmem>>
    %dma_wait3A_134 = tpu.memref_squeeze %dma_wait3A_133 : memref<1x128xi32, #tpu.memory_space<vmem>> -> memref<128xi32, #tpu.memory_space<vmem>>
    %dma_wait3A_135 = arith.constant 0 : i32
    %dma_wait3A_136 = arith.constant 0 : i32
    %dma_wait3A_137 = tpu.memref_slice %arg10[%dma_wait3A_135, %dma_wait3A_136] : memref<10240x128xf32, #tpu.memory_space<vmem_shared>> -> memref<10240x128xf32, #tpu.memory_space<vmem_shared>>
    tpu.wait_indirect_dma semaphore(%arg14 : memref<!tpu.dma_semaphore, #tpu.memory_space<semaphore_mem>>) src(%arg9 : memref<128x128xf32, #tpu.memory_space<vmem>>) dst(%dma_wait3A_137 : memref<10240x128xf32, #tpu.memory_space<vmem_shared>>)
    %barrier3A_138 = arith.constant 0 : index
    tpu.barrier barrier_id(%barrier3A_138)
    %mul3A_139 = arith.constant 632 : i32
    %mul3A_140 = arith.muli %arg1, %mul3A_139 : i32
    "tpu.region"() ({
      %run_scoped3A = tpu.sem_alloc : memref<!tpu.dma_semaphore, #tpu.memory_space<semaphore_mem>>
      %dma_start3A_141 = arith.constant 0 : i32
      %dma_start3A_142 = tpu.memref_slice %arg5[%arg0, %mul3A_140, %dma_start3A_141] : memref<2x10112x128xf32, #tpu.memory_space<hbm>> -> memref<1x632x128xf32, #tpu.memory_space<hbm>>
      %dma_start3A_143 = tpu.memref_squeeze %dma_start3A_142 : memref<1x632x128xf32, #tpu.memory_space<hbm>> -> memref<632x128xf32, #tpu.memory_space<hbm>>
      %dma_start3A_144 = arith.constant 0 : i32
      %dma_start3A_145 = tpu.memref_slice %arg10[%mul3A_140, %dma_start3A_144] : memref<10240x128xf32, #tpu.memory_space<vmem_shared>> -> memref<632x128xf32, #tpu.memory_space<vmem_shared>>
      tpu.enqueue_dma source(%dma_start3A_145 : memref<632x128xf32, #tpu.memory_space<vmem_shared>>) target(%dma_start3A_143 : memref<632x128xf32, #tpu.memory_space<hbm>>) target_semaphore(%run_scoped3A : memref<!tpu.dma_semaphore, #tpu.memory_space<semaphore_mem>>)
      %dma_wait3A_146 = arith.constant 0 : i32
      %dma_wait3A_147 = tpu.memref_slice %arg5[%arg0, %mul3A_140, %dma_wait3A_146] : memref<2x10112x128xf32, #tpu.memory_space<hbm>> -> memref<1x632x128xf32, #tpu.memory_space<hbm>>
      %dma_wait3A_148 = tpu.memref_squeeze %dma_wait3A_147 : memref<1x632x128xf32, #tpu.memory_space<hbm>> -> memref<632x128xf32, #tpu.memory_space<hbm>>
      %dma_wait3A_149 = arith.constant 0 : i32
      %dma_wait3A_150 = tpu.memref_slice %arg10[%mul3A_140, %dma_wait3A_149] : memref<10240x128xf32, #tpu.memory_space<vmem_shared>> -> memref<632x128xf32, #tpu.memory_space<vmem_shared>>
      tpu.wait_dma2 semaphore(%run_scoped3A : memref<!tpu.dma_semaphore, #tpu.memory_space<semaphore_mem>>) src(%dma_wait3A_150 : memref<632x128xf32, #tpu.memory_space<vmem_shared>>) dst(%dma_wait3A_148 : memref<632x128xf32, #tpu.memory_space<hbm>>)
      tpu.yield
    }) : () -> ()
    return
  }
}

#map = affine_map<(d0, d1) -> (0, 0)>
#map1 = affine_map<(d0, d1) -> (0, 0, 0)>
module attributes {stable_mosaic.version = 14 : i64} {
  func.func @agg_kernel(%arg0: i32, %arg1: i32, %arg2: memref<10000x128xf32, #tpu.memory_space<hbm>>, %arg3: memref<32x80x128xi32, #tpu.memory_space<hbm>>, %arg4: memref<32x80x128xi32, #tpu.memory_space<hbm>>, %arg5: memref<2x10112x128xf32, #tpu.memory_space<hbm>>, %arg6: memref<40x128xi32, #tpu.memory_space<vmem>>, %arg7: memref<40x128xi32, #tpu.memory_space<vmem>>, %arg8: memref<128x128xf32, #tpu.memory_space<vmem>>, %arg9: memref<128x128xf32, #tpu.memory_space<vmem>>, %arg10: memref<10240x128xf32, #tpu.memory_space<vmem_shared>>, %arg11: memref<!tpu.dma_semaphore, #tpu.memory_space<semaphore_mem>>, %arg12: memref<!tpu.dma_semaphore, #tpu.memory_space<semaphore_mem>>, %arg13: memref<!tpu.dma_semaphore, #tpu.memory_space<semaphore_mem>>, %arg14: memref<!tpu.dma_semaphore, #tpu.memory_space<semaphore_mem>>) attributes {dimension_semantics = [#tpu.dimension_semantics<core_parallel>, #tpu.dimension_semantics<subcore_parallel>], iteration_bounds = array<i64: 2, 16>, scalar_prefetch = 0 : i64, scratch_operands = 9 : i64, tpu.core_type = #tpu.core_type<sc_vector_subcore>, window_params = [{transform_indices = #map}, {transform_indices = #map1}, {transform_indices = #map1}, {transform_indices = #map1}]} {
    %mul3A = arith.constant 2 : i32
    %mul3A_0 = arith.muli %arg1, %mul3A : i32
    %add3A = arith.addi %mul3A_0, %arg0 : i32
    %broadcast_in_dim3A = arith.constant 0.000000e+00 : f32
    %broadcast_in_dim3A_1 = vector.broadcast %broadcast_in_dim3A : f32 to vector<16xf32>
    %scan3A = arith.constant 0 : i32
    %scan3A_2 = arith.constant 128 : i32
    %scan3A_3 = arith.addi %scan3A, %scan3A_2 : i32
    %scan3A_4 = arith.constant 1 : i32
    scf.for %scan3A_141 = %scan3A to %scan3A_3 step %scan3A_4  : i32 {
      %swap3A = arith.index_cast %scan3A_141 : i32 to index
      %swap3A_142 = arith.constant 0 : index
      %swap3A_143 = tpu.vector_load %arg8[%swap3A, %swap3A_142] {strides = array<i32>} : memref<128x128xf32, #tpu.memory_space<vmem>>, vector<1x16xf32>,
      %swap3A_144 = vector.shape_cast %swap3A_143 : vector<1x16xf32> to vector<16xf32>
      %swap3A_145 = vector.shape_cast %broadcast_in_dim3A_1 : vector<16xf32> to vector<1x16xf32>
      tpu.vector_store %arg8[%swap3A, %swap3A_142], %swap3A_145 {strides = array<i32>} : memref<128x128xf32, #tpu.memory_space<vmem>>, vector<1x16xf32>,
      %swap3A_146 = arith.index_cast %scan3A_141 : i32 to index
      %swap3A_147 = arith.constant 16 : index
      %swap3A_148 = tpu.vector_load %arg8[%swap3A_146, %swap3A_147] {strides = array<i32>} : memref<128x128xf32, #tpu.memory_space<vmem>>, vector<1x16xf32>,
      %swap3A_149 = vector.shape_cast %swap3A_148 : vector<1x16xf32> to vector<16xf32>
      %swap3A_150 = vector.shape_cast %broadcast_in_dim3A_1 : vector<16xf32> to vector<1x16xf32>
      tpu.vector_store %arg8[%swap3A_146, %swap3A_147], %swap3A_150 {strides = array<i32>} : memref<128x128xf32, #tpu.memory_space<vmem>>, vector<1x16xf32>,
      %swap3A_151 = arith.index_cast %scan3A_141 : i32 to index
      %swap3A_152 = arith.constant 32 : index
      %swap3A_153 = tpu.vector_load %arg8[%swap3A_151, %swap3A_152] {strides = array<i32>} : memref<128x128xf32, #tpu.memory_space<vmem>>, vector<1x16xf32>,
      %swap3A_154 = vector.shape_cast %swap3A_153 : vector<1x16xf32> to vector<16xf32>
      %swap3A_155 = vector.shape_cast %broadcast_in_dim3A_1 : vector<16xf32> to vector<1x16xf32>
      tpu.vector_store %arg8[%swap3A_151, %swap3A_152], %swap3A_155 {strides = array<i32>} : memref<128x128xf32, #tpu.memory_space<vmem>>, vector<1x16xf32>,
      %swap3A_156 = arith.index_cast %scan3A_141 : i32 to index
      %swap3A_157 = arith.constant 48 : index
      %swap3A_158 = tpu.vector_load %arg8[%swap3A_156, %swap3A_157] {strides = array<i32>} : memref<128x128xf32, #tpu.memory_space<vmem>>, vector<1x16xf32>,
      %swap3A_159 = vector.shape_cast %swap3A_158 : vector<1x16xf32> to vector<16xf32>
      %swap3A_160 = vector.shape_cast %broadcast_in_dim3A_1 : vector<16xf32> to vector<1x16xf32>
      tpu.vector_store %arg8[%swap3A_156, %swap3A_157], %swap3A_160 {strides = array<i32>} : memref<128x128xf32, #tpu.memory_space<vmem>>, vector<1x16xf32>,
      %swap3A_161 = arith.index_cast %scan3A_141 : i32 to index
      %swap3A_162 = arith.constant 64 : index
      %swap3A_163 = tpu.vector_load %arg8[%swap3A_161, %swap3A_162] {strides = array<i32>} : memref<128x128xf32, #tpu.memory_space<vmem>>, vector<1x16xf32>,
      %swap3A_164 = vector.shape_cast %swap3A_163 : vector<1x16xf32> to vector<16xf32>
      %swap3A_165 = vector.shape_cast %broadcast_in_dim3A_1 : vector<16xf32> to vector<1x16xf32>
      tpu.vector_store %arg8[%swap3A_161, %swap3A_162], %swap3A_165 {strides = array<i32>} : memref<128x128xf32, #tpu.memory_space<vmem>>, vector<1x16xf32>,
      %swap3A_166 = arith.index_cast %scan3A_141 : i32 to index
      %swap3A_167 = arith.constant 80 : index
      %swap3A_168 = tpu.vector_load %arg8[%swap3A_166, %swap3A_167] {strides = array<i32>} : memref<128x128xf32, #tpu.memory_space<vmem>>, vector<1x16xf32>,
      %swap3A_169 = vector.shape_cast %swap3A_168 : vector<1x16xf32> to vector<16xf32>
      %swap3A_170 = vector.shape_cast %broadcast_in_dim3A_1 : vector<16xf32> to vector<1x16xf32>
      tpu.vector_store %arg8[%swap3A_166, %swap3A_167], %swap3A_170 {strides = array<i32>} : memref<128x128xf32, #tpu.memory_space<vmem>>, vector<1x16xf32>,
      %swap3A_171 = arith.index_cast %scan3A_141 : i32 to index
      %swap3A_172 = arith.constant 96 : index
      %swap3A_173 = tpu.vector_load %arg8[%swap3A_171, %swap3A_172] {strides = array<i32>} : memref<128x128xf32, #tpu.memory_space<vmem>>, vector<1x16xf32>,
      %swap3A_174 = vector.shape_cast %swap3A_173 : vector<1x16xf32> to vector<16xf32>
      %swap3A_175 = vector.shape_cast %broadcast_in_dim3A_1 : vector<16xf32> to vector<1x16xf32>
      tpu.vector_store %arg8[%swap3A_171, %swap3A_172], %swap3A_175 {strides = array<i32>} : memref<128x128xf32, #tpu.memory_space<vmem>>, vector<1x16xf32>,
      %swap3A_176 = arith.index_cast %scan3A_141 : i32 to index
      %swap3A_177 = arith.constant 112 : index
      %swap3A_178 = tpu.vector_load %arg8[%swap3A_176, %swap3A_177] {strides = array<i32>} : memref<128x128xf32, #tpu.memory_space<vmem>>, vector<1x16xf32>,
      %swap3A_179 = vector.shape_cast %swap3A_178 : vector<1x16xf32> to vector<16xf32>
      %swap3A_180 = vector.shape_cast %broadcast_in_dim3A_1 : vector<16xf32> to vector<1x16xf32>
      tpu.vector_store %arg8[%swap3A_176, %swap3A_177], %swap3A_180 {strides = array<i32>} : memref<128x128xf32, #tpu.memory_space<vmem>>, vector<1x16xf32>,
    }
    %scan3A_5 = arith.constant 128 : i32
    %mul3A_6 = arith.constant 640 : i32
    %mul3A_7 = arith.muli %arg1, %mul3A_6 : i32
    %add3A_8 = arith.constant 0 : i32
    %add3A_9 = arith.addi %mul3A_7, %add3A_8 : i32
    "tpu.region"() ({
      %run_scoped3A = tpu.sem_alloc : memref<!tpu.dma_semaphore, #tpu.memory_space<semaphore_mem>>
      %dma_start3A_141 = arith.constant 0 : i32
      %dma_start3A_142 = arith.constant 0 : i32
      %dma_start3A_143 = tpu.memref_slice %arg8[%dma_start3A_141, %dma_start3A_142] : memref<128x128xf32, #tpu.memory_space<vmem>> -> memref<128x128xf32, #tpu.memory_space<vmem>>
      %dma_start3A_144 = arith.constant 0 : i32
      %dma_start3A_145 = tpu.memref_slice %arg10[%add3A_9, %dma_start3A_144] : memref<10240x128xf32, #tpu.memory_space<vmem_shared>> -> memref<128x128xf32, #tpu.memory_space<vmem_shared>>
      %dma_start3A_146 = arith.constant 0 : i32
      %dma_start3A_147 = tpu.memref_slice %arg10[%add3A_9, %dma_start3A_146] : memref<10240x128xf32, #tpu.memory_space<vmem_shared>> -> memref<128x128xf32, #tpu.memory_space<vmem_shared>>
      %dma_start3A_148 = arith.constant 0 : i32
      %dma_start3A_149 = arith.constant 0 : i32
      %dma_start3A_150 = tpu.memref_slice %arg8[%dma_start3A_148, %dma_start3A_149] : memref<128x128xf32, #tpu.memory_space<vmem>> -> memref<128x128xf32, #tpu.memory_space<vmem>>
      tpu.enqueue_dma source(%dma_start3A_150 : memref<128x128xf32, #tpu.memory_space<vmem>>) target(%dma_start3A_147 : memref<128x128xf32, #tpu.memory_space<vmem_shared>>) target_semaphore(%run_scoped3A : memref<!tpu.dma_semaphore, #tpu.memory_space<semaphore_mem>>)
      %dma_wait3A_151 = arith.constant 0 : i32
      %dma_wait3A_152 = arith.constant 0 : i32
      %dma_wait3A_153 = tpu.memref_slice %arg8[%dma_wait3A_151, %dma_wait3A_152] : memref<128x128xf32, #tpu.memory_space<vmem>> -> memref<128x128xf32, #tpu.memory_space<vmem>>
      %dma_wait3A_154 = arith.constant 0 : i32
      %dma_wait3A_155 = tpu.memref_slice %arg10[%add3A_9, %dma_wait3A_154] : memref<10240x128xf32, #tpu.memory_space<vmem_shared>> -> memref<128x128xf32, #tpu.memory_space<vmem_shared>>
      %dma_wait3A_156 = arith.constant 0 : i32
      %dma_wait3A_157 = tpu.memref_slice %arg10[%add3A_9, %dma_wait3A_156] : memref<10240x128xf32, #tpu.memory_space<vmem_shared>> -> memref<128x128xf32, #tpu.memory_space<vmem_shared>>
      %dma_wait3A_158 = arith.constant 0 : i32
      %dma_wait3A_159 = arith.constant 0 : i32
      %dma_wait3A_160 = tpu.memref_slice %arg8[%dma_wait3A_158, %dma_wait3A_159] : memref<128x128xf32, #tpu.memory_space<vmem>> -> memref<128x128xf32, #tpu.memory_space<vmem>>
      tpu.wait_dma2 semaphore(%run_scoped3A : memref<!tpu.dma_semaphore, #tpu.memory_space<semaphore_mem>>) src(%dma_wait3A_160 : memref<128x128xf32, #tpu.memory_space<vmem>>) dst(%dma_wait3A_157 : memref<128x128xf32, #tpu.memory_space<vmem_shared>>)
      tpu.yield
    }) : () -> ()
    %add3A_10 = arith.constant 128 : i32
    %add3A_11 = arith.addi %mul3A_7, %add3A_10 : i32
    "tpu.region"() ({
      %run_scoped3A = tpu.sem_alloc : memref<!tpu.dma_semaphore, #tpu.memory_space<semaphore_mem>>
      %dma_start3A_141 = arith.constant 0 : i32
      %dma_start3A_142 = arith.constant 0 : i32
      %dma_start3A_143 = tpu.memref_slice %arg8[%dma_start3A_141, %dma_start3A_142] : memref<128x128xf32, #tpu.memory_space<vmem>> -> memref<128x128xf32, #tpu.memory_space<vmem>>
      %dma_start3A_144 = arith.constant 0 : i32
      %dma_start3A_145 = tpu.memref_slice %arg10[%add3A_11, %dma_start3A_144] : memref<10240x128xf32, #tpu.memory_space<vmem_shared>> -> memref<128x128xf32, #tpu.memory_space<vmem_shared>>
      %dma_start3A_146 = arith.constant 0 : i32
      %dma_start3A_147 = tpu.memref_slice %arg10[%add3A_11, %dma_start3A_146] : memref<10240x128xf32, #tpu.memory_space<vmem_shared>> -> memref<128x128xf32, #tpu.memory_space<vmem_shared>>
      %dma_start3A_148 = arith.constant 0 : i32
      %dma_start3A_149 = arith.constant 0 : i32
      %dma_start3A_150 = tpu.memref_slice %arg8[%dma_start3A_148, %dma_start3A_149] : memref<128x128xf32, #tpu.memory_space<vmem>> -> memref<128x128xf32, #tpu.memory_space<vmem>>
      tpu.enqueue_dma source(%dma_start3A_150 : memref<128x128xf32, #tpu.memory_space<vmem>>) target(%dma_start3A_147 : memref<128x128xf32, #tpu.memory_space<vmem_shared>>) target_semaphore(%run_scoped3A : memref<!tpu.dma_semaphore, #tpu.memory_space<semaphore_mem>>)
      %dma_wait3A_151 = arith.constant 0 : i32
      %dma_wait3A_152 = arith.constant 0 : i32
      %dma_wait3A_153 = tpu.memref_slice %arg8[%dma_wait3A_151, %dma_wait3A_152] : memref<128x128xf32, #tpu.memory_space<vmem>> -> memref<128x128xf32, #tpu.memory_space<vmem>>
      %dma_wait3A_154 = arith.constant 0 : i32
      %dma_wait3A_155 = tpu.memref_slice %arg10[%add3A_11, %dma_wait3A_154] : memref<10240x128xf32, #tpu.memory_space<vmem_shared>> -> memref<128x128xf32, #tpu.memory_space<vmem_shared>>
      %dma_wait3A_156 = arith.constant 0 : i32
      %dma_wait3A_157 = tpu.memref_slice %arg10[%add3A_11, %dma_wait3A_156] : memref<10240x128xf32, #tpu.memory_space<vmem_shared>> -> memref<128x128xf32, #tpu.memory_space<vmem_shared>>
      %dma_wait3A_158 = arith.constant 0 : i32
      %dma_wait3A_159 = arith.constant 0 : i32
      %dma_wait3A_160 = tpu.memref_slice %arg8[%dma_wait3A_158, %dma_wait3A_159] : memref<128x128xf32, #tpu.memory_space<vmem>> -> memref<128x128xf32, #tpu.memory_space<vmem>>
      tpu.wait_dma2 semaphore(%run_scoped3A : memref<!tpu.dma_semaphore, #tpu.memory_space<semaphore_mem>>) src(%dma_wait3A_160 : memref<128x128xf32, #tpu.memory_space<vmem>>) dst(%dma_wait3A_157 : memref<128x128xf32, #tpu.memory_space<vmem_shared>>)
      tpu.yield
    }) : () -> ()
    %add3A_12 = arith.constant 256 : i32
    %add3A_13 = arith.addi %mul3A_7, %add3A_12 : i32
    "tpu.region"() ({
      %run_scoped3A = tpu.sem_alloc : memref<!tpu.dma_semaphore, #tpu.memory_space<semaphore_mem>>
      %dma_start3A_141 = arith.constant 0 : i32
      %dma_start3A_142 = arith.constant 0 : i32
      %dma_start3A_143 = tpu.memref_slice %arg8[%dma_start3A_141, %dma_start3A_142] : memref<128x128xf32, #tpu.memory_space<vmem>> -> memref<128x128xf32, #tpu.memory_space<vmem>>
      %dma_start3A_144 = arith.constant 0 : i32
      %dma_start3A_145 = tpu.memref_slice %arg10[%add3A_13, %dma_start3A_144] : memref<10240x128xf32, #tpu.memory_space<vmem_shared>> -> memref<128x128xf32, #tpu.memory_space<vmem_shared>>
      %dma_start3A_146 = arith.constant 0 : i32
      %dma_start3A_147 = tpu.memref_slice %arg10[%add3A_13, %dma_start3A_146] : memref<10240x128xf32, #tpu.memory_space<vmem_shared>> -> memref<128x128xf32, #tpu.memory_space<vmem_shared>>
      %dma_start3A_148 = arith.constant 0 : i32
      %dma_start3A_149 = arith.constant 0 : i32
      %dma_start3A_150 = tpu.memref_slice %arg8[%dma_start3A_148, %dma_start3A_149] : memref<128x128xf32, #tpu.memory_space<vmem>> -> memref<128x128xf32, #tpu.memory_space<vmem>>
      tpu.enqueue_dma source(%dma_start3A_150 : memref<128x128xf32, #tpu.memory_space<vmem>>) target(%dma_start3A_147 : memref<128x128xf32, #tpu.memory_space<vmem_shared>>) target_semaphore(%run_scoped3A : memref<!tpu.dma_semaphore, #tpu.memory_space<semaphore_mem>>)
      %dma_wait3A_151 = arith.constant 0 : i32
      %dma_wait3A_152 = arith.constant 0 : i32
      %dma_wait3A_153 = tpu.memref_slice %arg8[%dma_wait3A_151, %dma_wait3A_152] : memref<128x128xf32, #tpu.memory_space<vmem>> -> memref<128x128xf32, #tpu.memory_space<vmem>>
      %dma_wait3A_154 = arith.constant 0 : i32
      %dma_wait3A_155 = tpu.memref_slice %arg10[%add3A_13, %dma_wait3A_154] : memref<10240x128xf32, #tpu.memory_space<vmem_shared>> -> memref<128x128xf32, #tpu.memory_space<vmem_shared>>
      %dma_wait3A_156 = arith.constant 0 : i32
      %dma_wait3A_157 = tpu.memref_slice %arg10[%add3A_13, %dma_wait3A_156] : memref<10240x128xf32, #tpu.memory_space<vmem_shared>> -> memref<128x128xf32, #tpu.memory_space<vmem_shared>>
      %dma_wait3A_158 = arith.constant 0 : i32
      %dma_wait3A_159 = arith.constant 0 : i32
      %dma_wait3A_160 = tpu.memref_slice %arg8[%dma_wait3A_158, %dma_wait3A_159] : memref<128x128xf32, #tpu.memory_space<vmem>> -> memref<128x128xf32, #tpu.memory_space<vmem>>
      tpu.wait_dma2 semaphore(%run_scoped3A : memref<!tpu.dma_semaphore, #tpu.memory_space<semaphore_mem>>) src(%dma_wait3A_160 : memref<128x128xf32, #tpu.memory_space<vmem>>) dst(%dma_wait3A_157 : memref<128x128xf32, #tpu.memory_space<vmem_shared>>)
      tpu.yield
    }) : () -> ()
    %add3A_14 = arith.constant 384 : i32
    %add3A_15 = arith.addi %mul3A_7, %add3A_14 : i32
    "tpu.region"() ({
      %run_scoped3A = tpu.sem_alloc : memref<!tpu.dma_semaphore, #tpu.memory_space<semaphore_mem>>
      %dma_start3A_141 = arith.constant 0 : i32
      %dma_start3A_142 = arith.constant 0 : i32
      %dma_start3A_143 = tpu.memref_slice %arg8[%dma_start3A_141, %dma_start3A_142] : memref<128x128xf32, #tpu.memory_space<vmem>> -> memref<128x128xf32, #tpu.memory_space<vmem>>
      %dma_start3A_144 = arith.constant 0 : i32
      %dma_start3A_145 = tpu.memref_slice %arg10[%add3A_15, %dma_start3A_144] : memref<10240x128xf32, #tpu.memory_space<vmem_shared>> -> memref<128x128xf32, #tpu.memory_space<vmem_shared>>
      %dma_start3A_146 = arith.constant 0 : i32
      %dma_start3A_147 = tpu.memref_slice %arg10[%add3A_15, %dma_start3A_146] : memref<10240x128xf32, #tpu.memory_space<vmem_shared>> -> memref<128x128xf32, #tpu.memory_space<vmem_shared>>
      %dma_start3A_148 = arith.constant 0 : i32
      %dma_start3A_149 = arith.constant 0 : i32
      %dma_start3A_150 = tpu.memref_slice %arg8[%dma_start3A_148, %dma_start3A_149] : memref<128x128xf32, #tpu.memory_space<vmem>> -> memref<128x128xf32, #tpu.memory_space<vmem>>
      tpu.enqueue_dma source(%dma_start3A_150 : memref<128x128xf32, #tpu.memory_space<vmem>>) target(%dma_start3A_147 : memref<128x128xf32, #tpu.memory_space<vmem_shared>>) target_semaphore(%run_scoped3A : memref<!tpu.dma_semaphore, #tpu.memory_space<semaphore_mem>>)
      %dma_wait3A_151 = arith.constant 0 : i32
      %dma_wait3A_152 = arith.constant 0 : i32
      %dma_wait3A_153 = tpu.memref_slice %arg8[%dma_wait3A_151, %dma_wait3A_152] : memref<128x128xf32, #tpu.memory_space<vmem>> -> memref<128x128xf32, #tpu.memory_space<vmem>>
      %dma_wait3A_154 = arith.constant 0 : i32
      %dma_wait3A_155 = tpu.memref_slice %arg10[%add3A_15, %dma_wait3A_154] : memref<10240x128xf32, #tpu.memory_space<vmem_shared>> -> memref<128x128xf32, #tpu.memory_space<vmem_shared>>
      %dma_wait3A_156 = arith.constant 0 : i32
      %dma_wait3A_157 = tpu.memref_slice %arg10[%add3A_15, %dma_wait3A_156] : memref<10240x128xf32, #tpu.memory_space<vmem_shared>> -> memref<128x128xf32, #tpu.memory_space<vmem_shared>>
      %dma_wait3A_158 = arith.constant 0 : i32
      %dma_wait3A_159 = arith.constant 0 : i32
      %dma_wait3A_160 = tpu.memref_slice %arg8[%dma_wait3A_158, %dma_wait3A_159] : memref<128x128xf32, #tpu.memory_space<vmem>> -> memref<128x128xf32, #tpu.memory_space<vmem>>
      tpu.wait_dma2 semaphore(%run_scoped3A : memref<!tpu.dma_semaphore, #tpu.memory_space<semaphore_mem>>) src(%dma_wait3A_160 : memref<128x128xf32, #tpu.memory_space<vmem>>) dst(%dma_wait3A_157 : memref<128x128xf32, #tpu.memory_space<vmem_shared>>)
      tpu.yield
    }) : () -> ()
    %add3A_16 = arith.constant 512 : i32
    %add3A_17 = arith.addi %mul3A_7, %add3A_16 : i32
    "tpu.region"() ({
      %run_scoped3A = tpu.sem_alloc : memref<!tpu.dma_semaphore, #tpu.memory_space<semaphore_mem>>
      %dma_start3A_141 = arith.constant 0 : i32
      %dma_start3A_142 = arith.constant 0 : i32
      %dma_start3A_143 = tpu.memref_slice %arg8[%dma_start3A_141, %dma_start3A_142] : memref<128x128xf32, #tpu.memory_space<vmem>> -> memref<128x128xf32, #tpu.memory_space<vmem>>
      %dma_start3A_144 = arith.constant 0 : i32
      %dma_start3A_145 = tpu.memref_slice %arg10[%add3A_17, %dma_start3A_144] : memref<10240x128xf32, #tpu.memory_space<vmem_shared>> -> memref<128x128xf32, #tpu.memory_space<vmem_shared>>
      %dma_start3A_146 = arith.constant 0 : i32
      %dma_start3A_147 = tpu.memref_slice %arg10[%add3A_17, %dma_start3A_146] : memref<10240x128xf32, #tpu.memory_space<vmem_shared>> -> memref<128x128xf32, #tpu.memory_space<vmem_shared>>
      %dma_start3A_148 = arith.constant 0 : i32
      %dma_start3A_149 = arith.constant 0 : i32
      %dma_start3A_150 = tpu.memref_slice %arg8[%dma_start3A_148, %dma_start3A_149] : memref<128x128xf32, #tpu.memory_space<vmem>> -> memref<128x128xf32, #tpu.memory_space<vmem>>
      tpu.enqueue_dma source(%dma_start3A_150 : memref<128x128xf32, #tpu.memory_space<vmem>>) target(%dma_start3A_147 : memref<128x128xf32, #tpu.memory_space<vmem_shared>>) target_semaphore(%run_scoped3A : memref<!tpu.dma_semaphore, #tpu.memory_space<semaphore_mem>>)
      %dma_wait3A_151 = arith.constant 0 : i32
      %dma_wait3A_152 = arith.constant 0 : i32
      %dma_wait3A_153 = tpu.memref_slice %arg8[%dma_wait3A_151, %dma_wait3A_152] : memref<128x128xf32, #tpu.memory_space<vmem>> -> memref<128x128xf32, #tpu.memory_space<vmem>>
      %dma_wait3A_154 = arith.constant 0 : i32
      %dma_wait3A_155 = tpu.memref_slice %arg10[%add3A_17, %dma_wait3A_154] : memref<10240x128xf32, #tpu.memory_space<vmem_shared>> -> memref<128x128xf32, #tpu.memory_space<vmem_shared>>
      %dma_wait3A_156 = arith.constant 0 : i32
      %dma_wait3A_157 = tpu.memref_slice %arg10[%add3A_17, %dma_wait3A_156] : memref<10240x128xf32, #tpu.memory_space<vmem_shared>> -> memref<128x128xf32, #tpu.memory_space<vmem_shared>>
      %dma_wait3A_158 = arith.constant 0 : i32
      %dma_wait3A_159 = arith.constant 0 : i32
      %dma_wait3A_160 = tpu.memref_slice %arg8[%dma_wait3A_158, %dma_wait3A_159] : memref<128x128xf32, #tpu.memory_space<vmem>> -> memref<128x128xf32, #tpu.memory_space<vmem>>
      tpu.wait_dma2 semaphore(%run_scoped3A : memref<!tpu.dma_semaphore, #tpu.memory_space<semaphore_mem>>) src(%dma_wait3A_160 : memref<128x128xf32, #tpu.memory_space<vmem>>) dst(%dma_wait3A_157 : memref<128x128xf32, #tpu.memory_space<vmem_shared>>)
      tpu.yield
    }) : () -> ()
    %barrier3A = arith.constant 0 : index
    tpu.barrier barrier_id(%barrier3A)
    "tpu.region"() ({
      %run_scoped3A = tpu.sem_alloc : memref<!tpu.dma_semaphore, #tpu.memory_space<semaphore_mem>>
      %dma_start3A_141 = arith.constant 0 : i32
      %dma_start3A_142 = arith.constant 0 : i32
      %dma_start3A_143 = tpu.memref_slice %arg3[%add3A, %dma_start3A_141, %dma_start3A_142] : memref<32x80x128xi32, #tpu.memory_space<hbm>> -> memref<1x40x128xi32, #tpu.memory_space<hbm>>
      %dma_start3A_144 = tpu.memref_squeeze %dma_start3A_143 : memref<1x40x128xi32, #tpu.memory_space<hbm>> -> memref<40x128xi32, #tpu.memory_space<hbm>>
      %dma_start3A_145 = arith.constant 0 : i32
      %dma_start3A_146 = arith.constant 0 : i32
      %dma_start3A_147 = tpu.memref_slice %arg3[%add3A, %dma_start3A_145, %dma_start3A_146] : memref<32x80x128xi32, #tpu.memory_space<hbm>> -> memref<1x40x128xi32, #tpu.memory_space<hbm>>
      %dma_start3A_148 = tpu.memref_squeeze %dma_start3A_147 : memref<1x40x128xi32, #tpu.memory_space<hbm>> -> memref<40x128xi32, #tpu.memory_space<hbm>>
      tpu.enqueue_dma source(%dma_start3A_148 : memref<40x128xi32, #tpu.memory_space<hbm>>) target(%arg6 : memref<40x128xi32, #tpu.memory_space<vmem>>) target_semaphore(%run_scoped3A : memref<!tpu.dma_semaphore, #tpu.memory_space<semaphore_mem>>)
      %dma_wait3A_149 = arith.constant 0 : i32
      %dma_wait3A_150 = arith.constant 0 : i32
      %dma_wait3A_151 = tpu.memref_slice %arg3[%add3A, %dma_wait3A_149, %dma_wait3A_150] : memref<32x80x128xi32, #tpu.memory_space<hbm>> -> memref<1x40x128xi32, #tpu.memory_space<hbm>>
      %dma_wait3A_152 = tpu.memref_squeeze %dma_wait3A_151 : memref<1x40x128xi32, #tpu.memory_space<hbm>> -> memref<40x128xi32, #tpu.memory_space<hbm>>
      %dma_wait3A_153 = arith.constant 0 : i32
      %dma_wait3A_154 = arith.constant 0 : i32
      %dma_wait3A_155 = tpu.memref_slice %arg3[%add3A, %dma_wait3A_153, %dma_wait3A_154] : memref<32x80x128xi32, #tpu.memory_space<hbm>> -> memref<1x40x128xi32, #tpu.memory_space<hbm>>
      %dma_wait3A_156 = tpu.memref_squeeze %dma_wait3A_155 : memref<1x40x128xi32, #tpu.memory_space<hbm>> -> memref<40x128xi32, #tpu.memory_space<hbm>>
      tpu.wait_dma2 semaphore(%run_scoped3A : memref<!tpu.dma_semaphore, #tpu.memory_space<semaphore_mem>>) src(%dma_wait3A_156 : memref<40x128xi32, #tpu.memory_space<hbm>>) dst(%arg6 : memref<40x128xi32, #tpu.memory_space<vmem>>)
      tpu.yield
    }) : () -> ()
    "tpu.region"() ({
      %run_scoped3A = tpu.sem_alloc : memref<!tpu.dma_semaphore, #tpu.memory_space<semaphore_mem>>
      %dma_start3A_141 = arith.constant 0 : i32
      %dma_start3A_142 = arith.constant 0 : i32
      %dma_start3A_143 = tpu.memref_slice %arg4[%add3A, %dma_start3A_141, %dma_start3A_142] : memref<32x80x128xi32, #tpu.memory_space<hbm>> -> memref<1x40x128xi32, #tpu.memory_space<hbm>>
      %dma_start3A_144 = tpu.memref_squeeze %dma_start3A_143 : memref<1x40x128xi32, #tpu.memory_space<hbm>> -> memref<40x128xi32, #tpu.memory_space<hbm>>
      %dma_start3A_145 = arith.constant 0 : i32
      %dma_start3A_146 = arith.constant 0 : i32
      %dma_start3A_147 = tpu.memref_slice %arg4[%add3A, %dma_start3A_145, %dma_start3A_146] : memref<32x80x128xi32, #tpu.memory_space<hbm>> -> memref<1x40x128xi32, #tpu.memory_space<hbm>>
      %dma_start3A_148 = tpu.memref_squeeze %dma_start3A_147 : memref<1x40x128xi32, #tpu.memory_space<hbm>> -> memref<40x128xi32, #tpu.memory_space<hbm>>
      tpu.enqueue_dma source(%dma_start3A_148 : memref<40x128xi32, #tpu.memory_space<hbm>>) target(%arg7 : memref<40x128xi32, #tpu.memory_space<vmem>>) target_semaphore(%run_scoped3A : memref<!tpu.dma_semaphore, #tpu.memory_space<semaphore_mem>>)
      %dma_wait3A_149 = arith.constant 0 : i32
      %dma_wait3A_150 = arith.constant 0 : i32
      %dma_wait3A_151 = tpu.memref_slice %arg4[%add3A, %dma_wait3A_149, %dma_wait3A_150] : memref<32x80x128xi32, #tpu.memory_space<hbm>> -> memref<1x40x128xi32, #tpu.memory_space<hbm>>
      %dma_wait3A_152 = tpu.memref_squeeze %dma_wait3A_151 : memref<1x40x128xi32, #tpu.memory_space<hbm>> -> memref<40x128xi32, #tpu.memory_space<hbm>>
      %dma_wait3A_153 = arith.constant 0 : i32
      %dma_wait3A_154 = arith.constant 0 : i32
      %dma_wait3A_155 = tpu.memref_slice %arg4[%add3A, %dma_wait3A_153, %dma_wait3A_154] : memref<32x80x128xi32, #tpu.memory_space<hbm>> -> memref<1x40x128xi32, #tpu.memory_space<hbm>>
      %dma_wait3A_156 = tpu.memref_squeeze %dma_wait3A_155 : memref<1x40x128xi32, #tpu.memory_space<hbm>> -> memref<40x128xi32, #tpu.memory_space<hbm>>
      tpu.wait_dma2 semaphore(%run_scoped3A : memref<!tpu.dma_semaphore, #tpu.memory_space<semaphore_mem>>) src(%dma_wait3A_156 : memref<40x128xi32, #tpu.memory_space<hbm>>) dst(%arg7 : memref<40x128xi32, #tpu.memory_space<vmem>>)
      tpu.yield
    }) : () -> ()
    %dma_start3A = arith.constant 0 : i32
    %dma_start3A_18 = arith.constant 0 : i32
    %dma_start3A_19 = tpu.memref_slice %arg6[%dma_start3A, %dma_start3A_18] : memref<40x128xi32, #tpu.memory_space<vmem>> -> memref<1x128xi32, #tpu.memory_space<vmem>>
    %dma_start3A_20 = tpu.memref_squeeze %dma_start3A_19 : memref<1x128xi32, #tpu.memory_space<vmem>> -> memref<128xi32, #tpu.memory_space<vmem>>
    %dma_start3A_21 = arith.constant 0 : i32
    %dma_start3A_22 = arith.constant 0 : i32
    %dma_start3A_23 = tpu.memref_slice %arg2[%dma_start3A_21, %dma_start3A_22] : memref<10000x128xf32, #tpu.memory_space<hbm>> -> memref<10000x128xf32, #tpu.memory_space<hbm>>
    tpu.enqueue_indirect_dma source(%dma_start3A_23 : memref<10000x128xf32, #tpu.memory_space<hbm>>) target(%arg8 : memref<128x128xf32, #tpu.memory_space<vmem>>) offsets(%dma_start3A_20 : memref<128xi32, #tpu.memory_space<vmem>>) semaphore(%arg11 : memref<!tpu.dma_semaphore, #tpu.memory_space<semaphore_mem>>)
    %dma_wait3A = arith.constant 0 : i32
    %dma_wait3A_24 = arith.constant 0 : i32
    %dma_wait3A_25 = tpu.memref_slice %arg6[%dma_wait3A, %dma_wait3A_24] : memref<40x128xi32, #tpu.memory_space<vmem>> -> memref<1x128xi32, #tpu.memory_space<vmem>>
    %dma_wait3A_26 = tpu.memref_squeeze %dma_wait3A_25 : memref<1x128xi32, #tpu.memory_space<vmem>> -> memref<128xi32, #tpu.memory_space<vmem>>
    %dma_wait3A_27 = arith.constant 0 : i32
    %dma_wait3A_28 = arith.constant 0 : i32
    %dma_wait3A_29 = tpu.memref_slice %arg2[%dma_wait3A_27, %dma_wait3A_28] : memref<10000x128xf32, #tpu.memory_space<hbm>> -> memref<10000x128xf32, #tpu.memory_space<hbm>>
    tpu.wait_indirect_dma semaphore(%arg11 : memref<!tpu.dma_semaphore, #tpu.memory_space<semaphore_mem>>) src(%dma_wait3A_29 : memref<10000x128xf32, #tpu.memory_space<hbm>>) dst(%arg8 : memref<128x128xf32, #tpu.memory_space<vmem>>)
    %dma_start3A_30 = arith.constant 0 : i32
    %dma_start3A_31 = arith.constant 0 : i32
    %dma_start3A_32 = tpu.memref_slice %arg7[%dma_start3A_30, %dma_start3A_31] : memref<40x128xi32, #tpu.memory_space<vmem>> -> memref<1x128xi32, #tpu.memory_space<vmem>>
    %dma_start3A_33 = tpu.memref_squeeze %dma_start3A_32 : memref<1x128xi32, #tpu.memory_space<vmem>> -> memref<128xi32, #tpu.memory_space<vmem>>
    %dma_start3A_34 = arith.constant 0 : i32
    %dma_start3A_35 = arith.constant 0 : i32
    %dma_start3A_36 = tpu.memref_slice %arg10[%dma_start3A_34, %dma_start3A_35] : memref<10240x128xf32, #tpu.memory_space<vmem_shared>> -> memref<10240x128xf32, #tpu.memory_space<vmem_shared>>
    tpu.enqueue_indirect_dma source(%arg8 : memref<128x128xf32, #tpu.memory_space<vmem>>) target(%dma_start3A_36 : memref<10240x128xf32, #tpu.memory_space<vmem_shared>>) offsets(%dma_start3A_33 : memref<128xi32, #tpu.memory_space<vmem>>) semaphore(%arg13 : memref<!tpu.dma_semaphore, #tpu.memory_space<semaphore_mem>>) {add = true}
    %dma_start3A_37 = arith.constant 1 : i32
    %dma_start3A_38 = arith.constant 0 : i32
    %dma_start3A_39 = tpu.memref_slice %arg6[%dma_start3A_37, %dma_start3A_38] : memref<40x128xi32, #tpu.memory_space<vmem>> -> memref<1x128xi32, #tpu.memory_space<vmem>>
    %dma_start3A_40 = tpu.memref_squeeze %dma_start3A_39 : memref<1x128xi32, #tpu.memory_space<vmem>> -> memref<128xi32, #tpu.memory_space<vmem>>
    %dma_start3A_41 = arith.constant 0 : i32
    %dma_start3A_42 = arith.constant 0 : i32
    %dma_start3A_43 = tpu.memref_slice %arg2[%dma_start3A_41, %dma_start3A_42] : memref<10000x128xf32, #tpu.memory_space<hbm>> -> memref<10000x128xf32, #tpu.memory_space<hbm>>
    tpu.enqueue_indirect_dma source(%dma_start3A_43 : memref<10000x128xf32, #tpu.memory_space<hbm>>) target(%arg9 : memref<128x128xf32, #tpu.memory_space<vmem>>) offsets(%dma_start3A_40 : memref<128xi32, #tpu.memory_space<vmem>>) semaphore(%arg12 : memref<!tpu.dma_semaphore, #tpu.memory_space<semaphore_mem>>)
    %scan3A_44 = arith.constant 0 : i32
    %scan3A_45 = arith.constant 19 : i32
    %scan3A_46 = arith.addi %scan3A_44, %scan3A_45 : i32
    %scan3A_47 = arith.constant 1 : i32
    scf.for %scan3A_141 = %scan3A_44 to %scan3A_46 step %scan3A_47  : i32 {
      %mul3A_142 = arith.constant 2 : i32
      %mul3A_143 = arith.muli %mul3A_142, %scan3A_141 : i32
      %add3A_144 = arith.constant 1 : i32
      %add3A_145 = arith.addi %mul3A_143, %add3A_144 : i32
      %dma_wait3A_146 = arith.constant 0 : i32
      %dma_wait3A_147 = tpu.memref_slice %arg6[%add3A_145, %dma_wait3A_146] : memref<40x128xi32, #tpu.memory_space<vmem>> -> memref<1x128xi32, #tpu.memory_space<vmem>>
      %dma_wait3A_148 = tpu.memref_squeeze %dma_wait3A_147 : memref<1x128xi32, #tpu.memory_space<vmem>> -> memref<128xi32, #tpu.memory_space<vmem>>
      %dma_wait3A_149 = arith.constant 0 : i32
      %dma_wait3A_150 = arith.constant 0 : i32
      %dma_wait3A_151 = tpu.memref_slice %arg2[%dma_wait3A_149, %dma_wait3A_150] : memref<10000x128xf32, #tpu.memory_space<hbm>> -> memref<10000x128xf32, #tpu.memory_space<hbm>>
      tpu.wait_indirect_dma semaphore(%arg12 : memref<!tpu.dma_semaphore, #tpu.memory_space<semaphore_mem>>) src(%dma_wait3A_151 : memref<10000x128xf32, #tpu.memory_space<hbm>>) dst(%arg9 : memref<128x128xf32, #tpu.memory_space<vmem>>)
      %dma_start3A_152 = arith.constant 0 : i32
      %dma_start3A_153 = tpu.memref_slice %arg7[%add3A_145, %dma_start3A_152] : memref<40x128xi32, #tpu.memory_space<vmem>> -> memref<1x128xi32, #tpu.memory_space<vmem>>
      %dma_start3A_154 = tpu.memref_squeeze %dma_start3A_153 : memref<1x128xi32, #tpu.memory_space<vmem>> -> memref<128xi32, #tpu.memory_space<vmem>>
      %dma_start3A_155 = arith.constant 0 : i32
      %dma_start3A_156 = arith.constant 0 : i32
      %dma_start3A_157 = tpu.memref_slice %arg10[%dma_start3A_155, %dma_start3A_156] : memref<10240x128xf32, #tpu.memory_space<vmem_shared>> -> memref<10240x128xf32, #tpu.memory_space<vmem_shared>>
      tpu.enqueue_indirect_dma source(%arg9 : memref<128x128xf32, #tpu.memory_space<vmem>>) target(%dma_start3A_157 : memref<10240x128xf32, #tpu.memory_space<vmem_shared>>) offsets(%dma_start3A_154 : memref<128xi32, #tpu.memory_space<vmem>>) semaphore(%arg14 : memref<!tpu.dma_semaphore, #tpu.memory_space<semaphore_mem>>) {add = true}
      %dma_wait3A_158 = arith.constant 0 : i32
      %dma_wait3A_159 = arith.constant 0 : i32
      %dma_wait3A_160 = tpu.memref_slice %arg7[%dma_wait3A_158, %dma_wait3A_159] : memref<40x128xi32, #tpu.memory_space<vmem>> -> memref<1x128xi32, #tpu.memory_space<vmem>>
      %dma_wait3A_161 = tpu.memref_squeeze %dma_wait3A_160 : memref<1x128xi32, #tpu.memory_space<vmem>> -> memref<128xi32, #tpu.memory_space<vmem>>
      %dma_wait3A_162 = arith.constant 0 : i32
      %dma_wait3A_163 = arith.constant 0 : i32
      %dma_wait3A_164 = tpu.memref_slice %arg10[%dma_wait3A_162, %dma_wait3A_163] : memref<10240x128xf32, #tpu.memory_space<vmem_shared>> -> memref<10240x128xf32, #tpu.memory_space<vmem_shared>>
      tpu.wait_indirect_dma semaphore(%arg13 : memref<!tpu.dma_semaphore, #tpu.memory_space<semaphore_mem>>) src(%arg8 : memref<128x128xf32, #tpu.memory_space<vmem>>) dst(%dma_wait3A_164 : memref<10240x128xf32, #tpu.memory_space<vmem_shared>>)
      %add3A_165 = arith.constant 1 : i32
      %add3A_166 = arith.addi %add3A_145, %add3A_165 : i32
      %dma_start3A_167 = arith.constant 0 : i32
      %dma_start3A_168 = tpu.memref_slice %arg6[%add3A_166, %dma_start3A_167] : memref<40x128xi32, #tpu.memory_space<vmem>> -> memref<1x128xi32, #tpu.memory_space<vmem>>
      %dma_start3A_169 = tpu.memref_squeeze %dma_start3A_168 : memref<1x128xi32, #tpu.memory_space<vmem>> -> memref<128xi32, #tpu.memory_space<vmem>>
      %dma_start3A_170 = arith.constant 0 : i32
      %dma_start3A_171 = arith.constant 0 : i32
      %dma_start3A_172 = tpu.memref_slice %arg2[%dma_start3A_170, %dma_start3A_171] : memref<10000x128xf32, #tpu.memory_space<hbm>> -> memref<10000x128xf32, #tpu.memory_space<hbm>>
      tpu.enqueue_indirect_dma source(%dma_start3A_172 : memref<10000x128xf32, #tpu.memory_space<hbm>>) target(%arg8 : memref<128x128xf32, #tpu.memory_space<vmem>>) offsets(%dma_start3A_169 : memref<128xi32, #tpu.memory_space<vmem>>) semaphore(%arg11 : memref<!tpu.dma_semaphore, #tpu.memory_space<semaphore_mem>>)
      %add3A_173 = arith.constant 1 : i32
      %add3A_174 = arith.addi %add3A_145, %add3A_173 : i32
      %dma_wait3A_175 = arith.constant 0 : i32
      %dma_wait3A_176 = tpu.memref_slice %arg6[%add3A_174, %dma_wait3A_175] : memref<40x128xi32, #tpu.memory_space<vmem>> -> memref<1x128xi32, #tpu.memory_space<vmem>>
      %dma_wait3A_177 = tpu.memref_squeeze %dma_wait3A_176 : memref<1x128xi32, #tpu.memory_space<vmem>> -> memref<128xi32, #tpu.memory_space<vmem>>
      %dma_wait3A_178 = arith.constant 0 : i32
      %dma_wait3A_179 = arith.constant 0 : i32
      %dma_wait3A_180 = tpu.memref_slice %arg2[%dma_wait3A_178, %dma_wait3A_179] : memref<10000x128xf32, #tpu.memory_space<hbm>> -> memref<10000x128xf32, #tpu.memory_space<hbm>>
      tpu.wait_indirect_dma semaphore(%arg11 : memref<!tpu.dma_semaphore, #tpu.memory_space<semaphore_mem>>) src(%dma_wait3A_180 : memref<10000x128xf32, #tpu.memory_space<hbm>>) dst(%arg8 : memref<128x128xf32, #tpu.memory_space<vmem>>)
      %add3A_181 = arith.constant 1 : i32
      %add3A_182 = arith.addi %add3A_145, %add3A_181 : i32
      %dma_start3A_183 = arith.constant 0 : i32
      %dma_start3A_184 = tpu.memref_slice %arg7[%add3A_182, %dma_start3A_183] : memref<40x128xi32, #tpu.memory_space<vmem>> -> memref<1x128xi32, #tpu.memory_space<vmem>>
      %dma_start3A_185 = tpu.memref_squeeze %dma_start3A_184 : memref<1x128xi32, #tpu.memory_space<vmem>> -> memref<128xi32, #tpu.memory_space<vmem>>
      %dma_start3A_186 = arith.constant 0 : i32
      %dma_start3A_187 = arith.constant 0 : i32
      %dma_start3A_188 = tpu.memref_slice %arg10[%dma_start3A_186, %dma_start3A_187] : memref<10240x128xf32, #tpu.memory_space<vmem_shared>> -> memref<10240x128xf32, #tpu.memory_space<vmem_shared>>
      tpu.enqueue_indirect_dma source(%arg8 : memref<128x128xf32, #tpu.memory_space<vmem>>) target(%dma_start3A_188 : memref<10240x128xf32, #tpu.memory_space<vmem_shared>>) offsets(%dma_start3A_185 : memref<128xi32, #tpu.memory_space<vmem>>) semaphore(%arg13 : memref<!tpu.dma_semaphore, #tpu.memory_space<semaphore_mem>>) {add = true}
      %dma_wait3A_189 = arith.constant 0 : i32
      %dma_wait3A_190 = arith.constant 0 : i32
      %dma_wait3A_191 = tpu.memref_slice %arg7[%dma_wait3A_189, %dma_wait3A_190] : memref<40x128xi32, #tpu.memory_space<vmem>> -> memref<1x128xi32, #tpu.memory_space<vmem>>
      %dma_wait3A_192 = tpu.memref_squeeze %dma_wait3A_191 : memref<1x128xi32, #tpu.memory_space<vmem>> -> memref<128xi32, #tpu.memory_space<vmem>>
      %dma_wait3A_193 = arith.constant 0 : i32
      %dma_wait3A_194 = arith.constant 0 : i32
      %dma_wait3A_195 = tpu.memref_slice %arg10[%dma_wait3A_193, %dma_wait3A_194] : memref<10240x128xf32, #tpu.memory_space<vmem_shared>> -> memref<10240x128xf32, #tpu.memory_space<vmem_shared>>
      tpu.wait_indirect_dma semaphore(%arg14 : memref<!tpu.dma_semaphore, #tpu.memory_space<semaphore_mem>>) src(%arg9 : memref<128x128xf32, #tpu.memory_space<vmem>>) dst(%dma_wait3A_195 : memref<10240x128xf32, #tpu.memory_space<vmem_shared>>)
      %add3A_196 = arith.constant 2 : i32
      %add3A_197 = arith.addi %add3A_145, %add3A_196 : i32
      %dma_start3A_198 = arith.constant 0 : i32
      %dma_start3A_199 = tpu.memref_slice %arg6[%add3A_197, %dma_start3A_198] : memref<40x128xi32, #tpu.memory_space<vmem>> -> memref<1x128xi32, #tpu.memory_space<vmem>>
      %dma_start3A_200 = tpu.memref_squeeze %dma_start3A_199 : memref<1x128xi32, #tpu.memory_space<vmem>> -> memref<128xi32, #tpu.memory_space<vmem>>
      %dma_start3A_201 = arith.constant 0 : i32
      %dma_start3A_202 = arith.constant 0 : i32
      %dma_start3A_203 = tpu.memref_slice %arg2[%dma_start3A_201, %dma_start3A_202] : memref<10000x128xf32, #tpu.memory_space<hbm>> -> memref<10000x128xf32, #tpu.memory_space<hbm>>
      tpu.enqueue_indirect_dma source(%dma_start3A_203 : memref<10000x128xf32, #tpu.memory_space<hbm>>) target(%arg9 : memref<128x128xf32, #tpu.memory_space<vmem>>) offsets(%dma_start3A_200 : memref<128xi32, #tpu.memory_space<vmem>>) semaphore(%arg12 : memref<!tpu.dma_semaphore, #tpu.memory_space<semaphore_mem>>)
    }
    %scan3A_48 = arith.constant 19 : i32
    %dma_wait3A_49 = arith.constant 39 : i32
    %dma_wait3A_50 = arith.constant 0 : i32
    %dma_wait3A_51 = tpu.memref_slice %arg6[%dma_wait3A_49, %dma_wait3A_50] : memref<40x128xi32, #tpu.memory_space<vmem>> -> memref<1x128xi32, #tpu.memory_space<vmem>>
    %dma_wait3A_52 = tpu.memref_squeeze %dma_wait3A_51 : memref<1x128xi32, #tpu.memory_space<vmem>> -> memref<128xi32, #tpu.memory_space<vmem>>
    %dma_wait3A_53 = arith.constant 0 : i32
    %dma_wait3A_54 = arith.constant 0 : i32
    %dma_wait3A_55 = tpu.memref_slice %arg2[%dma_wait3A_53, %dma_wait3A_54] : memref<10000x128xf32, #tpu.memory_space<hbm>> -> memref<10000x128xf32, #tpu.memory_space<hbm>>
    tpu.wait_indirect_dma semaphore(%arg12 : memref<!tpu.dma_semaphore, #tpu.memory_space<semaphore_mem>>) src(%dma_wait3A_55 : memref<10000x128xf32, #tpu.memory_space<hbm>>) dst(%arg9 : memref<128x128xf32, #tpu.memory_space<vmem>>)
    %dma_start3A_56 = arith.constant 39 : i32
    %dma_start3A_57 = arith.constant 0 : i32
    %dma_start3A_58 = tpu.memref_slice %arg7[%dma_start3A_56, %dma_start3A_57] : memref<40x128xi32, #tpu.memory_space<vmem>> -> memref<1x128xi32, #tpu.memory_space<vmem>>
    %dma_start3A_59 = tpu.memref_squeeze %dma_start3A_58 : memref<1x128xi32, #tpu.memory_space<vmem>> -> memref<128xi32, #tpu.memory_space<vmem>>
    %dma_start3A_60 = arith.constant 0 : i32
    %dma_start3A_61 = arith.constant 0 : i32
    %dma_start3A_62 = tpu.memref_slice %arg10[%dma_start3A_60, %dma_start3A_61] : memref<10240x128xf32, #tpu.memory_space<vmem_shared>> -> memref<10240x128xf32, #tpu.memory_space<vmem_shared>>
    tpu.enqueue_indirect_dma source(%arg9 : memref<128x128xf32, #tpu.memory_space<vmem>>) target(%dma_start3A_62 : memref<10240x128xf32, #tpu.memory_space<vmem_shared>>) offsets(%dma_start3A_59 : memref<128xi32, #tpu.memory_space<vmem>>) semaphore(%arg14 : memref<!tpu.dma_semaphore, #tpu.memory_space<semaphore_mem>>) {add = true}
    %dma_wait3A_63 = arith.constant 0 : i32
    %dma_wait3A_64 = arith.constant 0 : i32
    %dma_wait3A_65 = tpu.memref_slice %arg7[%dma_wait3A_63, %dma_wait3A_64] : memref<40x128xi32, #tpu.memory_space<vmem>> -> memref<1x128xi32, #tpu.memory_space<vmem>>
    %dma_wait3A_66 = tpu.memref_squeeze %dma_wait3A_65 : memref<1x128xi32, #tpu.memory_space<vmem>> -> memref<128xi32, #tpu.memory_space<vmem>>
    %dma_wait3A_67 = arith.constant 0 : i32
    %dma_wait3A_68 = arith.constant 0 : i32
    %dma_wait3A_69 = tpu.memref_slice %arg10[%dma_wait3A_67, %dma_wait3A_68] : memref<10240x128xf32, #tpu.memory_space<vmem_shared>> -> memref<10240x128xf32, #tpu.memory_space<vmem_shared>>
    tpu.wait_indirect_dma semaphore(%arg13 : memref<!tpu.dma_semaphore, #tpu.memory_space<semaphore_mem>>) src(%arg8 : memref<128x128xf32, #tpu.memory_space<vmem>>) dst(%dma_wait3A_69 : memref<10240x128xf32, #tpu.memory_space<vmem_shared>>)
    %dma_wait3A_70 = arith.constant 0 : i32
    %dma_wait3A_71 = arith.constant 0 : i32
    %dma_wait3A_72 = tpu.memref_slice %arg7[%dma_wait3A_70, %dma_wait3A_71] : memref<40x128xi32, #tpu.memory_space<vmem>> -> memref<1x128xi32, #tpu.memory_space<vmem>>
    %dma_wait3A_73 = tpu.memref_squeeze %dma_wait3A_72 : memref<1x128xi32, #tpu.memory_space<vmem>> -> memref<128xi32, #tpu.memory_space<vmem>>
    %dma_wait3A_74 = arith.constant 0 : i32
    %dma_wait3A_75 = arith.constant 0 : i32
    %dma_wait3A_76 = tpu.memref_slice %arg10[%dma_wait3A_74, %dma_wait3A_75] : memref<10240x128xf32, #tpu.memory_space<vmem_shared>> -> memref<10240x128xf32, #tpu.memory_space<vmem_shared>>
    tpu.wait_indirect_dma semaphore(%arg14 : memref<!tpu.dma_semaphore, #tpu.memory_space<semaphore_mem>>) src(%arg9 : memref<128x128xf32, #tpu.memory_space<vmem>>) dst(%dma_wait3A_76 : memref<10240x128xf32, #tpu.memory_space<vmem_shared>>)
    "tpu.region"() ({
      %run_scoped3A = tpu.sem_alloc : memref<!tpu.dma_semaphore, #tpu.memory_space<semaphore_mem>>
      %dma_start3A_141 = arith.constant 40 : i32
      %dma_start3A_142 = arith.constant 0 : i32
      %dma_start3A_143 = tpu.memref_slice %arg3[%add3A, %dma_start3A_141, %dma_start3A_142] : memref<32x80x128xi32, #tpu.memory_space<hbm>> -> memref<1x40x128xi32, #tpu.memory_space<hbm>>
      %dma_start3A_144 = tpu.memref_squeeze %dma_start3A_143 : memref<1x40x128xi32, #tpu.memory_space<hbm>> -> memref<40x128xi32, #tpu.memory_space<hbm>>
      %dma_start3A_145 = arith.constant 40 : i32
      %dma_start3A_146 = arith.constant 0 : i32
      %dma_start3A_147 = tpu.memref_slice %arg3[%add3A, %dma_start3A_145, %dma_start3A_146] : memref<32x80x128xi32, #tpu.memory_space<hbm>> -> memref<1x40x128xi32, #tpu.memory_space<hbm>>
      %dma_start3A_148 = tpu.memref_squeeze %dma_start3A_147 : memref<1x40x128xi32, #tpu.memory_space<hbm>> -> memref<40x128xi32, #tpu.memory_space<hbm>>
      tpu.enqueue_dma source(%dma_start3A_148 : memref<40x128xi32, #tpu.memory_space<hbm>>) target(%arg6 : memref<40x128xi32, #tpu.memory_space<vmem>>) target_semaphore(%run_scoped3A : memref<!tpu.dma_semaphore, #tpu.memory_space<semaphore_mem>>)
      %dma_wait3A_149 = arith.constant 40 : i32
      %dma_wait3A_150 = arith.constant 0 : i32
      %dma_wait3A_151 = tpu.memref_slice %arg3[%add3A, %dma_wait3A_149, %dma_wait3A_150] : memref<32x80x128xi32, #tpu.memory_space<hbm>> -> memref<1x40x128xi32, #tpu.memory_space<hbm>>
      %dma_wait3A_152 = tpu.memref_squeeze %dma_wait3A_151 : memref<1x40x128xi32, #tpu.memory_space<hbm>> -> memref<40x128xi32, #tpu.memory_space<hbm>>
      %dma_wait3A_153 = arith.constant 40 : i32
      %dma_wait3A_154 = arith.constant 0 : i32
      %dma_wait3A_155 = tpu.memref_slice %arg3[%add3A, %dma_wait3A_153, %dma_wait3A_154] : memref<32x80x128xi32, #tpu.memory_space<hbm>> -> memref<1x40x128xi32, #tpu.memory_space<hbm>>
      %dma_wait3A_156 = tpu.memref_squeeze %dma_wait3A_155 : memref<1x40x128xi32, #tpu.memory_space<hbm>> -> memref<40x128xi32, #tpu.memory_space<hbm>>
      tpu.wait_dma2 semaphore(%run_scoped3A : memref<!tpu.dma_semaphore, #tpu.memory_space<semaphore_mem>>) src(%dma_wait3A_156 : memref<40x128xi32, #tpu.memory_space<hbm>>) dst(%arg6 : memref<40x128xi32, #tpu.memory_space<vmem>>)
      tpu.yield
    }) : () -> ()
    "tpu.region"() ({
      %run_scoped3A = tpu.sem_alloc : memref<!tpu.dma_semaphore, #tpu.memory_space<semaphore_mem>>
      %dma_start3A_141 = arith.constant 40 : i32
      %dma_start3A_142 = arith.constant 0 : i32
      %dma_start3A_143 = tpu.memref_slice %arg4[%add3A, %dma_start3A_141, %dma_start3A_142] : memref<32x80x128xi32, #tpu.memory_space<hbm>> -> memref<1x40x128xi32, #tpu.memory_space<hbm>>
      %dma_start3A_144 = tpu.memref_squeeze %dma_start3A_143 : memref<1x40x128xi32, #tpu.memory_space<hbm>> -> memref<40x128xi32, #tpu.memory_space<hbm>>
      %dma_start3A_145 = arith.constant 40 : i32
      %dma_start3A_146 = arith.constant 0 : i32
      %dma_start3A_147 = tpu.memref_slice %arg4[%add3A, %dma_start3A_145, %dma_start3A_146] : memref<32x80x128xi32, #tpu.memory_space<hbm>> -> memref<1x40x128xi32, #tpu.memory_space<hbm>>
      %dma_start3A_148 = tpu.memref_squeeze %dma_start3A_147 : memref<1x40x128xi32, #tpu.memory_space<hbm>> -> memref<40x128xi32, #tpu.memory_space<hbm>>
      tpu.enqueue_dma source(%dma_start3A_148 : memref<40x128xi32, #tpu.memory_space<hbm>>) target(%arg7 : memref<40x128xi32, #tpu.memory_space<vmem>>) target_semaphore(%run_scoped3A : memref<!tpu.dma_semaphore, #tpu.memory_space<semaphore_mem>>)
      %dma_wait3A_149 = arith.constant 40 : i32
      %dma_wait3A_150 = arith.constant 0 : i32
      %dma_wait3A_151 = tpu.memref_slice %arg4[%add3A, %dma_wait3A_149, %dma_wait3A_150] : memref<32x80x128xi32, #tpu.memory_space<hbm>> -> memref<1x40x128xi32, #tpu.memory_space<hbm>>
      %dma_wait3A_152 = tpu.memref_squeeze %dma_wait3A_151 : memref<1x40x128xi32, #tpu.memory_space<hbm>> -> memref<40x128xi32, #tpu.memory_space<hbm>>
      %dma_wait3A_153 = arith.constant 40 : i32
      %dma_wait3A_154 = arith.constant 0 : i32
      %dma_wait3A_155 = tpu.memref_slice %arg4[%add3A, %dma_wait3A_153, %dma_wait3A_154] : memref<32x80x128xi32, #tpu.memory_space<hbm>> -> memref<1x40x128xi32, #tpu.memory_space<hbm>>
      %dma_wait3A_156 = tpu.memref_squeeze %dma_wait3A_155 : memref<1x40x128xi32, #tpu.memory_space<hbm>> -> memref<40x128xi32, #tpu.memory_space<hbm>>
      tpu.wait_dma2 semaphore(%run_scoped3A : memref<!tpu.dma_semaphore, #tpu.memory_space<semaphore_mem>>) src(%dma_wait3A_156 : memref<40x128xi32, #tpu.memory_space<hbm>>) dst(%arg7 : memref<40x128xi32, #tpu.memory_space<vmem>>)
      tpu.yield
    }) : () -> ()
    %dma_start3A_77 = arith.constant 0 : i32
    %dma_start3A_78 = arith.constant 0 : i32
    %dma_start3A_79 = tpu.memref_slice %arg6[%dma_start3A_77, %dma_start3A_78] : memref<40x128xi32, #tpu.memory_space<vmem>> -> memref<1x128xi32, #tpu.memory_space<vmem>>
    %dma_start3A_80 = tpu.memref_squeeze %dma_start3A_79 : memref<1x128xi32, #tpu.memory_space<vmem>> -> memref<128xi32, #tpu.memory_space<vmem>>
    %dma_start3A_81 = arith.constant 0 : i32
    %dma_start3A_82 = arith.constant 0 : i32
    %dma_start3A_83 = tpu.memref_slice %arg2[%dma_start3A_81, %dma_start3A_82] : memref<10000x128xf32, #tpu.memory_space<hbm>> -> memref<10000x128xf32, #tpu.memory_space<hbm>>
    tpu.enqueue_indirect_dma source(%dma_start3A_83 : memref<10000x128xf32, #tpu.memory_space<hbm>>) target(%arg8 : memref<128x128xf32, #tpu.memory_space<vmem>>) offsets(%dma_start3A_80 : memref<128xi32, #tpu.memory_space<vmem>>) semaphore(%arg11 : memref<!tpu.dma_semaphore, #tpu.memory_space<semaphore_mem>>)
    %dma_wait3A_84 = arith.constant 0 : i32
    %dma_wait3A_85 = arith.constant 0 : i32
    %dma_wait3A_86 = tpu.memref_slice %arg6[%dma_wait3A_84, %dma_wait3A_85] : memref<40x128xi32, #tpu.memory_space<vmem>> -> memref<1x128xi32, #tpu.memory_space<vmem>>
    %dma_wait3A_87 = tpu.memref_squeeze %dma_wait3A_86 : memref<1x128xi32, #tpu.memory_space<vmem>> -> memref<128xi32, #tpu.memory_space<vmem>>
    %dma_wait3A_88 = arith.constant 0 : i32
    %dma_wait3A_89 = arith.constant 0 : i32
    %dma_wait3A_90 = tpu.memref_slice %arg2[%dma_wait3A_88, %dma_wait3A_89] : memref<10000x128xf32, #tpu.memory_space<hbm>> -> memref<10000x128xf32, #tpu.memory_space<hbm>>
    tpu.wait_indirect_dma semaphore(%arg11 : memref<!tpu.dma_semaphore, #tpu.memory_space<semaphore_mem>>) src(%dma_wait3A_90 : memref<10000x128xf32, #tpu.memory_space<hbm>>) dst(%arg8 : memref<128x128xf32, #tpu.memory_space<vmem>>)
    %dma_start3A_91 = arith.constant 0 : i32
    %dma_start3A_92 = arith.constant 0 : i32
    %dma_start3A_93 = tpu.memref_slice %arg7[%dma_start3A_91, %dma_start3A_92] : memref<40x128xi32, #tpu.memory_space<vmem>> -> memref<1x128xi32, #tpu.memory_space<vmem>>
    %dma_start3A_94 = tpu.memref_squeeze %dma_start3A_93 : memref<1x128xi32, #tpu.memory_space<vmem>> -> memref<128xi32, #tpu.memory_space<vmem>>
    %dma_start3A_95 = arith.constant 0 : i32
    %dma_start3A_96 = arith.constant 0 : i32
    %dma_start3A_97 = tpu.memref_slice %arg10[%dma_start3A_95, %dma_start3A_96] : memref<10240x128xf32, #tpu.memory_space<vmem_shared>> -> memref<10240x128xf32, #tpu.memory_space<vmem_shared>>
    tpu.enqueue_indirect_dma source(%arg8 : memref<128x128xf32, #tpu.memory_space<vmem>>) target(%dma_start3A_97 : memref<10240x128xf32, #tpu.memory_space<vmem_shared>>) offsets(%dma_start3A_94 : memref<128xi32, #tpu.memory_space<vmem>>) semaphore(%arg13 : memref<!tpu.dma_semaphore, #tpu.memory_space<semaphore_mem>>) {add = true}
    %dma_start3A_98 = arith.constant 1 : i32
    %dma_start3A_99 = arith.constant 0 : i32
    %dma_start3A_100 = tpu.memref_slice %arg6[%dma_start3A_98, %dma_start3A_99] : memref<40x128xi32, #tpu.memory_space<vmem>> -> memref<1x128xi32, #tpu.memory_space<vmem>>
    %dma_start3A_101 = tpu.memref_squeeze %dma_start3A_100 : memref<1x128xi32, #tpu.memory_space<vmem>> -> memref<128xi32, #tpu.memory_space<vmem>>
    %dma_start3A_102 = arith.constant 0 : i32
    %dma_start3A_103 = arith.constant 0 : i32
    %dma_start3A_104 = tpu.memref_slice %arg2[%dma_start3A_102, %dma_start3A_103] : memref<10000x128xf32, #tpu.memory_space<hbm>> -> memref<10000x128xf32, #tpu.memory_space<hbm>>
    tpu.enqueue_indirect_dma source(%dma_start3A_104 : memref<10000x128xf32, #tpu.memory_space<hbm>>) target(%arg9 : memref<128x128xf32, #tpu.memory_space<vmem>>) offsets(%dma_start3A_101 : memref<128xi32, #tpu.memory_space<vmem>>) semaphore(%arg12 : memref<!tpu.dma_semaphore, #tpu.memory_space<semaphore_mem>>)
    %scan3A_105 = arith.constant 0 : i32
    %scan3A_106 = arith.constant 19 : i32
    %scan3A_107 = arith.addi %scan3A_105, %scan3A_106 : i32
    %scan3A_108 = arith.constant 1 : i32
    scf.for %scan3A_141 = %scan3A_105 to %scan3A_107 step %scan3A_108  : i32 {
      %mul3A_142 = arith.constant 2 : i32
      %mul3A_143 = arith.muli %mul3A_142, %scan3A_141 : i32
      %add3A_144 = arith.constant 1 : i32
      %add3A_145 = arith.addi %mul3A_143, %add3A_144 : i32
      %dma_wait3A_146 = arith.constant 0 : i32
      %dma_wait3A_147 = tpu.memref_slice %arg6[%add3A_145, %dma_wait3A_146] : memref<40x128xi32, #tpu.memory_space<vmem>> -> memref<1x128xi32, #tpu.memory_space<vmem>>
      %dma_wait3A_148 = tpu.memref_squeeze %dma_wait3A_147 : memref<1x128xi32, #tpu.memory_space<vmem>> -> memref<128xi32, #tpu.memory_space<vmem>>
      %dma_wait3A_149 = arith.constant 0 : i32
      %dma_wait3A_150 = arith.constant 0 : i32
      %dma_wait3A_151 = tpu.memref_slice %arg2[%dma_wait3A_149, %dma_wait3A_150] : memref<10000x128xf32, #tpu.memory_space<hbm>> -> memref<10000x128xf32, #tpu.memory_space<hbm>>
      tpu.wait_indirect_dma semaphore(%arg12 : memref<!tpu.dma_semaphore, #tpu.memory_space<semaphore_mem>>) src(%dma_wait3A_151 : memref<10000x128xf32, #tpu.memory_space<hbm>>) dst(%arg9 : memref<128x128xf32, #tpu.memory_space<vmem>>)
      %dma_start3A_152 = arith.constant 0 : i32
      %dma_start3A_153 = tpu.memref_slice %arg7[%add3A_145, %dma_start3A_152] : memref<40x128xi32, #tpu.memory_space<vmem>> -> memref<1x128xi32, #tpu.memory_space<vmem>>
      %dma_start3A_154 = tpu.memref_squeeze %dma_start3A_153 : memref<1x128xi32, #tpu.memory_space<vmem>> -> memref<128xi32, #tpu.memory_space<vmem>>
      %dma_start3A_155 = arith.constant 0 : i32
      %dma_start3A_156 = arith.constant 0 : i32
      %dma_start3A_157 = tpu.memref_slice %arg10[%dma_start3A_155, %dma_start3A_156] : memref<10240x128xf32, #tpu.memory_space<vmem_shared>> -> memref<10240x128xf32, #tpu.memory_space<vmem_shared>>
      tpu.enqueue_indirect_dma source(%arg9 : memref<128x128xf32, #tpu.memory_space<vmem>>) target(%dma_start3A_157 : memref<10240x128xf32, #tpu.memory_space<vmem_shared>>) offsets(%dma_start3A_154 : memref<128xi32, #tpu.memory_space<vmem>>) semaphore(%arg14 : memref<!tpu.dma_semaphore, #tpu.memory_space<semaphore_mem>>) {add = true}
      %dma_wait3A_158 = arith.constant 0 : i32
      %dma_wait3A_159 = arith.constant 0 : i32
      %dma_wait3A_160 = tpu.memref_slice %arg7[%dma_wait3A_158, %dma_wait3A_159] : memref<40x128xi32, #tpu.memory_space<vmem>> -> memref<1x128xi32, #tpu.memory_space<vmem>>
      %dma_wait3A_161 = tpu.memref_squeeze %dma_wait3A_160 : memref<1x128xi32, #tpu.memory_space<vmem>> -> memref<128xi32, #tpu.memory_space<vmem>>
      %dma_wait3A_162 = arith.constant 0 : i32
      %dma_wait3A_163 = arith.constant 0 : i32
      %dma_wait3A_164 = tpu.memref_slice %arg10[%dma_wait3A_162, %dma_wait3A_163] : memref<10240x128xf32, #tpu.memory_space<vmem_shared>> -> memref<10240x128xf32, #tpu.memory_space<vmem_shared>>
      tpu.wait_indirect_dma semaphore(%arg13 : memref<!tpu.dma_semaphore, #tpu.memory_space<semaphore_mem>>) src(%arg8 : memref<128x128xf32, #tpu.memory_space<vmem>>) dst(%dma_wait3A_164 : memref<10240x128xf32, #tpu.memory_space<vmem_shared>>)
      %add3A_165 = arith.constant 1 : i32
      %add3A_166 = arith.addi %add3A_145, %add3A_165 : i32
      %dma_start3A_167 = arith.constant 0 : i32
      %dma_start3A_168 = tpu.memref_slice %arg6[%add3A_166, %dma_start3A_167] : memref<40x128xi32, #tpu.memory_space<vmem>> -> memref<1x128xi32, #tpu.memory_space<vmem>>
      %dma_start3A_169 = tpu.memref_squeeze %dma_start3A_168 : memref<1x128xi32, #tpu.memory_space<vmem>> -> memref<128xi32, #tpu.memory_space<vmem>>
      %dma_start3A_170 = arith.constant 0 : i32
      %dma_start3A_171 = arith.constant 0 : i32
      %dma_start3A_172 = tpu.memref_slice %arg2[%dma_start3A_170, %dma_start3A_171] : memref<10000x128xf32, #tpu.memory_space<hbm>> -> memref<10000x128xf32, #tpu.memory_space<hbm>>
      tpu.enqueue_indirect_dma source(%dma_start3A_172 : memref<10000x128xf32, #tpu.memory_space<hbm>>) target(%arg8 : memref<128x128xf32, #tpu.memory_space<vmem>>) offsets(%dma_start3A_169 : memref<128xi32, #tpu.memory_space<vmem>>) semaphore(%arg11 : memref<!tpu.dma_semaphore, #tpu.memory_space<semaphore_mem>>)
      %add3A_173 = arith.constant 1 : i32
      %add3A_174 = arith.addi %add3A_145, %add3A_173 : i32
      %dma_wait3A_175 = arith.constant 0 : i32
      %dma_wait3A_176 = tpu.memref_slice %arg6[%add3A_174, %dma_wait3A_175] : memref<40x128xi32, #tpu.memory_space<vmem>> -> memref<1x128xi32, #tpu.memory_space<vmem>>
      %dma_wait3A_177 = tpu.memref_squeeze %dma_wait3A_176 : memref<1x128xi32, #tpu.memory_space<vmem>> -> memref<128xi32, #tpu.memory_space<vmem>>
      %dma_wait3A_178 = arith.constant 0 : i32
      %dma_wait3A_179 = arith.constant 0 : i32
      %dma_wait3A_180 = tpu.memref_slice %arg2[%dma_wait3A_178, %dma_wait3A_179] : memref<10000x128xf32, #tpu.memory_space<hbm>> -> memref<10000x128xf32, #tpu.memory_space<hbm>>
      tpu.wait_indirect_dma semaphore(%arg11 : memref<!tpu.dma_semaphore, #tpu.memory_space<semaphore_mem>>) src(%dma_wait3A_180 : memref<10000x128xf32, #tpu.memory_space<hbm>>) dst(%arg8 : memref<128x128xf32, #tpu.memory_space<vmem>>)
      %add3A_181 = arith.constant 1 : i32
      %add3A_182 = arith.addi %add3A_145, %add3A_181 : i32
      %dma_start3A_183 = arith.constant 0 : i32
      %dma_start3A_184 = tpu.memref_slice %arg7[%add3A_182, %dma_start3A_183] : memref<40x128xi32, #tpu.memory_space<vmem>> -> memref<1x128xi32, #tpu.memory_space<vmem>>
      %dma_start3A_185 = tpu.memref_squeeze %dma_start3A_184 : memref<1x128xi32, #tpu.memory_space<vmem>> -> memref<128xi32, #tpu.memory_space<vmem>>
      %dma_start3A_186 = arith.constant 0 : i32
      %dma_start3A_187 = arith.constant 0 : i32
      %dma_start3A_188 = tpu.memref_slice %arg10[%dma_start3A_186, %dma_start3A_187] : memref<10240x128xf32, #tpu.memory_space<vmem_shared>> -> memref<10240x128xf32, #tpu.memory_space<vmem_shared>>
      tpu.enqueue_indirect_dma source(%arg8 : memref<128x128xf32, #tpu.memory_space<vmem>>) target(%dma_start3A_188 : memref<10240x128xf32, #tpu.memory_space<vmem_shared>>) offsets(%dma_start3A_185 : memref<128xi32, #tpu.memory_space<vmem>>) semaphore(%arg13 : memref<!tpu.dma_semaphore, #tpu.memory_space<semaphore_mem>>) {add = true}
      %dma_wait3A_189 = arith.constant 0 : i32
      %dma_wait3A_190 = arith.constant 0 : i32
      %dma_wait3A_191 = tpu.memref_slice %arg7[%dma_wait3A_189, %dma_wait3A_190] : memref<40x128xi32, #tpu.memory_space<vmem>> -> memref<1x128xi32, #tpu.memory_space<vmem>>
      %dma_wait3A_192 = tpu.memref_squeeze %dma_wait3A_191 : memref<1x128xi32, #tpu.memory_space<vmem>> -> memref<128xi32, #tpu.memory_space<vmem>>
      %dma_wait3A_193 = arith.constant 0 : i32
      %dma_wait3A_194 = arith.constant 0 : i32
      %dma_wait3A_195 = tpu.memref_slice %arg10[%dma_wait3A_193, %dma_wait3A_194] : memref<10240x128xf32, #tpu.memory_space<vmem_shared>> -> memref<10240x128xf32, #tpu.memory_space<vmem_shared>>
      tpu.wait_indirect_dma semaphore(%arg14 : memref<!tpu.dma_semaphore, #tpu.memory_space<semaphore_mem>>) src(%arg9 : memref<128x128xf32, #tpu.memory_space<vmem>>) dst(%dma_wait3A_195 : memref<10240x128xf32, #tpu.memory_space<vmem_shared>>)
      %add3A_196 = arith.constant 2 : i32
      %add3A_197 = arith.addi %add3A_145, %add3A_196 : i32
      %dma_start3A_198 = arith.constant 0 : i32
      %dma_start3A_199 = tpu.memref_slice %arg6[%add3A_197, %dma_start3A_198] : memref<40x128xi32, #tpu.memory_space<vmem>> -> memref<1x128xi32, #tpu.memory_space<vmem>>
      %dma_start3A_200 = tpu.memref_squeeze %dma_start3A_199 : memref<1x128xi32, #tpu.memory_space<vmem>> -> memref<128xi32, #tpu.memory_space<vmem>>
      %dma_start3A_201 = arith.constant 0 : i32
      %dma_start3A_202 = arith.constant 0 : i32
      %dma_start3A_203 = tpu.memref_slice %arg2[%dma_start3A_201, %dma_start3A_202] : memref<10000x128xf32, #tpu.memory_space<hbm>> -> memref<10000x128xf32, #tpu.memory_space<hbm>>
      tpu.enqueue_indirect_dma source(%dma_start3A_203 : memref<10000x128xf32, #tpu.memory_space<hbm>>) target(%arg9 : memref<128x128xf32, #tpu.memory_space<vmem>>) offsets(%dma_start3A_200 : memref<128xi32, #tpu.memory_space<vmem>>) semaphore(%arg12 : memref<!tpu.dma_semaphore, #tpu.memory_space<semaphore_mem>>)
    }
    %scan3A_109 = arith.constant 19 : i32
    %dma_wait3A_110 = arith.constant 39 : i32
    %dma_wait3A_111 = arith.constant 0 : i32
    %dma_wait3A_112 = tpu.memref_slice %arg6[%dma_wait3A_110, %dma_wait3A_111] : memref<40x128xi32, #tpu.memory_space<vmem>> -> memref<1x128xi32, #tpu.memory_space<vmem>>
    %dma_wait3A_113 = tpu.memref_squeeze %dma_wait3A_112 : memref<1x128xi32, #tpu.memory_space<vmem>> -> memref<128xi32, #tpu.memory_space<vmem>>
    %dma_wait3A_114 = arith.constant 0 : i32
    %dma_wait3A_115 = arith.constant 0 : i32
    %dma_wait3A_116 = tpu.memref_slice %arg2[%dma_wait3A_114, %dma_wait3A_115] : memref<10000x128xf32, #tpu.memory_space<hbm>> -> memref<10000x128xf32, #tpu.memory_space<hbm>>
    tpu.wait_indirect_dma semaphore(%arg12 : memref<!tpu.dma_semaphore, #tpu.memory_space<semaphore_mem>>) src(%dma_wait3A_116 : memref<10000x128xf32, #tpu.memory_space<hbm>>) dst(%arg9 : memref<128x128xf32, #tpu.memory_space<vmem>>)
    %dma_start3A_117 = arith.constant 39 : i32
    %dma_start3A_118 = arith.constant 0 : i32
    %dma_start3A_119 = tpu.memref_slice %arg7[%dma_start3A_117, %dma_start3A_118] : memref<40x128xi32, #tpu.memory_space<vmem>> -> memref<1x128xi32, #tpu.memory_space<vmem>>
    %dma_start3A_120 = tpu.memref_squeeze %dma_start3A_119 : memref<1x128xi32, #tpu.memory_space<vmem>> -> memref<128xi32, #tpu.memory_space<vmem>>
    %dma_start3A_121 = arith.constant 0 : i32
    %dma_start3A_122 = arith.constant 0 : i32
    %dma_start3A_123 = tpu.memref_slice %arg10[%dma_start3A_121, %dma_start3A_122] : memref<10240x128xf32, #tpu.memory_space<vmem_shared>> -> memref<10240x128xf32, #tpu.memory_space<vmem_shared>>
    tpu.enqueue_indirect_dma source(%arg9 : memref<128x128xf32, #tpu.memory_space<vmem>>) target(%dma_start3A_123 : memref<10240x128xf32, #tpu.memory_space<vmem_shared>>) offsets(%dma_start3A_120 : memref<128xi32, #tpu.memory_space<vmem>>) semaphore(%arg14 : memref<!tpu.dma_semaphore, #tpu.memory_space<semaphore_mem>>) {add = true}
    %dma_wait3A_124 = arith.constant 0 : i32
    %dma_wait3A_125 = arith.constant 0 : i32
    %dma_wait3A_126 = tpu.memref_slice %arg7[%dma_wait3A_124, %dma_wait3A_125] : memref<40x128xi32, #tpu.memory_space<vmem>> -> memref<1x128xi32, #tpu.memory_space<vmem>>
    %dma_wait3A_127 = tpu.memref_squeeze %dma_wait3A_126 : memref<1x128xi32, #tpu.memory_space<vmem>> -> memref<128xi32, #tpu.memory_space<vmem>>
    %dma_wait3A_128 = arith.constant 0 : i32
    %dma_wait3A_129 = arith.constant 0 : i32
    %dma_wait3A_130 = tpu.memref_slice %arg10[%dma_wait3A_128, %dma_wait3A_129] : memref<10240x128xf32, #tpu.memory_space<vmem_shared>> -> memref<10240x128xf32, #tpu.memory_space<vmem_shared>>
    tpu.wait_indirect_dma semaphore(%arg13 : memref<!tpu.dma_semaphore, #tpu.memory_space<semaphore_mem>>) src(%arg8 : memref<128x128xf32, #tpu.memory_space<vmem>>) dst(%dma_wait3A_130 : memref<10240x128xf32, #tpu.memory_space<vmem_shared>>)
    %dma_wait3A_131 = arith.constant 0 : i32
    %dma_wait3A_132 = arith.constant 0 : i32
    %dma_wait3A_133 = tpu.memref_slice %arg7[%dma_wait3A_131, %dma_wait3A_132] : memref<40x128xi32, #tpu.memory_space<vmem>> -> memref<1x128xi32, #tpu.memory_space<vmem>>
    %dma_wait3A_134 = tpu.memref_squeeze %dma_wait3A_133 : memref<1x128xi32, #tpu.memory_space<vmem>> -> memref<128xi32, #tpu.memory_space<vmem>>
    %dma_wait3A_135 = arith.constant 0 : i32
    %dma_wait3A_136 = arith.constant 0 : i32
    %dma_wait3A_137 = tpu.memref_slice %arg10[%dma_wait3A_135, %dma_wait3A_136] : memref<10240x128xf32, #tpu.memory_space<vmem_shared>> -> memref<10240x128xf32, #tpu.memory_space<vmem_shared>>
    tpu.wait_indirect_dma semaphore(%arg14 : memref<!tpu.dma_semaphore, #tpu.memory_space<semaphore_mem>>) src(%arg9 : memref<128x128xf32, #tpu.memory_space<vmem>>) dst(%dma_wait3A_137 : memref<10240x128xf32, #tpu.memory_space<vmem_shared>>)
    %barrier3A_138 = arith.constant 0 : index
    tpu.barrier barrier_id(%barrier3A_138)
    %mul3A_139 = arith.constant 632 : i32
    %mul3A_140 = arith.muli %arg1, %mul3A_139 : i32
    "tpu.region"() ({
      %run_scoped3A = tpu.sem_alloc : memref<!tpu.dma_semaphore, #tpu.memory_space<semaphore_mem>>
      %dma_start3A_141 = arith.constant 0 : i32
      %dma_start3A_142 = tpu.memref_slice %arg5[%arg0, %mul3A_140, %dma_start3A_141] : memref<2x10112x128xf32, #tpu.memory_space<hbm>> -> memref<1x632x128xf32, #tpu.memory_space<hbm>>
      %dma_start3A_143 = tpu.memref_squeeze %dma_start3A_142 : memref<1x632x128xf32, #tpu.memory_space<hbm>> -> memref<632x128xf32, #tpu.memory_space<hbm>>
      %dma_start3A_144 = arith.constant 0 : i32
      %dma_start3A_145 = tpu.memref_slice %arg10[%mul3A_140, %dma_start3A_144] : memref<10240x128xf32, #tpu.memory_space<vmem_shared>> -> memref<632x128xf32, #tpu.memory_space<vmem_shared>>
      tpu.enqueue_dma source(%dma_start3A_145 : memref<632x128xf32, #tpu.memory_space<vmem_shared>>) target(%dma_start3A_143 : memref<632x128xf32, #tpu.memory_space<hbm>>) target_semaphore(%run_scoped3A : memref<!tpu.dma_semaphore, #tpu.memory_space<semaphore_mem>>)
      %dma_wait3A_146 = arith.constant 0 : i32
      %dma_wait3A_147 = tpu.memref_slice %arg5[%arg0, %mul3A_140, %dma_wait3A_146] : memref<2x10112x128xf32, #tpu.memory_space<hbm>> -> memref<1x632x128xf32, #tpu.memory_space<hbm>>
      %dma_wait3A_148 = tpu.memref_squeeze %dma_wait3A_147 : memref<1x632x128xf32, #tpu.memory_space<hbm>> -> memref<632x128xf32, #tpu.memory_space<hbm>>
      %dma_wait3A_149 = arith.constant 0 : i32
      %dma_wait3A_150 = tpu.memref_slice %arg10[%mul3A_140, %dma_wait3A_149] : memref<10240x128xf32, #tpu.memory_space<vmem_shared>> -> memref<632x128xf32, #tpu.memory_space<vmem_shared>>
      tpu.wait_dma2 semaphore(%run_scoped3A : memref<!tpu.dma_semaphore, #tpu.memory_space<semaphore_mem>>) src(%dma_wait3A_150 : memref<632x128xf32, #tpu.memory_space<vmem_shared>>) dst(%dma_wait3A_148 : memref<632x128xf32, #tpu.memory_space<hbm>>)
      tpu.yield
    }) : () -> ()
    return
  }
}

module attributes {stable_mosaic.version = 14 : i64} {
  func.func @_mm_body(%arg0: i32, %arg1: memref<1000x128xf32, #tpu.memory_space<vmem>>, %arg2: memref<128x128xf32, #tpu.memory_space<vmem>>, %arg3: memref<1000x128xf32, #tpu.memory_space<vmem>>) attributes {dimension_semantics = [#tpu.dimension_semantics<arbitrary>], iteration_bounds = array<i64: 10>, scalar_prefetch = 0 : i64, scratch_operands = 0 : i64, tpu.core_type = #tpu.core_type<tc>, window_params = [{transform_indices = @transform_0, window_bounds = array<i64: 1000, 128>}, {pipeline_mode = #tpu.pipeline_mode<synchronous>, transform_indices = @transform_1, window_bounds = array<i64: 128, 128>}, {transform_indices = @transform_2, window_bounds = array<i64: 1000, 128>}]} {
    %get3A = arith.constant 0 : index
    %get3A_0 = arith.constant 0 : index
    %get3A_1 = vector.load %arg1[%get3A, %get3A_0] : memref<1000x128xf32, #tpu.memory_space<vmem>>, vector<1000x128xf32>
    %get3A_2 = arith.constant 0 : index
    %get3A_3 = arith.constant 0 : index
    %get3A_4 = vector.load %arg2[%get3A_2, %get3A_3] : memref<128x128xf32, #tpu.memory_space<vmem>>, vector<128x128xf32>
    %dot_general3A = arith.constant dense<0.000000e+00> : vector<1000x128xf32>
    %dot_general3A_5 = tpu.matmul %get3A_1, %get3A_4, %dot_general3A {dimension_numbers = #tpu.dot_dimension_numbers<[1], [0], [0], [1], [0, 0, 1, 1], [], []>, transpose_lhs_hint = false} : vector<1000x128xf32>, vector<128x128xf32>, vector<1000x128xf32> -> vector<1000x128xf32>
    %swap3A = arith.constant 0 : index
    %swap3A_6 = arith.constant 0 : index
    %swap3A_7 = vector.load %arg3[%swap3A, %swap3A_6] : memref<1000x128xf32, #tpu.memory_space<vmem>>, vector<1000x128xf32>
    tpu.vector_store %arg3[%swap3A, %swap3A_6], %dot_general3A_5 {strides = array<i32>} : memref<1000x128xf32, #tpu.memory_space<vmem>>, vector<1000x128xf32>,
    return
  }
  func.func @transform_0(%arg0: i32) -> (i32, i32) {
    %c0_i32 = arith.constant 0 : i32
    %c0_i32_0 = arith.constant 0 : i32
    return %arg0, %c0_i32 : i32, i32
  }
  func.func @transform_1(%arg0: i32) -> (i32, i32) {
    %c0_i32 = arith.constant 0 : i32
    %c0_i32_0 = arith.constant 0 : i32
    %c0_i32_1 = arith.constant 0 : i32
    return %c0_i32, %c0_i32_0 : i32, i32
  }
  func.func @transform_2(%arg0: i32) -> (i32, i32) {
    %c0_i32 = arith.constant 0 : i32
    %c0_i32_0 = arith.constant 0 : i32
    return %arg0, %c0_i32 : i32, i32
  }
}

module attributes {stable_mosaic.version = 14 : i64} {
  func.func @_scale_body(%arg0: i32, %arg1: memref<2x1000x16xf32, #tpu.memory_space<vmem>>, %arg2: memref<1000x128xf32, #tpu.memory_space<vmem>>, %arg3: memref<1000x128xf32, #tpu.memory_space<vmem>>, %arg4: memref<1000x1xf32, #tpu.memory_space<vmem>>) attributes {dimension_semantics = [#tpu.dimension_semantics<arbitrary>], iteration_bounds = array<i64: 10>, scalar_prefetch = 0 : i64, scratch_operands = 0 : i64, tpu.core_type = #tpu.core_type<tc>, window_params = [{transform_indices = @transform_0, window_bounds = array<i64: 2, 1000, 16>}, {transform_indices = @transform_1, window_bounds = array<i64: 1000, 128>}, {transform_indices = @transform_2, window_bounds = array<i64: 1000, 128>}, {transform_indices = @transform_3, window_bounds = array<i64: 1000, 1>}]} {
    %get3A = arith.constant 0 : index
    %get3A_0 = arith.constant 0 : index
    %get3A_1 = arith.constant 0 : index
    %get3A_2 = vector.load %arg1[%get3A, %get3A_0, %get3A_1] : memref<2x1000x16xf32, #tpu.memory_space<vmem>>, vector<1x1000x1xf32>
    %get3A_3 = vector.shape_cast %get3A_2 : vector<1x1000x1xf32> to vector<1000x1xf32>
    %get3A_4 = arith.constant 1 : index
    %get3A_5 = arith.constant 0 : index
    %get3A_6 = arith.constant 0 : index
    %get3A_7 = vector.load %arg1[%get3A_4, %get3A_5, %get3A_6] : memref<2x1000x16xf32, #tpu.memory_space<vmem>>, vector<1x1000x1xf32>
    %get3A_8 = vector.shape_cast %get3A_7 : vector<1x1000x1xf32> to vector<1000x1xf32>
    %add3A = arith.addf %get3A_3, %get3A_8 : vector<1000x1xf32>
    %add3A_9 = arith.constant 1.000000e+00 : f32
    %add3A_10 = vector.broadcast %add3A_9 : f32 to vector<1000x1xf32>
    %add3A_11 = arith.addf %add3A, %add3A_10 : vector<1000x1xf32>
    %rsqrt3A = math.rsqrt %add3A_11 : vector<1000x1xf32>
    %get3A_12 = arith.constant 0 : index
    %get3A_13 = arith.constant 0 : index
    %get3A_14 = vector.load %arg2[%get3A_12, %get3A_13] : memref<1000x128xf32, #tpu.memory_space<vmem>>, vector<1000x128xf32>
    %mul3A = vector.broadcast %rsqrt3A : vector<1000x1xf32> to vector<1000x128xf32>
    %mul3A_15 = arith.mulf %get3A_14, %mul3A : vector<1000x128xf32>
    %swap3A = arith.constant 0 : index
    %swap3A_16 = arith.constant 0 : index
    %swap3A_17 = vector.load %arg3[%swap3A, %swap3A_16] : memref<1000x128xf32, #tpu.memory_space<vmem>>, vector<1000x128xf32>
    tpu.vector_store %arg3[%swap3A, %swap3A_16], %mul3A_15 {strides = array<i32>} : memref<1000x128xf32, #tpu.memory_space<vmem>>, vector<1000x128xf32>,
    %swap3A_18 = arith.constant 0 : index
    %swap3A_19 = arith.constant 0 : index
    %swap3A_20 = vector.load %arg4[%swap3A_18, %swap3A_19] : memref<1000x1xf32, #tpu.memory_space<vmem>>, vector<1000x1xf32>
    tpu.vector_store %arg4[%swap3A_18, %swap3A_19], %rsqrt3A {strides = array<i32>} : memref<1000x1xf32, #tpu.memory_space<vmem>>, vector<1000x1xf32>,
    return
  }
  func.func @transform_0(%arg0: i32) -> (i32, i32, i32) {
    %c0_i32 = arith.constant 0 : i32
    %c0_i32_0 = arith.constant 0 : i32
    %c0_i32_1 = arith.constant 0 : i32
    return %c0_i32, %arg0, %c0_i32_0 : i32, i32, i32
  }
  func.func @transform_1(%arg0: i32) -> (i32, i32) {
    %c0_i32 = arith.constant 0 : i32
    %c0_i32_0 = arith.constant 0 : i32
    return %arg0, %c0_i32 : i32, i32
  }
  func.func @transform_2(%arg0: i32) -> (i32, i32) {
    %c0_i32 = arith.constant 0 : i32
    %c0_i32_0 = arith.constant 0 : i32
    return %arg0, %c0_i32 : i32, i32
  }
  func.func @transform_3(%arg0: i32) -> (i32, i32) {
    %c0_i32 = arith.constant 0 : i32
    %c0_i32_0 = arith.constant 0 : i32
    return %arg0, %c0_i32 : i32, i32
  }
}

module attributes {stable_mosaic.version = 14 : i64} {
  func.func @_layer_body(%arg0: i32, %arg1: memref<2x1000x128xf32, #tpu.memory_space<vmem>>, %arg2: memref<1000x128xf32, #tpu.memory_space<vmem>>, %arg3: memref<1000x1xf32, #tpu.memory_space<vmem>>, %arg4: memref<1x128xf32, #tpu.memory_space<vmem>>, %arg5: memref<128x128xf32, #tpu.memory_space<vmem>>, %arg6: memref<1000x128xf32, #tpu.memory_space<vmem>>) attributes {dimension_semantics = [#tpu.dimension_semantics<arbitrary>], iteration_bounds = array<i64: 10>, scalar_prefetch = 0 : i64, scratch_operands = 0 : i64, tpu.core_type = #tpu.core_type<tc>, window_params = [{transform_indices = @transform_0, window_bounds = array<i64: 2, 1000, 128>}, {transform_indices = @transform_1, window_bounds = array<i64: 1000, 128>}, {transform_indices = @transform_2, window_bounds = array<i64: 1000, 1>}, {pipeline_mode = #tpu.pipeline_mode<synchronous>, transform_indices = @transform_3, window_bounds = array<i64: 1, 128>}, {pipeline_mode = #tpu.pipeline_mode<synchronous>, transform_indices = @transform_4, window_bounds = array<i64: 128, 128>}, {transform_indices = @transform_5, window_bounds = array<i64: 1000, 128>}]} {
    %get3A = arith.constant 0 : index
    %get3A_0 = arith.constant 0 : index
    %get3A_1 = arith.constant 0 : index
    %get3A_2 = vector.load %arg1[%get3A, %get3A_0, %get3A_1] : memref<2x1000x128xf32, #tpu.memory_space<vmem>>, vector<1x1000x128xf32>
    %get3A_3 = vector.shape_cast %get3A_2 : vector<1x1000x128xf32> to vector<1000x128xf32>
    %get3A_4 = arith.constant 1 : index
    %get3A_5 = arith.constant 0 : index
    %get3A_6 = arith.constant 0 : index
    %get3A_7 = vector.load %arg1[%get3A_4, %get3A_5, %get3A_6] : memref<2x1000x128xf32, #tpu.memory_space<vmem>>, vector<1x1000x128xf32>
    %get3A_8 = vector.shape_cast %get3A_7 : vector<1x1000x128xf32> to vector<1000x128xf32>
    %add3A = arith.addf %get3A_3, %get3A_8 : vector<1000x128xf32>
    %get3A_9 = arith.constant 0 : index
    %get3A_10 = arith.constant 0 : index
    %get3A_11 = vector.load %arg2[%get3A_9, %get3A_10] : memref<1000x128xf32, #tpu.memory_space<vmem>>, vector<1000x128xf32>
    %add3A_12 = arith.addf %add3A, %get3A_11 : vector<1000x128xf32>
    %get3A_13 = arith.constant 0 : index
    %get3A_14 = arith.constant 0 : index
    %get3A_15 = vector.load %arg3[%get3A_13, %get3A_14] : memref<1000x1xf32, #tpu.memory_space<vmem>>, vector<1000x1xf32>
    %mul3A = vector.broadcast %get3A_15 : vector<1000x1xf32> to vector<1000x128xf32>
    %mul3A_16 = arith.mulf %add3A_12, %mul3A : vector<1000x128xf32>
    %get3A_17 = arith.constant 0 : index
    %get3A_18 = arith.constant 0 : index
    %get3A_19 = vector.load %arg4[%get3A_17, %get3A_18] : memref<1x128xf32, #tpu.memory_space<vmem>>, vector<1x128xf32>
    %add3A_20 = vector.broadcast %get3A_19 : vector<1x128xf32> to vector<1000x128xf32>
    %add3A_21 = arith.addf %mul3A_16, %add3A_20 : vector<1000x128xf32>
    %max3A = arith.constant 0.000000e+00 : f32
    %max3A_22 = vector.broadcast %max3A : f32 to vector<1000x128xf32>
    %max3A_23 = arith.maximumf %add3A_21, %max3A_22 : vector<1000x128xf32>
    %get3A_24 = arith.constant 0 : index
    %get3A_25 = arith.constant 0 : index
    %get3A_26 = vector.load %arg5[%get3A_24, %get3A_25] : memref<128x128xf32, #tpu.memory_space<vmem>>, vector<128x128xf32>
    %dot_general3A = arith.constant dense<0.000000e+00> : vector<1000x128xf32>
    %dot_general3A_27 = tpu.matmul %max3A_23, %get3A_26, %dot_general3A {dimension_numbers = #tpu.dot_dimension_numbers<[1], [0], [0], [1], [0, 0, 1, 1], [], []>, transpose_lhs_hint = false} : vector<1000x128xf32>, vector<128x128xf32>, vector<1000x128xf32> -> vector<1000x128xf32>
    %get3A_28 = arith.constant 0 : index
    %get3A_29 = arith.constant 0 : index
    %get3A_30 = vector.load %arg3[%get3A_28, %get3A_29] : memref<1000x1xf32, #tpu.memory_space<vmem>>, vector<1000x1xf32>
    %mul3A_31 = vector.broadcast %get3A_30 : vector<1000x1xf32> to vector<1000x128xf32>
    %mul3A_32 = arith.mulf %dot_general3A_27, %mul3A_31 : vector<1000x128xf32>
    %swap3A = arith.constant 0 : index
    %swap3A_33 = arith.constant 0 : index
    %swap3A_34 = vector.load %arg6[%swap3A, %swap3A_33] : memref<1000x128xf32, #tpu.memory_space<vmem>>, vector<1000x128xf32>
    tpu.vector_store %arg6[%swap3A, %swap3A_33], %mul3A_32 {strides = array<i32>} : memref<1000x128xf32, #tpu.memory_space<vmem>>, vector<1000x128xf32>,
    return
  }
  func.func @transform_0(%arg0: i32) -> (i32, i32, i32) {
    %c0_i32 = arith.constant 0 : i32
    %c0_i32_0 = arith.constant 0 : i32
    %c0_i32_1 = arith.constant 0 : i32
    return %c0_i32, %arg0, %c0_i32_0 : i32, i32, i32
  }
  func.func @transform_1(%arg0: i32) -> (i32, i32) {
    %c0_i32 = arith.constant 0 : i32
    %c0_i32_0 = arith.constant 0 : i32
    return %arg0, %c0_i32 : i32, i32
  }
  func.func @transform_2(%arg0: i32) -> (i32, i32) {
    %c0_i32 = arith.constant 0 : i32
    %c0_i32_0 = arith.constant 0 : i32
    return %arg0, %c0_i32 : i32, i32
  }
  func.func @transform_3(%arg0: i32) -> (i32, i32) {
    %c0_i32 = arith.constant 0 : i32
    %c0_i32_0 = arith.constant 0 : i32
    %c0_i32_1 = arith.constant 0 : i32
    return %c0_i32, %c0_i32_0 : i32, i32
  }
  func.func @transform_4(%arg0: i32) -> (i32, i32) {
    %c0_i32 = arith.constant 0 : i32
    %c0_i32_0 = arith.constant 0 : i32
    %c0_i32_1 = arith.constant 0 : i32
    return %c0_i32, %c0_i32_0 : i32, i32
  }
  func.func @transform_5(%arg0: i32) -> (i32, i32) {
    %c0_i32 = arith.constant 0 : i32
    %c0_i32_0 = arith.constant 0 : i32
    return %arg0, %c0_i32 : i32, i32
  }
}

module attributes {stable_mosaic.version = 14 : i64} {
  func.func @_final_body(%arg0: i32, %arg1: memref<2x1000x128xf32, #tpu.memory_space<vmem>>, %arg2: memref<1000x128xf32, #tpu.memory_space<vmem>>, %arg3: memref<1000x1xf32, #tpu.memory_space<vmem>>, %arg4: memref<1x128xf32, #tpu.memory_space<vmem>>, %arg5: memref<1000x1xi32, #tpu.memory_space<vmem>>, %arg6: memref<128x128xf32, #tpu.memory_space<vmem>>, %arg7: memref<1x128xf32, #tpu.memory_space<vmem>>, %arg8: memref<128x1xf32, #tpu.memory_space<vmem>>, %arg9: memref<1x1xf32, #tpu.memory_space<vmem>>, %arg10: memref<64x1xf32, #tpu.memory_space<vmem>>, %arg11: memref<64x128xf32, #tpu.memory_space<vmem>>, %arg12: memref<64x1xf32, #tpu.memory_space<vmem>>) attributes {dimension_semantics = [#tpu.dimension_semantics<arbitrary>], iteration_bounds = array<i64: 10>, scalar_prefetch = 0 : i64, scratch_operands = 2 : i64, tpu.core_type = #tpu.core_type<tc>, window_params = [{transform_indices = @transform_0, window_bounds = array<i64: 2, 1000, 128>}, {transform_indices = @transform_1, window_bounds = array<i64: 1000, 128>}, {transform_indices = @transform_2, window_bounds = array<i64: 1000, 1>}, {pipeline_mode = #tpu.pipeline_mode<synchronous>, transform_indices = @transform_3, window_bounds = array<i64: 1, 128>}, {transform_indices = @transform_4, window_bounds = array<i64: 1000, 1>}, {pipeline_mode = #tpu.pipeline_mode<synchronous>, transform_indices = @transform_5, window_bounds = array<i64: 128, 128>}, {pipeline_mode = #tpu.pipeline_mode<synchronous>, transform_indices = @transform_6, window_bounds = array<i64: 1, 128>}, {pipeline_mode = #tpu.pipeline_mode<synchronous>, transform_indices = @transform_7, window_bounds = array<i64: 128, 1>}, {pipeline_mode = #tpu.pipeline_mode<synchronous>, transform_indices = @transform_8, window_bounds = array<i64: 1, 1>}, {pipeline_mode = #tpu.pipeline_mode<synchronous>, transform_indices = @transform_9, window_bounds = array<i64: 64, 1>}]} {
    %eq3A = arith.constant 0 : i32
    %eq3A_0 = arith.cmpi eq, %arg0, %eq3A : i32
    %convert_element_type3A = arith.extui %eq3A_0 : i1 to i32
    %cond3A = arith.constant 0 : i32
    %cond3A_1 = arith.cmpi ne, %convert_element_type3A, %cond3A : i32
    scf.if %cond3A_1 {
      %broadcast_in_dim3A_56 = arith.constant 0.000000e+00 : f32
      %broadcast_in_dim3A_57 = vector.broadcast %broadcast_in_dim3A_56 : f32 to vector<64x128xf32>
      %swap3A_58 = arith.constant 0 : index
      %swap3A_59 = arith.constant 0 : index
      %swap3A_60 = vector.load %arg11[%swap3A_58, %swap3A_59] : memref<64x128xf32, #tpu.memory_space<vmem>>, vector<64x128xf32>
      tpu.vector_store %arg11[%swap3A_58, %swap3A_59], %broadcast_in_dim3A_57 {strides = array<i32>} : memref<64x128xf32, #tpu.memory_space<vmem>>, vector<64x128xf32>,
      %broadcast_in_dim3A_61 = arith.constant 0.000000e+00 : f32
      %broadcast_in_dim3A_62 = vector.broadcast %broadcast_in_dim3A_61 : f32 to vector<64x1xf32>
      %swap3A_63 = arith.constant 0 : index
      %swap3A_64 = arith.constant 0 : index
      %swap3A_65 = vector.load %arg12[%swap3A_63, %swap3A_64] : memref<64x1xf32, #tpu.memory_space<vmem>>, vector<64x1xf32>
      tpu.vector_store %arg12[%swap3A_63, %swap3A_64], %broadcast_in_dim3A_62 {strides = array<i32>} : memref<64x1xf32, #tpu.memory_space<vmem>>, vector<64x1xf32>,
    } else {
    }
    %get3A = arith.constant 0 : index
    %get3A_2 = arith.constant 0 : index
    %get3A_3 = arith.constant 0 : index
    %get3A_4 = vector.load %arg1[%get3A, %get3A_2, %get3A_3] : memref<2x1000x128xf32, #tpu.memory_space<vmem>>, vector<1x1000x128xf32>
    %get3A_5 = vector.shape_cast %get3A_4 : vector<1x1000x128xf32> to vector<1000x128xf32>
    %get3A_6 = arith.constant 1 : index
    %get3A_7 = arith.constant 0 : index
    %get3A_8 = arith.constant 0 : index
    %get3A_9 = vector.load %arg1[%get3A_6, %get3A_7, %get3A_8] : memref<2x1000x128xf32, #tpu.memory_space<vmem>>, vector<1x1000x128xf32>
    %get3A_10 = vector.shape_cast %get3A_9 : vector<1x1000x128xf32> to vector<1000x128xf32>
    %add3A = arith.addf %get3A_5, %get3A_10 : vector<1000x128xf32>
    %get3A_11 = arith.constant 0 : index
    %get3A_12 = arith.constant 0 : index
    %get3A_13 = vector.load %arg2[%get3A_11, %get3A_12] : memref<1000x128xf32, #tpu.memory_space<vmem>>, vector<1000x128xf32>
    %add3A_14 = arith.addf %add3A, %get3A_13 : vector<1000x128xf32>
    %get3A_15 = arith.constant 0 : index
    %get3A_16 = arith.constant 0 : index
    %get3A_17 = vector.load %arg3[%get3A_15, %get3A_16] : memref<1000x1xf32, #tpu.memory_space<vmem>>, vector<1000x1xf32>
    %mul3A = vector.broadcast %get3A_17 : vector<1000x1xf32> to vector<1000x128xf32>
    %mul3A_18 = arith.mulf %add3A_14, %mul3A : vector<1000x128xf32>
    %get3A_19 = arith.constant 0 : index
    %get3A_20 = arith.constant 0 : index
    %get3A_21 = vector.load %arg4[%get3A_19, %get3A_20] : memref<1x128xf32, #tpu.memory_space<vmem>>, vector<1x128xf32>
    %add3A_22 = vector.broadcast %get3A_21 : vector<1x128xf32> to vector<1000x128xf32>
    %add3A_23 = arith.addf %mul3A_18, %add3A_22 : vector<1000x128xf32>
    %max3A = arith.constant 0.000000e+00 : f32
    %max3A_24 = vector.broadcast %max3A : f32 to vector<1000x128xf32>
    %max3A_25 = arith.maximumf %add3A_23, %max3A_24 : vector<1000x128xf32>
    %get3A_26 = arith.constant 0 : index
    %get3A_27 = arith.constant 0 : index
    %get3A_28 = vector.load %arg5[%get3A_26, %get3A_27] : memref<1000x1xi32, #tpu.memory_space<vmem>>, vector<1000x1xi32>
    %iota3A = tpu.iota {dimensions = array<i32: 1>} : vector<1x64xi32>
    %eq3A_29 = vector.broadcast %get3A_28 : vector<1000x1xi32> to vector<1000x64xi32>
    %eq3A_30 = vector.broadcast %iota3A : vector<1x64xi32> to vector<1000x64xi32>
    %eq3A_31 = arith.cmpi eq, %eq3A_29, %eq3A_30 : vector<1000x64xi32>
    %convert_element_type3A_32 = arith.extui %eq3A_31 : vector<1000x64xi1> to vector<1000x64xi32>
    %convert_element_type3A_33 = arith.sitofp %convert_element_type3A_32 : vector<1000x64xi32> to vector<1000x64xf32>
    %get3A_34 = arith.constant 0 : index
    %get3A_35 = arith.constant 0 : index
    %get3A_36 = vector.load %arg11[%get3A_34, %get3A_35] : memref<64x128xf32, #tpu.memory_space<vmem>>, vector<64x128xf32>
    %dot_general3A = arith.constant dense<0.000000e+00> : vector<64x128xf32>
    %dot_general3A_37 = tpu.matmul %convert_element_type3A_33, %max3A_25, %dot_general3A {dimension_numbers = #tpu.dot_dimension_numbers<[0], [0], [1], [1], [0, 1, 1, 1], [], []>, transpose_lhs_hint = false} : vector<1000x64xf32>, vector<1000x128xf32>, vector<64x128xf32> -> vector<64x128xf32>
    %add3A_38 = arith.addf %get3A_36, %dot_general3A_37 : vector<64x128xf32>
    %swap3A = arith.constant 0 : index
    %swap3A_39 = arith.constant 0 : index
    %swap3A_40 = vector.load %arg11[%swap3A, %swap3A_39] : memref<64x128xf32, #tpu.memory_space<vmem>>, vector<64x128xf32>
    tpu.vector_store %arg11[%swap3A, %swap3A_39], %add3A_38 {strides = array<i32>} : memref<64x128xf32, #tpu.memory_space<vmem>>, vector<64x128xf32>,
    %get3A_41 = arith.constant 0 : index
    %get3A_42 = arith.constant 0 : index
    %get3A_43 = vector.load %arg12[%get3A_41, %get3A_42] : memref<64x1xf32, #tpu.memory_space<vmem>>, vector<64x1xf32>
    %broadcast_in_dim3A = arith.constant 1.000000e+00 : f32
    %broadcast_in_dim3A_44 = vector.broadcast %broadcast_in_dim3A : f32 to vector<1000x1xf32>
    %dot_general3A_45 = arith.constant dense<0.000000e+00> : vector<64x1xf32>
    %dot_general3A_46 = tpu.matmul %convert_element_type3A_33, %broadcast_in_dim3A_44, %dot_general3A_45 {dimension_numbers = #tpu.dot_dimension_numbers<[0], [0], [1], [1], [0, 1, 1, 1], [], []>, transpose_lhs_hint = false} : vector<1000x64xf32>, vector<1000x1xf32>, vector<64x1xf32> -> vector<64x1xf32>
    %add3A_47 = arith.addf %get3A_43, %dot_general3A_46 : vector<64x1xf32>
    %swap3A_48 = arith.constant 0 : index
    %swap3A_49 = arith.constant 0 : index
    %swap3A_50 = vector.load %arg12[%swap3A_48, %swap3A_49] : memref<64x1xf32, #tpu.memory_space<vmem>>, vector<64x1xf32>
    tpu.vector_store %arg12[%swap3A_48, %swap3A_49], %add3A_47 {strides = array<i32>} : memref<64x1xf32, #tpu.memory_space<vmem>>, vector<64x1xf32>,
    %eq3A_51 = arith.constant 9 : i32
    %eq3A_52 = arith.cmpi eq, %arg0, %eq3A_51 : i32
    %convert_element_type3A_53 = arith.extui %eq3A_52 : i1 to i32
    %cond3A_54 = arith.constant 0 : i32
    %cond3A_55 = arith.cmpi ne, %convert_element_type3A_53, %cond3A_54 : i32
    scf.if %cond3A_55 {
      %get3A_56 = arith.constant 0 : index
      %get3A_57 = arith.constant 0 : index
      %get3A_58 = vector.load %arg11[%get3A_56, %get3A_57] : memref<64x128xf32, #tpu.memory_space<vmem>>, vector<64x128xf32>
      %get3A_59 = arith.constant 0 : index
      %get3A_60 = arith.constant 0 : index
      %get3A_61 = vector.load %arg12[%get3A_59, %get3A_60] : memref<64x1xf32, #tpu.memory_space<vmem>>, vector<64x1xf32>
      %max3A_62 = arith.constant 1.000000e+00 : f32
      %max3A_63 = vector.broadcast %max3A_62 : f32 to vector<64x1xf32>
      %max3A_64 = arith.maximumf %get3A_61, %max3A_63 : vector<64x1xf32>
      %div3A = vector.broadcast %max3A_64 : vector<64x1xf32> to vector<64x128xf32>
      %div3A_65 = arith.divf %get3A_58, %div3A : vector<64x128xf32>
      %get3A_66 = arith.constant 0 : index
      %get3A_67 = arith.constant 0 : index
      %get3A_68 = vector.load %arg6[%get3A_66, %get3A_67] : memref<128x128xf32, #tpu.memory_space<vmem>>, vector<128x128xf32>
      %dot_general3A_69 = arith.constant dense<0.000000e+00> : vector<64x128xf32>
      %dot_general3A_70 = tpu.matmul %div3A_65, %get3A_68, %dot_general3A_69 {dimension_numbers = #tpu.dot_dimension_numbers<[1], [0], [0], [1], [0, 0, 1, 1], [], []>, transpose_lhs_hint = false} : vector<64x128xf32>, vector<128x128xf32>, vector<64x128xf32> -> vector<64x128xf32>
      %get3A_71 = arith.constant 0 : index
      %get3A_72 = arith.constant 0 : index
      %get3A_73 = vector.load %arg7[%get3A_71, %get3A_72] : memref<1x128xf32, #tpu.memory_space<vmem>>, vector<1x128xf32>
      %add3A_74 = vector.broadcast %get3A_73 : vector<1x128xf32> to vector<64x128xf32>
      %add3A_75 = arith.addf %dot_general3A_70, %add3A_74 : vector<64x128xf32>
      %max3A_76 = arith.constant 0.000000e+00 : f32
      %max3A_77 = vector.broadcast %max3A_76 : f32 to vector<64x128xf32>
      %max3A_78 = arith.maximumf %add3A_75, %max3A_77 : vector<64x128xf32>
      %get3A_79 = arith.constant 0 : index
      %get3A_80 = arith.constant 0 : index
      %get3A_81 = vector.load %arg8[%get3A_79, %get3A_80] : memref<128x1xf32, #tpu.memory_space<vmem>>, vector<128x1xf32>
      %dot_general3A_82 = arith.constant dense<0.000000e+00> : vector<64x1xf32>
      %dot_general3A_83 = tpu.matmul %max3A_78, %get3A_81, %dot_general3A_82 {dimension_numbers = #tpu.dot_dimension_numbers<[1], [0], [0], [1], [0, 0, 1, 1], [], []>, transpose_lhs_hint = false} : vector<64x128xf32>, vector<128x1xf32>, vector<64x1xf32> -> vector<64x1xf32>
      %get3A_84 = arith.constant 0 : index
      %get3A_85 = arith.constant 0 : index
      %get3A_86 = vector.load %arg9[%get3A_84, %get3A_85] : memref<1x1xf32, #tpu.memory_space<vmem>>, vector<1x1xf32>
      %add3A_87 = vector.broadcast %get3A_86 : vector<1x1xf32> to vector<64x1xf32>
      %add3A_88 = arith.addf %dot_general3A_83, %add3A_87 : vector<64x1xf32>
      %swap3A_89 = arith.constant 0 : index
      %swap3A_90 = arith.constant 0 : index
      %swap3A_91 = vector.load %arg10[%swap3A_89, %swap3A_90] : memref<64x1xf32, #tpu.memory_space<vmem>>, vector<64x1xf32>
      tpu.vector_store %arg10[%swap3A_89, %swap3A_90], %add3A_88 {strides = array<i32>} : memref<64x1xf32, #tpu.memory_space<vmem>>, vector<64x1xf32>,
    } else {
    }
    return
  }
  func.func @transform_0(%arg0: i32) -> (i32, i32, i32) {
    %c0_i32 = arith.constant 0 : i32
    %c0_i32_0 = arith.constant 0 : i32
    %c0_i32_1 = arith.constant 0 : i32
    return %c0_i32, %arg0, %c0_i32_0 : i32, i32, i32
  }
  func.func @transform_1(%arg0: i32) -> (i32, i32) {
    %c0_i32 = arith.constant 0 : i32
    %c0_i32_0 = arith.constant 0 : i32
    return %arg0, %c0_i32 : i32, i32
  }
  func.func @transform_2(%arg0: i32) -> (i32, i32) {
    %c0_i32 = arith.constant 0 : i32
    %c0_i32_0 = arith.constant 0 : i32
    return %arg0, %c0_i32 : i32, i32
  }
  func.func @transform_3(%arg0: i32) -> (i32, i32) {
    %c0_i32 = arith.constant 0 : i32
    %c0_i32_0 = arith.constant 0 : i32
    %c0_i32_1 = arith.constant 0 : i32
    return %c0_i32, %c0_i32_0 : i32, i32
  }
  func.func @transform_4(%arg0: i32) -> (i32, i32) {
    %c0_i32 = arith.constant 0 : i32
    %c0_i32_0 = arith.constant 0 : i32
    return %arg0, %c0_i32 : i32, i32
  }
  func.func @transform_5(%arg0: i32) -> (i32, i32) {
    %c0_i32 = arith.constant 0 : i32
    %c0_i32_0 = arith.constant 0 : i32
    %c0_i32_1 = arith.constant 0 : i32
    return %c0_i32, %c0_i32_0 : i32, i32
  }
  func.func @transform_6(%arg0: i32) -> (i32, i32) {
    %c0_i32 = arith.constant 0 : i32
    %c0_i32_0 = arith.constant 0 : i32
    %c0_i32_1 = arith.constant 0 : i32
    return %c0_i32, %c0_i32_0 : i32, i32
  }
  func.func @transform_7(%arg0: i32) -> (i32, i32) {
    %c0_i32 = arith.constant 0 : i32
    %c0_i32_0 = arith.constant 0 : i32
    %c0_i32_1 = arith.constant 0 : i32
    return %c0_i32, %c0_i32_0 : i32, i32
  }
  func.func @transform_8(%arg0: i32) -> (i32, i32) {
    %c0_i32 = arith.constant 0 : i32
    %c0_i32_0 = arith.constant 0 : i32
    %c0_i32_1 = arith.constant 0 : i32
    return %c0_i32, %c0_i32_0 : i32, i32
  }
  func.func @transform_9(%arg0: i32) -> (i32, i32) {
    %c0_i32 = arith.constant 0 : i32
    %c0_i32_0 = arith.constant 0 : i32
    %c0_i32_1 = arith.constant 0 : i32
    return %c0_i32, %c0_i32_0 : i32, i32
  }
}

</mosaic_0001>

<sc_bundles>
// kernel: kernel.12.cloned.1.call-start
scs
__scs_entry_jumppad:
0x0: {  	(pc) =	sbr.rel $0x88, $3  }
0x1: {  	(tag) =	ssettag $0x0;
	lr =	simm.s32 $0x1  }
0x2: {  	[smem:$0x3F96] =	sst lr;
	_ =	strace $0xD0000000  }
0x3: {  	_ = 	snop  }
0x4: {  	_ = 	snop  }
0x5: {  	_ = 	snop  }
0x6: {  	_ = 	snop  }
0x7: {  	_ = 	snop  }
__scs_overlays_trampoline_lowered:
0x8: {  	[smem:$0x3FA5] =	sst s0  }
0x9: {  	[smem:$0x3FA6] =	sst s1  }
0xa: {  	[smem:$0x3FA7] =	sst s2  }
0xb: {  	[smem:$0x3FA8] =	sst s3  }
0xc: {  	[smem:$0x3FA9] =	sst s4  }
0xd: {  	[smem:$0x3FAA] =	sst s5  }
0xe: {  	[smem:$0x3FAB] =	sst s6  }
0xf: {  	[smem:$0x3FAC] =	sst s7  }
0x10: {  	[smem:$0x3FAD] =	sst s8  }
0x11: {  	[smem:$0x3FAE] =	sst s9;
	s0 =	simm.s32 @!p0 $0x0  }
0x12: {  	s1 =	sld [smem:$0x3F94];
	s0 =	simm.s32 @p0 $0x1  }
0x13: {  	[smem:$0x3FAF] =	sst s0;
	s0 =	simm.s32 @!p1 $0x0  }
0x14: {  	s2 =	sld [smem:$0x3F93];
	s0 =	simm.s32 @p1 $0x1  }
0x15: {  	[smem:$0x3FB0] =	sst s0;
	s0 =	simm.s32 @!p2 $0x0  }
0x16: {  	s3 =	sld [smem:$0x3FDB];
	s0 =	simm.s32 @p2 $0x1  }
0x17: {  	s4 =	simm.s32 $0x1BF5;
	[smem:$0x3FB2] =	sst s0  }
0x18: {  	s0 =	sld [smem:$0x3F95];
	_ =	swait.ge [sflag:s4], $0x0  }
0x19: {  	s7 =	sld [smem:$0x3F96]  }
0x1a: {  	s8 =	sadd.s32 $0xFFFFE003, lr  }
0x1b: {  	s9 =	sadd.s32 $0xFFFFFEF7, lr;
	s5 =	simm.s32 $0xFFFFFFFF;
	p2 =	slt.u32 s8, $0xFFFFF086  }
0x1c: {  	p1 =	slt.u32 s9, $0xF7A;
	s5 =	simm.s32 @!p2 $0x0  }
0x1d: {  	s5 =	simm.s32 @p1 $0x1;
	p0 =	seq.s32 s7, s2  }
0x1e: {  	s7 =	smul.u32 @!p0 $0xF7A, s2;
	p2 =	seq.s32 @!p0 s5, $0x0  }
0x1f: {  	s9 =	smul.u32 $0xF7A, s1;
	s8 =	simm.s32 @!p0 $0x1BF5;
	p2 =	por !p2, p0  }
0x20: {  	[sflag:s8] =	ssyncset.s32 @!p0 $0xFFFFF086;
	s6 =	sadd.s32 @!p0 s3, s7;
	s7 =	simm.s32 @!p0 $0x108  }
0x21: {  	s3 =	sadd.s32 s3, s9;
	s6 =	sadd.s32 @!p0 $0x88, s6;
	s7 =	simm.s32 @p2 $0x1082  }
0x22: {  	[simem:s7], [sflag:s8] =	dma.local @!p0 [hbm:s6], $0xF7A  }
0x23: {  	s9 =	sor.u32 $0xD0000000, s2;
	s6 =	simm.s32 $0x108;
	_ =	swait.ge @!p0 [sflag:s8], $0x0  }
0x24: {  	s3 =	sadd.s32 $0x88, s3;
	s6 =	simm.s32 @!p1 $0x1082;
	[sflag:s4] =	ssyncset.s32 $0xFFFFF086  }
0x25: {  	[simem:s6], [sflag:s4] =	dma.local [hbm:s3], $0xF7A  }
0x26: {  	[smem:$0x3F96] =	sst s1;
	(tag) =	ssettag s2;
	_ =	strace s9  }
0x27: {  	s1 =	sld [smem:$0x3FA6]  }
0x28: {  	s2 =	sld [smem:$0x3FA7]  }
0x29: {  	s4 =	sld [smem:$0x3FA9]  }
0x2a: {  	p0 =	seq.s32 s5, $0x0;
	s5 =	sld [smem:$0x3FAA]  }
0x2b: {  	s6 =	sld [smem:$0x3FAB]  }
0x2c: {  	s7 =	sld [smem:$0x3FAC]  }
0x2d: {  	s3 =	simm.s32 $0x108;
	s8 =	sld [smem:$0x3FAD]  }
0x2e: {  	s3 =	simm.s32 @!p0 $0x1082;
	s9 =	sld [smem:$0x3FAE]  }
0x2f: {  	lr =	sadd.s32 s0, s3;
	s0 =	sld [smem:$0x3FA5]  }
0x30: {  	s3 =	sld [smem:$0x3FA8]  }
0x31: {  	[smem:$0x3FB1] =	sst s10  }
0x32: {  	s10 =	sld [smem:$0x3FAF];
	_ =	sdelay $0x3  }
0x33: {  	p0 =	seq.s32 s10, $0x1;
	s10 =	sld [smem:$0x3FB1];
	_ =	sdelay $0x3  }
0x34: {  	[smem:$0x3FB1] =	sst s10  }
0x35: {  	s10 =	sld [smem:$0x3FB0];
	_ =	sdelay $0x3  }
0x36: {  	p1 =	seq.s32 s10, $0x1;
	s10 =	sld [smem:$0x3FB1];
	_ =	sdelay $0x3  }
0x37: {  	[smem:$0x3FB1] =	sst s10  }
0x38: {  	s10 =	sld [smem:$0x3FB2]  }
0x39: {  	_ = 	snop;
	(pc) =	sbr.ind lr, $3  }
0x3a: {  	_ = 	snop  }
0x3b: {  	_ = 	snop  }
0x3c: {  	p2 =	seq.s32 s10, $0x1;
	s10 =	sld [smem:$0x3FB1]  }
0x3d: {  	_ =	shalt  }
0x3e: {  	_ =	shalt  }
0x3f: {  	_ =	shalt  }
0x40: {  	_ =	shalt  }
0x41: {  	_ =	shalt  }
0x42: {  	_ =	shalt  }
0x43: {  	_ =	shalt  }
0x44: {  	_ =	shalt  }
0x45: {  	_ =	shalt  }
0x46: {  	_ =	shalt  }
0x47: {  	_ =	shalt  }
0x48: {  	_ =	shalt  }
0x49: {  	_ =	shalt  }
0x4a: {  	_ =	shalt  }
0x4b: {  	_ =	shalt  }
0x4c: {  	_ =	shalt  }
0x4d: {  	_ =	shalt  }
0x4e: {  	_ =	shalt  }
0x4f: {  	_ =	shalt  }
0x50: {  	_ =	shalt  }
0x51: {  	_ =	shalt  }
0x52: {  	_ =	shalt  }
0x53: {  	_ =	shalt  }
0x54: {  	_ =	shalt  }
0x55: {  	_ =	shalt  }
0x56: {  	_ =	shalt  }
0x57: {  	_ =	shalt  }
0x58: {  	_ =	shalt  }
0x59: {  	_ =	shalt  }
0x5a: {  	_ =	shalt  }
0x5b: {  	_ =	shalt  }
0x5c: {  	_ =	shalt  }
0x5d: {  	_ =	shalt  }
0x5e: {  	_ =	shalt  }
0x5f: {  	_ =	shalt  }
0x60: {  	_ =	shalt  }
0x61: {  	_ =	shalt  }
0x62: {  	_ =	shalt  }
0x63: {  	_ =	shalt  }
0x64: {  	_ =	shalt  }
0x65: {  	_ =	shalt  }
0x66: {  	_ =	shalt  }
0x67: {  	_ =	shalt  }
0x68: {  	_ =	shalt  }
0x69: {  	_ =	shalt  }
0x6a: {  	_ =	shalt  }
0x6b: {  	_ =	shalt  }
0x6c: {  	_ =	shalt  }
0x6d: {  	_ =	shalt  }
0x6e: {  	_ =	shalt  }
0x6f: {  	_ =	shalt  }
0x70: {  	_ =	shalt  }
0x71: {  	_ =	shalt  }
0x72: {  	_ =	shalt  }
0x73: {  	_ =	shalt  }
0x74: {  	_ =	shalt  }
0x75: {  	_ =	shalt  }
0x76: {  	_ =	shalt  }
0x77: {  	_ =	shalt  }
0x78: {  	_ =	shalt  }
0x79: {  	_ =	shalt  }
0x7a: {  	_ =	shalt  }
0x7b: {  	_ =	shalt  }
0x7c: {  	_ =	shalt  }
0x7d: {  	_ =	shalt  }
0x7e: {  	_ =	shalt  }
0x7f: {  	_ =	shalt  }
0x80: {  	_ =	shalt  }
0x81: {  	_ =	shalt  }
0x82: {  	_ =	shalt  }
0x83: {  	_ =	shalt  }
0x84: {  	_ =	shalt  }
0x85: {  	_ =	shalt  }
0x86: {  	_ =	shalt  }
0x87: {  	_ =	shalt  }
.Lfunc_end0:
.L_simem_size_0:
called_computation.1_lowered:
.L_overlay_start_0:
0x88: {  	s2 =	sld [smem:$0x3FD9]  }
0x89: {  	s3 =	sld [smem:$0x3FFE];
	_ =	sdelay $0x1  }
0x8a: {  	s1 =	srdreg.scid  }
0x8b: {  	s0 =	sand.u32 $0x1, s1  }
0x8c: {  	s16 =	sshll.u32 s0, $0xA;
	s2 =	sadd.s32 s3, s2  }
0x8d: {  	s2 =	sadd.s32 s2, s16  }
0x8e: {  	[smem:$0x3FBD] =	sst s2  }
0x8f: {  	_ = 	snop  }
0x90: {  	(tm) =	ssettm $0x1  }
0x91: {  	s17 =	sld [smem:$0x3FFB];
	_ =	sdelay $0x3  }
0x92: {  	_ =	strace s17  }
0x93: {  	s2 =	sld [smem:$0x3FFC];
	_ =	sdelay $0x3  }
0x94: {  	_ =	strace s2  }
0x95: {  	s2 =	sld [smem:$0x3FFD];
	_ =	sdelay $0x3  }
0x96: {  	_ =	strace s2  }
0x97: {  	_ =	strace $0x8FFFFFFF  }
0x98: {  	s18 =	sld [smem:$0x3FDB];
	_ =	sdelay $0x1  }
0x99: {  	s19 =	simm.s32 $_scs_section_size  }
0x9a: {  	s4 =	simm.s32 $_size__tile_overlayer_lowered;
	s5 =	simm.s32 $_tile_overlayer_lowered  }
0x9b: {  	s22 =	simm.s32 $0x1BFF;
	s21 =	sshll.u32 s5, $0x1;
	s2 =	sadd.s32 s19, s18  }
0x9c: {  	s6 =	simm.s32 $0x0;
	s20 =	sshll.u32 s4, $0x1;
	s4 =	sadd.s32 s21, s2  }
0x9d: {  	[timem:s6], [sflag:s22] =	dma.local [hbm:s4], s20  }
0x9e: {  	_ =	swait.ge [sflag:s22], s20  }
0x9f: {  	s3 =	ssub.s32 $0x0, s20;
	[sflag:s22] =	ssyncset.done $0x0  }
0xa0: {  	[sflag:s22] =	ssyncadd.s32 s3;
	_ =	sdelay $0x1  }
0xa1: {  	s23 =	simm.s32 $0x1B8B  }
0xa2: {  	_ =	swait.ge [sflag:s23], $0x1  }
0xa3: {  	[sflag:s23] =	ssyncset.done $0x0  }
0xa4: {  	s25 =	simm.s32 $0x1B8E;
	s24 =	sld [smem:$0x3FFE];
	[sflag:s23] =	ssyncadd.s32 $0xFFFFFFFF  }
0xa5: {  	s26 =	simm.s32 $execute0_lowered;
	[smem:$0x3FD2] =	sst s25  }
0xa6: {  	s4 =	sshll.u32 s26, $0x1;
	_ =	strace $0x80000049;
	[dreg:$0x1] =	wrdreg $0xFFFFFFFF  }
0xa7: {  	s28 =	simm.s32 $_size_execute0_lowered;
	s2 =	sadd.s32 s2, s4;
	[dreg:$0x0] =	wrdreg $0x0  }
0xa8: {  	s4 =	sshll.u32 s28, $0x1;
	[dreg:$0x2] =	wrdreg s2  }
0xa9: {  	[dreg:$0x3] =	wrdreg s4  }
0xaa: {  	[dreg:$0x4] =	wrdreg $0xC0  }
0xab: {  	_ =	task [dreg:s6], $0x5FFFF  }
0xac: {  	[dreg:$0x1] =	wrdreg $0xFFFFFFFF  }
0xad: {  	[dreg:$0x0] =	wrdreg $0x60  }
0xae: {  	[dreg:$0x2] =	wrdreg s24  }
0xaf: {  	[dreg:$0x3] =	wrdreg $0xA8000  }
0xb0: {  	[dreg:$0x4] =	wrdreg $0x9  }
0xb1: {  	_ =	task.clear_ibuf [dreg:s6], $0x5FFFF;
	_ =	strace $0x90000049  }
0xb2: {  	s29 =	simm.s32 $0x9;
	_ =	strace $0x8000004B  }
0xb3: {  	_ =	swait.ge [sflag:s29], $0x1  }
0xb4: {  	[sflag:s29] =	ssyncadd.s32 $0xFFFFFFFF  }
0xb5: {  	_ =	strace $0x9000004B  }
0xb6: {  	_ =	sfence  }
0xb7: {  	s30 =	sld [smem:$0x0];
	_ =	sdelay $0x2  }
0xb8: {  	s31 =	sshll.u32 s1, $0xD;
	s1 =	sshrl.u32 s1, $0x2  }
0xb9: {  	s3 =	sand.u32 $0x4000, s31;
	s1 =	sadd.s32 s1, s30  }
0xba: {  	s0 =	sor.u32 s3, s0;
	s1 =	sshll.u32 s1, $0x11  }
0xbb: {  	s0 =	sor.u32 s1, s0  }
0xbc: {  	s0 =	sadd.s32 $0x8F2B, s0  }
0xbd: {  	[sflag:s0] =	ssyncadd.remote.s32 $0x1  }
0xbe: {  	_ =	sfence.sel $0xFFFF  }
0xbf: {  	[dreg:$0x0] =	wrdreg $0xFFFFFFFF;
	(pc) =	sbr.abs _section_cstart, $3  }
0xc0: {  	[dreg:$0x1] =	wrdreg $0xFFFFFFFF  }
0xc1: {  	_ =	task.clear_ibuf [dreg:s6], $0x2FFFF;
	_ =	strace $0x9FFFFFFF  }
0xc2: {  	(tm) =	ssettm $0x7FFFFFFF  }
0xc3: {  	_ =	shalt  }
tec
execute0_lowered:
.L_overlay_start_1:
0x0: {  	(tag) =	ssettag $0x1  }
0x1: {  	s5 =	rddreg [dreg:$0x0]  }
0x2: {  	s1 =	rddreg [dreg:$0x1]  }
0x3: {  	s2 =	srdreg.scid;
	s0 =	rddreg [dreg:$0x2];
	s3 =	simm.s32 $0x0  }
0x4: {  	s18 =	simm.s32 $0x1400;
	s19 =	simm.s32 $0x80;
	s20 =	simm.s32 $0x1  }
0x5: {  	s21 =	simm.s32 $0x6800;
	s22 =	simm.s32 $0x2;
	s23 =	simm.s32 $0x3  }
0x6: {  	s24 =	simm.s32 $0x4;
	s6 =	sand.u32 $0x1, s2;
	s2 =	stileid.u32  }
0x7: {  	s28 =	simm.s32 $0x0;
	[smem:$0x7FF] =	sst s3;
	s7 =	smul.u32 $0x13C000, s6  }
0x8: {  	s4 =	sadd.s32 $0x16E00, s5;
	s12 =	sadd.s32 $0xCE00, s5;
	s8 =	smul.u32 $0x13C00, s2  }
0x9: {  	s13 =	sadd.s32 $0x2E00, s5;
	_ =	strace $0x8000004A;
	s25 =	smul.u32 $0x50000, s2  }
0xa: {  	s26 =	ssub.s32 $0x2, s6;
	s29 =	sshll.u32 s2, $0x1;
	s17 =	smul.u32 $0x4F000, s2  }
0xb: {  	s9 =	sshrl.u32 s26, $0x1;
	s6 =	sor.u32 s6, s29;
	s7 =	sadd.s32 s8, s7  }
0xc: {  	s30 =	sshrl.u32 s25, $0x2;
	s15 =	ssub.s32 s26, s9;
	s10 =	smul.u32 $0x2800, s6  }
0xd: {  	s31 =	sshrl.u32 s17, $0x2;
	s17 =	simm.s32 $0x5;
	s26 =	simm.s32 $0x2780  }
0xe: {  	s7 =	sshrl.u32 s7, $0x3;
	s25 =	sadd.s32 s31, s1;
	s15 =	smax.u32 s15, $0x1  }
0xf: {  	s14 =	sadd.s32 s7, s5;
	s5 =	sadd.s32 s30, s1;
	s16 =	sshrl.u32 s10, $0x3  }
0x10: {  	s25 =	sshrl.u32 s25, $0x3;
	s6 =	sadd.s32 $0x4000, s5;
	s7 =	sadd.s32 $0x8000, s5  }
0x11: {  	s8 =	sadd.s32 $0xC000, s5;
	s9 =	sadd.s32 $0x10000, s5;
	s10 =	sadd.s32 s12, s16  }
0x12: {  	s11 =	sadd.s32 s13, s16;
	s16 =	sadd.s32 $0x280, s16;
	s14 =	sadd.s32 $0x3E000, s14  }
0x13: {  	v0 =	vimm.f32 $0.0e+00;
	s12 =	sadd.s32 s12, s16;
	s13 =	sadd.s32 s13, s16;
	s16 =	simm.s32 $0x2800  }
.LBB2_1:
0x14: {  	s29 =	simm.s32 $0x0;
	s30 =	simm.s32 $0x200  }
.LBB2_2:
0x15: {  	p0 =	sne.s32 s30, $0xFE00;
	[tilespmem:s29+$0x2870] =	vst v0  }
0x16: {  	[tilespmem:s29+$0x2800] =	vst v0  }
0x17: {  	[tilespmem:s29+$0x2810] =	vst v0  }
.Ltmp0:
0x18: {  	[tilespmem:s29+$0x2820] =	vst v0;
	(pc) =	sbr.rel @p0 .LBB2_2-.Ltmp0, $4  }
0x19: {  	[tilespmem:s29+$0x2830] =	vst v0  }
0x1a: {  	[tilespmem:s29+$0x2840] =	vst v0  }
0x1b: {  	[tilespmem:s29+$0x2850] =	vst v0  }
0x1c: {  	[tilespmem:s29+$0x2860] =	vst v0;
	s29 =	sshra.s32 s30, $0x2;
	s30 =	sadd.s32 $0x200, s30  }
0x1d: {  	[tilespmem:s29+$0x2870] =	vst v0  }
0x1e: {  	[tilespmem:s29+$0x2800] =	vst v0  }
0x1f: {  	[tilespmem:s29+$0x2810] =	vst v0  }
0x20: {  	[tilespmem:s29+$0x2820] =	vst v0  }
0x21: {  	[tilespmem:s29+$0x2830] =	vst v0  }
0x22: {  	[tilespmem:s29+$0x2840] =	vst v0  }
0x23: {  	[tilespmem:s29+$0x2850] =	vst v0  }
0x24: {  	[tilespmem:s29+$0x2860] =	vst v0  }
0x25: {  	[spmem:s5] =	stream.linear.scatter [tilespmem:s16], [sflag:$0x5], $0x4000, $0x38;
	[tilespmem:$0x1E800] =	vst v63  }
0x26: {  	_ =	swait.ge [sflag:s17], $0x4000  }
0x27: {  	[sflag:s17] =	ssyncset.done $0x0  }
0x28: {  	[sflag:s17] =	ssyncadd.s32 $0xFFFFC000  }
0x29: {  	[spmem:s6] =	stream.linear.scatter [tilespmem:s16], [sflag:$0x5], $0x4000, $0x38;
	[tilespmem:$0x1E800] =	vst v63  }
0x2a: {  	_ =	swait.ge [sflag:s17], $0x4000  }
0x2b: {  	[sflag:s17] =	ssyncset.done $0x0  }
0x2c: {  	[sflag:s17] =	ssyncadd.s32 $0xFFFFC000  }
0x2d: {  	[spmem:s7] =	stream.linear.scatter [tilespmem:s16], [sflag:$0x5], $0x4000, $0x38;
	[tilespmem:$0x1E800] =	vst v63  }
0x2e: {  	_ =	swait.ge [sflag:s17], $0x4000  }
0x2f: {  	[sflag:s17] =	ssyncset.done $0x0  }
0x30: {  	[sflag:s17] =	ssyncadd.s32 $0xFFFFC000  }
0x31: {  	[spmem:s8] =	stream.linear.scatter [tilespmem:s16], [sflag:$0x5], $0x4000, $0x38;
	[tilespmem:$0x1E800] =	vst v63  }
0x32: {  	_ =	swait.ge [sflag:s17], $0x4000  }
0x33: {  	[sflag:s17] =	ssyncset.done $0x0  }
0x34: {  	[sflag:s17] =	ssyncadd.s32 $0xFFFFC000  }
0x35: {  	[spmem:s9] =	stream.linear.scatter [tilespmem:s16], [sflag:$0x5], $0x4000, $0x38;
	[tilespmem:$0x1E800] =	vst v63  }
0x36: {  	_ =	swait.ge [sflag:s17], $0x4000  }
0x37: {  	[sflag:s17] =	ssyncset.done $0x0  }
0x38: {  	[sflag:s17] =	ssyncadd.s32 $0xFFFFC000  }
0x39: {  	[bflag:$0x0] =	sbarrier.arrive $0xFFFF  }
0x3a: {  	[tilespmem:s3], [sflag:$0x5] =	stream.linear.gather [hbm4b:s10+s3], $0x1400, $0x38;
	[tilespmem:$0x1E800] =	vst v63  }
0x3b: {  	_ =	swait.ge [sflag:s17], $0x1400  }
0x3c: {  	[sflag:s17] =	ssyncset.done $0x0  }
0x3d: {  	[sflag:s17] =	ssyncadd.s32 $0xFFFFEC00  }
0x3e: {  	[tilespmem:s18], [sflag:$0x5] =	stream.linear.gather [hbm4b:s11+s3], $0x1400, $0x38;
	[tilespmem:$0x1E800] =	vst v63  }
0x3f: {  	_ =	swait.ge [sflag:s17], $0x1400  }
0x40: {  	[sflag:s17] =	ssyncset.done $0x0  }
0x41: {  	[sflag:s17] =	ssyncadd.s32 $0xFFFFEC00  }
0x42: {  	[tilespmem:s16], [sflag:$0x1] =	stream.indirect.gather [hbm4b:s4+s19], $0x80, s3, s19, $0xb8;
	[tilespmem:$0x1E800] =	vst v63  }
0x43: {  	_ =	swait.ge [sflag:s20], $0x4000  }
0x44: {  	[sflag:s20] =	ssyncset.done $0x0  }
0x45: {  	[sflag:s20] =	ssyncadd.s32 $0xFFFFC000  }
0x46: {  	[spmem:s1] =	stream.indirect.scatter.add.f32 [tilespmem:s16], [sflag:$0x3], $0x80, s18, s19, $0xb8;
	[tilespmem:$0x1E800] =	vst v63  }
0x47: {  	_ = 	snop  }
0x48: {  	[tilespmem:s21], [sflag:$0x2] =	stream.indirect.gather [hbm4b:s4+s19], $0x80, s19, s19, $0xb8;
	[tilespmem:$0x1E800] =	vst v63  }
0x49: {  	_ =	swait.ge [sflag:s22], $0x4000  }
0x4a: {  	[sflag:s22] =	ssyncset.done $0x0  }
0x4b: {  	s29 =	simm.s32 $0x1480;
	[sflag:s22] =	ssyncadd.s32 $0xFFFFC000  }
0x4c: {  	[spmem:s1] =	stream.indirect.scatter.add.f32 [tilespmem:s21], [sflag:$0x4], $0x80, s29, s19, $0xb8;
	[tilespmem:$0x1E800] =	vst v63  }
0x4d: {  	_ =	swait.ge [sflag:s23], $0x4000  }
0x4e: {  	[sflag:s23] =	ssyncset.done $0x0  }
0x4f: {  	s29 =	simm.s32 $0x100;
	[sflag:s23] =	ssyncadd.s32 $0xFFFFC000  }
0x50: {  	[tilespmem:s16], [sflag:$0x1] =	stream.indirect.gather [hbm4b:s4+s19], $0x80, s29, s19, $0xb8;
	[tilespmem:$0x1E800] =	vst v63  }
0x51: {  	_ =	swait.ge [sflag:s20], $0x4000  }
0x52: {  	[sflag:s20] =	ssyncset.done $0x0  }
0x53: {  	s29 =	simm.s32 $0x1500;
	[sflag:s20] =	ssyncadd.s32 $0xFFFFC000  }
0x54: {  	[spmem:s1] =	stream.indirect.scatter.add.f32 [tilespmem:s16], [sflag:$0x3], $0x80, s29, s19, $0xb8;
	[tilespmem:$0x1E800] =	vst v63  }
0x55: {  	_ =	swait.ge [sflag:s24], $0x4000  }
0x56: {  	[sflag:s24] =	ssyncset.done $0x0  }
0x57: {  	s30 =	simm.s32 $0x180;
	s29 =	simm.s32 $0xFFFFB800;
	[sflag:s24] =	ssyncadd.s32 $0xFFFFC000  }
.LBB2_4:
0x58: {  	[tilespmem:s21], [sflag:$0x2] =	stream.indirect.gather [hbm4b:s4+s19], $0x80, s30, s19, $0xb8;
	[tilespmem:$0x1E800] =	vst v63  }
0x59: {  	s30 =	smov.u32 s29  }
0x5a: {  	p0 =	sne.s32 s29, $0xFFFFFC00;
	s29 =	sadd.s32 $0x400, s29;
	_ =	swait.ge [sflag:s22], $0x4000  }
0x5b: {  	s30 =	sshra.s32 s30, $0x2;
	[sflag:s22] =	ssyncset.done $0x0  }
0x5c: {  	s31 =	sadd.s32 $0x2780, s30;
	[sflag:s22] =	ssyncadd.s32 $0xFFFFC000  }
0x5d: {  	[spmem:s1] =	stream.indirect.scatter.add.f32 [tilespmem:s21], [sflag:$0x4], $0x80, s31, s19, $0xb8;
	[tilespmem:$0x1E800] =	vst v63  }
0x5e: {  	_ =	swait.ge [sflag:s23], $0x4000  }
0x5f: {  	[sflag:s23] =	ssyncset.done $0x0  }
0x60: {  	s31 =	sadd.s32 $0x1400, s30;
	[sflag:s23] =	ssyncadd.s32 $0xFFFFC000  }
0x61: {  	[tilespmem:s16], [sflag:$0x1] =	stream.indirect.gather [hbm4b:s4+s19], $0x80, s31, s19, $0xb8;
	[tilespmem:$0x1E800] =	vst v63  }
0x62: {  	_ =	swait.ge [sflag:s20], $0x4000  }
0x63: {  	[sflag:s20] =	ssyncset.done $0x0  }
.Ltmp1:
0x64: {  	s31 =	sadd.s32 $0x2800, s30;
	[sflag:s20] =	ssyncadd.s32 $0xFFFFC000;
	(pc) =	sbr.rel @p0 .LBB2_4-.Ltmp1, $4  }
0x65: {  	[spmem:s1] =	stream.indirect.scatter.add.f32 [tilespmem:s16], [sflag:$0x3], $0x80, s31, s19, $0xb8;
	[tilespmem:$0x1E800] =	vst v63  }
0x66: {  	_ =	swait.ge [sflag:s24], $0x4000  }
0x67: {  	[sflag:s24] =	ssyncset.done $0x0  }
0x68: {  	s30 =	sadd.s32 $0x1480, s30;
	[sflag:s24] =	ssyncadd.s32 $0xFFFFC000  }
0x69: {  	[tilespmem:s21], [sflag:$0x2] =	stream.indirect.gather [hbm4b:s4+s19], $0x80, s30, s19, $0xb8;
	[tilespmem:$0x1E800] =	vst v63  }
0x6a: {  	_ =	swait.ge [sflag:s22], $0x4000  }
0x6b: {  	[sflag:s22] =	ssyncset.done $0x0  }
0x6c: {  	[sflag:s22] =	ssyncadd.s32 $0xFFFFC000  }
0x6d: {  	[spmem:s1] =	stream.indirect.scatter.add.f32 [tilespmem:s21], [sflag:$0x4], $0x80, s26, s19, $0xb8;
	[tilespmem:$0x1E800] =	vst v63  }
0x6e: {  	_ =	swait.ge [sflag:s23], $0x4000  }
0x6f: {  	[sflag:s23] =	ssyncset.done $0x0  }
0x70: {  	[sflag:s23] =	ssyncadd.s32 $0xFFFFC000  }
0x71: {  	_ =	swait.ge [sflag:s24], $0x4000  }
0x72: {  	[sflag:s24] =	ssyncset.done $0x0  }
0x73: {  	[sflag:s24] =	ssyncadd.s32 $0xFFFFC000  }
0x74: {  	[tilespmem:s3], [sflag:$0x5] =	stream.linear.gather [hbm4b:s12+s3], $0x1400, $0x38;
	[tilespmem:$0x1E800] =	vst v63  }
0x75: {  	_ =	swait.ge [sflag:s17], $0x1400  }
0x76: {  	[sflag:s17] =	ssyncset.done $0x0  }
0x77: {  	[sflag:s17] =	ssyncadd.s32 $0xFFFFEC00  }
0x78: {  	[tilespmem:s18], [sflag:$0x5] =	stream.linear.gather [hbm4b:s13+s3], $0x1400, $0x38;
	[tilespmem:$0x1E800] =	vst v63  }
0x79: {  	_ =	swait.ge [sflag:s17], $0x1400  }
0x7a: {  	[sflag:s17] =	ssyncset.done $0x0  }
0x7b: {  	[sflag:s17] =	ssyncadd.s32 $0xFFFFEC00  }
0x7c: {  	[tilespmem:s16], [sflag:$0x1] =	stream.indirect.gather [hbm4b:s4+s19], $0x80, s3, s19, $0xb8;
	[tilespmem:$0x1E800] =	vst v63  }
0x7d: {  	_ =	swait.ge [sflag:s20], $0x4000  }
0x7e: {  	[sflag:s20] =	ssyncset.done $0x0  }
0x7f: {  	[sflag:s20] =	ssyncadd.s32 $0xFFFFC000  }
0x80: {  	[spmem:s1] =	stream.indirect.scatter.add.f32 [tilespmem:s16], [sflag:$0x3], $0x80, s18, s19, $0xb8;
	[tilespmem:$0x1E800] =	vst v63  }
0x81: {  	_ = 	snop  }
0x82: {  	[tilespmem:s21], [sflag:$0x2] =	stream.indirect.gather [hbm4b:s4+s19], $0x80, s19, s19, $0xb8;
	[tilespmem:$0x1E800] =	vst v63  }
0x83: {  	_ =	swait.ge [sflag:s22], $0x4000  }
0x84: {  	[sflag:s22] =	ssyncset.done $0x0  }
0x85: {  	s29 =	simm.s32 $0x1480;
	[sflag:s22] =	ssyncadd.s32 $0xFFFFC000  }
0x86: {  	[spmem:s1] =	stream.indirect.scatter.add.f32 [tilespmem:s21], [sflag:$0x4], $0x80, s29, s19, $0xb8;
	[tilespmem:$0x1E800] =	vst v63  }
0x87: {  	_ =	swait.ge [sflag:s23], $0x4000  }
0x88: {  	[sflag:s23] =	ssyncset.done $0x0  }
0x89: {  	s29 =	simm.s32 $0x100;
	[sflag:s23] =	ssyncadd.s32 $0xFFFFC000  }
0x8a: {  	[tilespmem:s16], [sflag:$0x1] =	stream.indirect.gather [hbm4b:s4+s19], $0x80, s29, s19, $0xb8;
	[tilespmem:$0x1E800] =	vst v63  }
0x8b: {  	_ =	swait.ge [sflag:s20], $0x4000  }
0x8c: {  	[sflag:s20] =	ssyncset.done $0x0  }
0x8d: {  	s29 =	simm.s32 $0x1500;
	[sflag:s20] =	ssyncadd.s32 $0xFFFFC000  }
0x8e: {  	[spmem:s1] =	stream.indirect.scatter.add.f32 [tilespmem:s16], [sflag:$0x3], $0x80, s29, s19, $0xb8;
	[tilespmem:$0x1E800] =	vst v63  }
0x8f: {  	_ =	swait.ge [sflag:s24], $0x4000  }
0x90: {  	[sflag:s24] =	ssyncset.done $0x0  }
0x91: {  	s30 =	simm.s32 $0x180;
	s29 =	simm.s32 $0xFFFFB800;
	[sflag:s24] =	ssyncadd.s32 $0xFFFFC000  }
.LBB2_6:
0x92: {  	[tilespmem:s21], [sflag:$0x2] =	stream.indirect.gather [hbm4b:s4+s19], $0x80, s30, s19, $0xb8;
	[tilespmem:$0x1E800] =	vst v63  }
0x93: {  	s30 =	smov.u32 s29  }
0x94: {  	p0 =	sne.s32 s29, $0xFFFFFC00;
	s29 =	sadd.s32 $0x400, s29;
	_ =	swait.ge [sflag:s22], $0x4000  }
0x95: {  	s30 =	sshra.s32 s30, $0x2;
	[sflag:s22] =	ssyncset.done $0x0  }
0x96: {  	s31 =	sadd.s32 $0x2780, s30;
	[sflag:s22] =	ssyncadd.s32 $0xFFFFC000  }
0x97: {  	[spmem:s1] =	stream.indirect.scatter.add.f32 [tilespmem:s21], [sflag:$0x4], $0x80, s31, s19, $0xb8;
	[tilespmem:$0x1E800] =	vst v63  }
0x98: {  	_ =	swait.ge [sflag:s23], $0x4000  }
0x99: {  	[sflag:s23] =	ssyncset.done $0x0  }
0x9a: {  	s31 =	sadd.s32 $0x1400, s30;
	[sflag:s23] =	ssyncadd.s32 $0xFFFFC000  }
0x9b: {  	[tilespmem:s16], [sflag:$0x1] =	stream.indirect.gather [hbm4b:s4+s19], $0x80, s31, s19, $0xb8;
	[tilespmem:$0x1E800] =	vst v63  }
0x9c: {  	_ =	swait.ge [sflag:s20], $0x4000  }
0x9d: {  	[sflag:s20] =	ssyncset.done $0x0  }
.Ltmp2:
0x9e: {  	s31 =	sadd.s32 $0x2800, s30;
	[sflag:s20] =	ssyncadd.s32 $0xFFFFC000;
	(pc) =	sbr.rel @p0 .LBB2_6-.Ltmp2, $4  }
0x9f: {  	[spmem:s1] =	stream.indirect.scatter.add.f32 [tilespmem:s16], [sflag:$0x3], $0x80, s31, s19, $0xb8;
	[tilespmem:$0x1E800] =	vst v63  }
0xa0: {  	_ =	swait.ge [sflag:s24], $0x4000  }
0xa1: {  	[sflag:s24] =	ssyncset.done $0x0  }
0xa2: {  	s30 =	sadd.s32 $0x1480, s30;
	[sflag:s24] =	ssyncadd.s32 $0xFFFFC000  }
0xa3: {  	[tilespmem:s21], [sflag:$0x2] =	stream.indirect.gather [hbm4b:s4+s19], $0x80, s30, s19, $0xb8;
	[tilespmem:$0x1E800] =	vst v63  }
0xa4: {  	_ =	swait.ge [sflag:s22], $0x4000  }
0xa5: {  	[sflag:s22] =	ssyncset.done $0x0  }
0xa6: {  	[sflag:s22] =	ssyncadd.s32 $0xFFFFC000  }
0xa7: {  	[spmem:s1] =	stream.indirect.scatter.add.f32 [tilespmem:s21], [sflag:$0x4], $0x80, s26, s19, $0xb8;
	[tilespmem:$0x1E800] =	vst v63  }
0xa8: {  	_ =	swait.ge [sflag:s23], $0x4000  }
0xa9: {  	[sflag:s23] =	ssyncset.done $0x0  }
0xaa: {  	[sflag:s23] =	ssyncadd.s32 $0xFFFFC000  }
0xab: {  	_ =	swait.ge [sflag:s24], $0x4000  }
0xac: {  	s28 =	sadd.s32 $0x1, s28;
	[sflag:s24] =	ssyncset.done $0x0  }
0xad: {  	s29 =	sshll.u32 s2, $0x6;
	p0 =	sne.s32 s28, s15;
	[sflag:s24] =	ssyncadd.s32 $0xFFFFC000  }
.Ltmp3:
0xae: {  	s29 =	sor.u32 $0x1C05, s29;
	[bflag:$0x0] =	sbarrier.arrive $0xFFFF;
	(pc) =	sbr.rel @p0 .LBB2_1-.Ltmp3, $4  }
0xaf: {  	[hbm:s14], [sflag:s29] =	dma.local [spmem:s25], $0x2780  }
0xb0: {  	_ =	swait.ge [sflag:s17], $0x2780  }
0xb1: {  	[sflag:s17] =	ssyncset.done $0x0  }
0xb2: {  	[sflag:s17] =	ssyncadd.s32 $0xFFFFD880  }
0xb3: {  	_ =	sfence.sel $0x180000  }
0xb4: {  	[bflag:$0x0] =	sbarrier.arrive $0xFFFF  }
0xb5: {  	p0 =	sne.s32 s2, $0x0;
	_ =	strace $0x9000004A  }
0xb6: {  	s0 =	sadd.s32 @!p0 $0x100000, s0;
	[bflag:$0x2] =	sbarrier.arrive $0xFFFF  }
0xb7: {  	[sflag:s0] =	ssyncadd.tile.s32 @!p0 $0x1;
	_ =	shalt  }
.Lfunc_end2:
_tile_overlayer_lowered:
.L_overlay_start_2:
0xb8: {  	(tag) =	ssettag $0x2  }
0xb9: {  	s0 =	rddreg [dreg:$0x0];
	s2 =	stileid.u32  }
0xba: {  	s1 =	rddreg [dreg:$0x1];
	p0 =	sne.s32 s2, $0x0  }
0xbb: {  	s3 =	rddreg [dreg:$0x2];
	[bflag:$0x3] =	sbarrier.arrive $0xFFFF;
	s2 =	simm.s32 @!p0 $0x1C05  }
0xbc: {  	[timem:s3], [sflag:s2] =	dma.local @!p0 [hbm:s0], s1  }
0xbd: {  	s0 =	simm.s32 @!p0 $0x5  }
0xbe: {  	_ =	swait.ge @!p0 [sflag:s0], s1  }
0xbf: {  	s1 =	ssub.s32 @!p0 $0x0, s1;
	[sflag:s0] =	ssyncset.done @!p0 $0x0  }
0xc0: {  	[sflag:s0] =	ssyncadd.s32 @!p0 s1  }
0xc1: {  	[bflag:$0x3] =	sbarrier.arrive $0xFFFF  }
0xc2: {  	_ =	shalt  }

// kernel: kernel.15.cloned.1.call-start
scs
__scs_entry_jumppad:
0x0: {  	(pc) =	sbr.rel $0x88, $3  }
0x1: {  	(tag) =	ssettag $0x0;
	lr =	simm.s32 $0x1  }
0x2: {  	[smem:$0x3F96] =	sst lr;
	_ =	strace $0xD0000000  }
0x3: {  	_ = 	snop  }
0x4: {  	_ = 	snop  }
0x5: {  	_ = 	snop  }
0x6: {  	_ = 	snop  }
0x7: {  	_ = 	snop  }
__scs_overlays_trampoline_lowered:
0x8: {  	[smem:$0x3FA5] =	sst s0  }
0x9: {  	[smem:$0x3FA6] =	sst s1  }
0xa: {  	[smem:$0x3FA7] =	sst s2  }
0xb: {  	[smem:$0x3FA8] =	sst s3  }
0xc: {  	[smem:$0x3FA9] =	sst s4  }
0xd: {  	[smem:$0x3FAA] =	sst s5  }
0xe: {  	[smem:$0x3FAB] =	sst s6  }
0xf: {  	[smem:$0x3FAC] =	sst s7  }
0x10: {  	[smem:$0x3FAD] =	sst s8  }
0x11: {  	[smem:$0x3FAE] =	sst s9;
	s0 =	simm.s32 @!p0 $0x0  }
0x12: {  	s1 =	sld [smem:$0x3F94];
	s0 =	simm.s32 @p0 $0x1  }
0x13: {  	[smem:$0x3FAF] =	sst s0;
	s0 =	simm.s32 @!p1 $0x0  }
0x14: {  	s2 =	sld [smem:$0x3F93];
	s0 =	simm.s32 @p1 $0x1  }
0x15: {  	[smem:$0x3FB0] =	sst s0;
	s0 =	simm.s32 @!p2 $0x0  }
0x16: {  	s3 =	sld [smem:$0x3FDB];
	s0 =	simm.s32 @p2 $0x1  }
0x17: {  	s4 =	simm.s32 $0x1BF5;
	[smem:$0x3FB2] =	sst s0  }
0x18: {  	s0 =	sld [smem:$0x3F95];
	_ =	swait.ge [sflag:s4], $0x0  }
0x19: {  	s7 =	sld [smem:$0x3F96]  }
0x1a: {  	s8 =	sadd.s32 $0xFFFFE003, lr  }
0x1b: {  	s9 =	sadd.s32 $0xFFFFFEF7, lr;
	s5 =	simm.s32 $0xFFFFFFFF;
	p2 =	slt.u32 s8, $0xFFFFF086  }
0x1c: {  	p1 =	slt.u32 s9, $0xF7A;
	s5 =	simm.s32 @!p2 $0x0  }
0x1d: {  	s5 =	simm.s32 @p1 $0x1;
	p0 =	seq.s32 s7, s2  }
0x1e: {  	s7 =	smul.u32 @!p0 $0xF7A, s2;
	p2 =	seq.s32 @!p0 s5, $0x0  }
0x1f: {  	s9 =	smul.u32 $0xF7A, s1;
	s8 =	simm.s32 @!p0 $0x1BF5;
	p2 =	por !p2, p0  }
0x20: {  	[sflag:s8] =	ssyncset.s32 @!p0 $0xFFFFF086;
	s6 =	sadd.s32 @!p0 s3, s7;
	s7 =	simm.s32 @!p0 $0x108  }
0x21: {  	s3 =	sadd.s32 s3, s9;
	s6 =	sadd.s32 @!p0 $0x88, s6;
	s7 =	simm.s32 @p2 $0x1082  }
0x22: {  	[simem:s7], [sflag:s8] =	dma.local @!p0 [hbm:s6], $0xF7A  }
0x23: {  	s9 =	sor.u32 $0xD0000000, s2;
	s6 =	simm.s32 $0x108;
	_ =	swait.ge @!p0 [sflag:s8], $0x0  }
0x24: {  	s3 =	sadd.s32 $0x88, s3;
	s6 =	simm.s32 @!p1 $0x1082;
	[sflag:s4] =	ssyncset.s32 $0xFFFFF086  }
0x25: {  	[simem:s6], [sflag:s4] =	dma.local [hbm:s3], $0xF7A  }
0x26: {  	[smem:$0x3F96] =	sst s1;
	(tag) =	ssettag s2;
	_ =	strace s9  }
0x27: {  	s1 =	sld [smem:$0x3FA6]  }
0x28: {  	s2 =	sld [smem:$0x3FA7]  }
0x29: {  	s4 =	sld [smem:$0x3FA9]  }
0x2a: {  	p0 =	seq.s32 s5, $0x0;
	s5 =	sld [smem:$0x3FAA]  }
0x2b: {  	s6 =	sld [smem:$0x3FAB]  }
0x2c: {  	s7 =	sld [smem:$0x3FAC]  }
0x2d: {  	s3 =	simm.s32 $0x108;
	s8 =	sld [smem:$0x3FAD]  }
0x2e: {  	s3 =	simm.s32 @!p0 $0x1082;
	s9 =	sld [smem:$0x3FAE]  }
0x2f: {  	lr =	sadd.s32 s0, s3;
	s0 =	sld [smem:$0x3FA5]  }
0x30: {  	s3 =	sld [smem:$0x3FA8]  }
0x31: {  	[smem:$0x3FB1] =	sst s10  }
0x32: {  	s10 =	sld [smem:$0x3FAF];
	_ =	sdelay $0x3  }
0x33: {  	p0 =	seq.s32 s10, $0x1;
	s10 =	sld [smem:$0x3FB1];
	_ =	sdelay $0x3  }
0x34: {  	[smem:$0x3FB1] =	sst s10  }
0x35: {  	s10 =	sld [smem:$0x3FB0];
	_ =	sdelay $0x3  }
0x36: {  	p1 =	seq.s32 s10, $0x1;
	s10 =	sld [smem:$0x3FB1];
	_ =	sdelay $0x3  }
0x37: {  	[smem:$0x3FB1] =	sst s10  }
0x38: {  	s10 =	sld [smem:$0x3FB2]  }
0x39: {  	_ = 	snop;
	(pc) =	sbr.ind lr, $3  }
0x3a: {  	_ = 	snop  }
0x3b: {  	_ = 	snop  }
0x3c: {  	p2 =	seq.s32 s10, $0x1;
	s10 =	sld [smem:$0x3FB1]  }
0x3d: {  	_ =	shalt  }
0x3e: {  	_ =	shalt  }
0x3f: {  	_ =	shalt  }
0x40: {  	_ =	shalt  }
0x41: {  	_ =	shalt  }
0x42: {  	_ =	shalt  }
0x43: {  	_ =	shalt  }
0x44: {  	_ =	shalt  }
0x45: {  	_ =	shalt  }
0x46: {  	_ =	shalt  }
0x47: {  	_ =	shalt  }
0x48: {  	_ =	shalt  }
0x49: {  	_ =	shalt  }
0x4a: {  	_ =	shalt  }
0x4b: {  	_ =	shalt  }
0x4c: {  	_ =	shalt  }
0x4d: {  	_ =	shalt  }
0x4e: {  	_ =	shalt  }
0x4f: {  	_ =	shalt  }
0x50: {  	_ =	shalt  }
0x51: {  	_ =	shalt  }
0x52: {  	_ =	shalt  }
0x53: {  	_ =	shalt  }
0x54: {  	_ =	shalt  }
0x55: {  	_ =	shalt  }
0x56: {  	_ =	shalt  }
0x57: {  	_ =	shalt  }
0x58: {  	_ =	shalt  }
0x59: {  	_ =	shalt  }
0x5a: {  	_ =	shalt  }
0x5b: {  	_ =	shalt  }
0x5c: {  	_ =	shalt  }
0x5d: {  	_ =	shalt  }
0x5e: {  	_ =	shalt  }
0x5f: {  	_ =	shalt  }
0x60: {  	_ =	shalt  }
0x61: {  	_ =	shalt  }
0x62: {  	_ =	shalt  }
0x63: {  	_ =	shalt  }
0x64: {  	_ =	shalt  }
0x65: {  	_ =	shalt  }
0x66: {  	_ =	shalt  }
0x67: {  	_ =	shalt  }
0x68: {  	_ =	shalt  }
0x69: {  	_ =	shalt  }
0x6a: {  	_ =	shalt  }
0x6b: {  	_ =	shalt  }
0x6c: {  	_ =	shalt  }
0x6d: {  	_ =	shalt  }
0x6e: {  	_ =	shalt  }
0x6f: {  	_ =	shalt  }
0x70: {  	_ =	shalt  }
0x71: {  	_ =	shalt  }
0x72: {  	_ =	shalt  }
0x73: {  	_ =	shalt  }
0x74: {  	_ =	shalt  }
0x75: {  	_ =	shalt  }
0x76: {  	_ =	shalt  }
0x77: {  	_ =	shalt  }
0x78: {  	_ =	shalt  }
0x79: {  	_ =	shalt  }
0x7a: {  	_ =	shalt  }
0x7b: {  	_ =	shalt  }
0x7c: {  	_ =	shalt  }
0x7d: {  	_ =	shalt  }
0x7e: {  	_ =	shalt  }
0x7f: {  	_ =	shalt  }
0x80: {  	_ =	shalt  }
0x81: {  	_ =	shalt  }
0x82: {  	_ =	shalt  }
0x83: {  	_ =	shalt  }
0x84: {  	_ =	shalt  }
0x85: {  	_ =	shalt  }
0x86: {  	_ =	shalt  }
0x87: {  	_ =	shalt  }
.Lfunc_end0:
.L_simem_size_0:
called_computation.2_lowered:
.L_overlay_start_0:
0x88: {  	s2 =	sld [smem:$0x3FD9]  }
0x89: {  	s3 =	sld [smem:$0x3FFE];
	_ =	sdelay $0x1  }
0x8a: {  	s1 =	srdreg.scid  }
0x8b: {  	s0 =	sand.u32 $0x1, s1  }
0x8c: {  	s16 =	sshll.u32 s0, $0xA;
	s2 =	sadd.s32 s3, s2  }
0x8d: {  	s2 =	sadd.s32 s2, s16  }
0x8e: {  	[smem:$0x3FBD] =	sst s2  }
0x8f: {  	_ = 	snop  }
0x90: {  	(tm) =	ssettm $0x1  }
0x91: {  	s17 =	sld [smem:$0x3FFB];
	_ =	sdelay $0x3  }
0x92: {  	_ =	strace s17  }
0x93: {  	s2 =	sld [smem:$0x3FFC];
	_ =	sdelay $0x3  }
0x94: {  	_ =	strace s2  }
0x95: {  	s2 =	sld [smem:$0x3FFD];
	_ =	sdelay $0x3  }
0x96: {  	_ =	strace s2  }
0x97: {  	_ =	strace $0x8FFFFFFF  }
0x98: {  	s18 =	sld [smem:$0x3FDB];
	_ =	sdelay $0x1  }
0x99: {  	s19 =	simm.s32 $_scs_section_size  }
0x9a: {  	s4 =	simm.s32 $_size__tile_overlayer_lowered;
	s5 =	simm.s32 $_tile_overlayer_lowered  }
0x9b: {  	s22 =	simm.s32 $0x1BFF;
	s21 =	sshll.u32 s5, $0x1;
	s2 =	sadd.s32 s19, s18  }
0x9c: {  	s6 =	simm.s32 $0x0;
	s20 =	sshll.u32 s4, $0x1;
	s4 =	sadd.s32 s21, s2  }
0x9d: {  	[timem:s6], [sflag:s22] =	dma.local [hbm:s4], s20  }
0x9e: {  	_ =	swait.ge [sflag:s22], s20  }
0x9f: {  	s3 =	ssub.s32 $0x0, s20;
	[sflag:s22] =	ssyncset.done $0x0  }
0xa0: {  	[sflag:s22] =	ssyncadd.s32 s3;
	_ =	sdelay $0x1  }
0xa1: {  	s23 =	simm.s32 $0x1B8B  }
0xa2: {  	_ =	swait.ge [sflag:s23], $0x1  }
0xa3: {  	[sflag:s23] =	ssyncset.done $0x0  }
0xa4: {  	s25 =	simm.s32 $0x1B8E;
	s24 =	sld [smem:$0x3FFE];
	[sflag:s23] =	ssyncadd.s32 $0xFFFFFFFF  }
0xa5: {  	s26 =	simm.s32 $execute0_lowered;
	[smem:$0x3FD2] =	sst s25  }
0xa6: {  	s4 =	sshll.u32 s26, $0x1;
	_ =	strace $0x8000004C;
	[dreg:$0x1] =	wrdreg $0xFFFFFFFF  }
0xa7: {  	s28 =	simm.s32 $_size_execute0_lowered;
	s2 =	sadd.s32 s2, s4;
	[dreg:$0x0] =	wrdreg $0x0  }
0xa8: {  	s4 =	sshll.u32 s28, $0x1;
	[dreg:$0x2] =	wrdreg s2  }
0xa9: {  	[dreg:$0x3] =	wrdreg s4  }
0xaa: {  	[dreg:$0x4] =	wrdreg $0xC0  }
0xab: {  	_ =	task [dreg:s6], $0x5FFFF  }
0xac: {  	[dreg:$0x1] =	wrdreg $0xFFFFFFFF  }
0xad: {  	[dreg:$0x0] =	wrdreg $0x60  }
0xae: {  	[dreg:$0x2] =	wrdreg s24  }
0xaf: {  	[dreg:$0x3] =	wrdreg $0xA8000  }
0xb0: {  	[dreg:$0x4] =	wrdreg $0x9  }
0xb1: {  	_ =	task.clear_ibuf [dreg:s6], $0x5FFFF;
	_ =	strace $0x9000004C  }
0xb2: {  	s29 =	simm.s32 $0x9;
	_ =	strace $0x8000004E  }
0xb3: {  	_ =	swait.ge [sflag:s29], $0x1  }
0xb4: {  	[sflag:s29] =	ssyncadd.s32 $0xFFFFFFFF  }
0xb5: {  	_ =	strace $0x9000004E  }
0xb6: {  	_ =	sfence  }
0xb7: {  	s30 =	sld [smem:$0x0];
	_ =	sdelay $0x2  }
0xb8: {  	s31 =	sshll.u32 s1, $0xD;
	s1 =	sshrl.u32 s1, $0x2  }
0xb9: {  	s3 =	sand.u32 $0x4000, s31;
	s1 =	sadd.s32 s1, s30  }
0xba: {  	s0 =	sor.u32 s3, s0;
	s1 =	sshll.u32 s1, $0x11  }
0xbb: {  	s0 =	sor.u32 s1, s0  }
0xbc: {  	s0 =	sadd.s32 $0x8F2B, s0  }
0xbd: {  	[sflag:s0] =	ssyncadd.remote.s32 $0x1  }
0xbe: {  	_ =	sfence.sel $0xFFFF  }
0xbf: {  	[dreg:$0x0] =	wrdreg $0xFFFFFFFF;
	(pc) =	sbr.abs _section_cstart, $3  }
0xc0: {  	[dreg:$0x1] =	wrdreg $0xFFFFFFFF  }
0xc1: {  	_ =	task.clear_ibuf [dreg:s6], $0x2FFFF;
	_ =	strace $0x9FFFFFFF  }
0xc2: {  	(tm) =	ssettm $0x7FFFFFFF  }
0xc3: {  	_ =	shalt  }
tec
execute0_lowered:
.L_overlay_start_1:
0x0: {  	(tag) =	ssettag $0x1  }
0x1: {  	s5 =	rddreg [dreg:$0x0]  }
0x2: {  	s1 =	rddreg [dreg:$0x1]  }
0x3: {  	s2 =	srdreg.scid;
	s0 =	rddreg [dreg:$0x2];
	s3 =	simm.s32 $0x0  }
0x4: {  	s18 =	simm.s32 $0x1400;
	s19 =	simm.s32 $0x80;
	s20 =	simm.s32 $0x1  }
0x5: {  	s21 =	simm.s32 $0x6800;
	s22 =	simm.s32 $0x2;
	s23 =	simm.s32 $0x3  }
0x6: {  	s24 =	simm.s32 $0x4;
	s6 =	sand.u32 $0x1, s2;
	s2 =	stileid.u32  }
0x7: {  	s28 =	simm.s32 $0x0;
	[smem:$0x7FF] =	sst s3;
	s7 =	smul.u32 $0x13C000, s6  }
0x8: {  	s4 =	sadd.s32 $0x16E00, s5;
	s12 =	sadd.s32 $0xCE00, s5;
	s8 =	smul.u32 $0x13C00, s2  }
0x9: {  	s13 =	sadd.s32 $0x2E00, s5;
	_ =	strace $0x8000004D;
	s25 =	smul.u32 $0x50000, s2  }
0xa: {  	s26 =	ssub.s32 $0x2, s6;
	s29 =	sshll.u32 s2, $0x1;
	s17 =	smul.u32 $0x4F000, s2  }
0xb: {  	s9 =	sshrl.u32 s26, $0x1;
	s6 =	sor.u32 s6, s29;
	s7 =	sadd.s32 s8, s7  }
0xc: {  	s30 =	sshrl.u32 s25, $0x2;
	s15 =	ssub.s32 s26, s9;
	s10 =	smul.u32 $0x2800, s6  }
0xd: {  	s31 =	sshrl.u32 s17, $0x2;
	s17 =	simm.s32 $0x5;
	s26 =	simm.s32 $0x2780  }
0xe: {  	s7 =	sshrl.u32 s7, $0x3;
	s25 =	sadd.s32 s31, s1;
	s15 =	smax.u32 s15, $0x1  }
0xf: {  	s14 =	sadd.s32 s7, s5;
	s5 =	sadd.s32 s30, s1;
	s16 =	sshrl.u32 s10, $0x3  }
0x10: {  	s25 =	sshrl.u32 s25, $0x3;
	s6 =	sadd.s32 $0x4000, s5;
	s7 =	sadd.s32 $0x8000, s5  }
0x11: {  	s8 =	sadd.s32 $0xC000, s5;
	s9 =	sadd.s32 $0x10000, s5;
	s10 =	sadd.s32 s12, s16  }
0x12: {  	s11 =	sadd.s32 s13, s16;
	s16 =	sadd.s32 $0x280, s16;
	s14 =	sadd.s32 $0x3E000, s14  }
0x13: {  	v0 =	vimm.f32 $0.0e+00;
	s12 =	sadd.s32 s12, s16;
	s13 =	sadd.s32 s13, s16;
	s16 =	simm.s32 $0x2800  }
.LBB2_1:
0x14: {  	s29 =	simm.s32 $0x0;
	s30 =	simm.s32 $0x200  }
.LBB2_2:
0x15: {  	p0 =	sne.s32 s30, $0xFE00;
	[tilespmem:s29+$0x2870] =	vst v0  }
0x16: {  	[tilespmem:s29+$0x2800] =	vst v0  }
0x17: {  	[tilespmem:s29+$0x2810] =	vst v0  }
.Ltmp0:
0x18: {  	[tilespmem:s29+$0x2820] =	vst v0;
	(pc) =	sbr.rel @p0 .LBB2_2-.Ltmp0, $4  }
0x19: {  	[tilespmem:s29+$0x2830] =	vst v0  }
0x1a: {  	[tilespmem:s29+$0x2840] =	vst v0  }
0x1b: {  	[tilespmem:s29+$0x2850] =	vst v0  }
0x1c: {  	[tilespmem:s29+$0x2860] =	vst v0;
	s29 =	sshra.s32 s30, $0x2;
	s30 =	sadd.s32 $0x200, s30  }
0x1d: {  	[tilespmem:s29+$0x2870] =	vst v0  }
0x1e: {  	[tilespmem:s29+$0x2800] =	vst v0  }
0x1f: {  	[tilespmem:s29+$0x2810] =	vst v0  }
0x20: {  	[tilespmem:s29+$0x2820] =	vst v0  }
0x21: {  	[tilespmem:s29+$0x2830] =	vst v0  }
0x22: {  	[tilespmem:s29+$0x2840] =	vst v0  }
0x23: {  	[tilespmem:s29+$0x2850] =	vst v0  }
0x24: {  	[tilespmem:s29+$0x2860] =	vst v0  }
0x25: {  	[spmem:s5] =	stream.linear.scatter [tilespmem:s16], [sflag:$0x5], $0x4000, $0x38;
	[tilespmem:$0x1E800] =	vst v63  }
0x26: {  	_ =	swait.ge [sflag:s17], $0x4000  }
0x27: {  	[sflag:s17] =	ssyncset.done $0x0  }
0x28: {  	[sflag:s17] =	ssyncadd.s32 $0xFFFFC000  }
0x29: {  	[spmem:s6] =	stream.linear.scatter [tilespmem:s16], [sflag:$0x5], $0x4000, $0x38;
	[tilespmem:$0x1E800] =	vst v63  }
0x2a: {  	_ =	swait.ge [sflag:s17], $0x4000  }
0x2b: {  	[sflag:s17] =	ssyncset.done $0x0  }
0x2c: {  	[sflag:s17] =	ssyncadd.s32 $0xFFFFC000  }
0x2d: {  	[spmem:s7] =	stream.linear.scatter [tilespmem:s16], [sflag:$0x5], $0x4000, $0x38;
	[tilespmem:$0x1E800] =	vst v63  }
0x2e: {  	_ =	swait.ge [sflag:s17], $0x4000  }
0x2f: {  	[sflag:s17] =	ssyncset.done $0x0  }
0x30: {  	[sflag:s17] =	ssyncadd.s32 $0xFFFFC000  }
0x31: {  	[spmem:s8] =	stream.linear.scatter [tilespmem:s16], [sflag:$0x5], $0x4000, $0x38;
	[tilespmem:$0x1E800] =	vst v63  }
0x32: {  	_ =	swait.ge [sflag:s17], $0x4000  }
0x33: {  	[sflag:s17] =	ssyncset.done $0x0  }
0x34: {  	[sflag:s17] =	ssyncadd.s32 $0xFFFFC000  }
0x35: {  	[spmem:s9] =	stream.linear.scatter [tilespmem:s16], [sflag:$0x5], $0x4000, $0x38;
	[tilespmem:$0x1E800] =	vst v63  }
0x36: {  	_ =	swait.ge [sflag:s17], $0x4000  }
0x37: {  	[sflag:s17] =	ssyncset.done $0x0  }
0x38: {  	[sflag:s17] =	ssyncadd.s32 $0xFFFFC000  }
0x39: {  	[bflag:$0x0] =	sbarrier.arrive $0xFFFF  }
0x3a: {  	[tilespmem:s3], [sflag:$0x5] =	stream.linear.gather [hbm4b:s10+s3], $0x1400, $0x38;
	[tilespmem:$0x1E800] =	vst v63  }
0x3b: {  	_ =	swait.ge [sflag:s17], $0x1400  }
0x3c: {  	[sflag:s17] =	ssyncset.done $0x0  }
0x3d: {  	[sflag:s17] =	ssyncadd.s32 $0xFFFFEC00  }
0x3e: {  	[tilespmem:s18], [sflag:$0x5] =	stream.linear.gather [hbm4b:s11+s3], $0x1400, $0x38;
	[tilespmem:$0x1E800] =	vst v63  }
0x3f: {  	_ =	swait.ge [sflag:s17], $0x1400  }
0x40: {  	[sflag:s17] =	ssyncset.done $0x0  }
0x41: {  	[sflag:s17] =	ssyncadd.s32 $0xFFFFEC00  }
0x42: {  	[tilespmem:s16], [sflag:$0x1] =	stream.indirect.gather [hbm4b:s4+s19], $0x80, s3, s19, $0xb8;
	[tilespmem:$0x1E800] =	vst v63  }
0x43: {  	_ =	swait.ge [sflag:s20], $0x4000  }
0x44: {  	[sflag:s20] =	ssyncset.done $0x0  }
0x45: {  	[sflag:s20] =	ssyncadd.s32 $0xFFFFC000  }
0x46: {  	[spmem:s1] =	stream.indirect.scatter.add.f32 [tilespmem:s16], [sflag:$0x3], $0x80, s18, s19, $0xb8;
	[tilespmem:$0x1E800] =	vst v63  }
0x47: {  	_ = 	snop  }
0x48: {  	[tilespmem:s21], [sflag:$0x2] =	stream.indirect.gather [hbm4b:s4+s19], $0x80, s19, s19, $0xb8;
	[tilespmem:$0x1E800] =	vst v63  }
0x49: {  	_ =	swait.ge [sflag:s22], $0x4000  }
0x4a: {  	[sflag:s22] =	ssyncset.done $0x0  }
0x4b: {  	s29 =	simm.s32 $0x1480;
	[sflag:s22] =	ssyncadd.s32 $0xFFFFC000  }
0x4c: {  	[spmem:s1] =	stream.indirect.scatter.add.f32 [tilespmem:s21], [sflag:$0x4], $0x80, s29, s19, $0xb8;
	[tilespmem:$0x1E800] =	vst v63  }
0x4d: {  	_ =	swait.ge [sflag:s23], $0x4000  }
0x4e: {  	[sflag:s23] =	ssyncset.done $0x0  }
0x4f: {  	s29 =	simm.s32 $0x100;
	[sflag:s23] =	ssyncadd.s32 $0xFFFFC000  }
0x50: {  	[tilespmem:s16], [sflag:$0x1] =	stream.indirect.gather [hbm4b:s4+s19], $0x80, s29, s19, $0xb8;
	[tilespmem:$0x1E800] =	vst v63  }
0x51: {  	_ =	swait.ge [sflag:s20], $0x4000  }
0x52: {  	[sflag:s20] =	ssyncset.done $0x0  }
0x53: {  	s29 =	simm.s32 $0x1500;
	[sflag:s20] =	ssyncadd.s32 $0xFFFFC000  }
0x54: {  	[spmem:s1] =	stream.indirect.scatter.add.f32 [tilespmem:s16], [sflag:$0x3], $0x80, s29, s19, $0xb8;
	[tilespmem:$0x1E800] =	vst v63  }
0x55: {  	_ =	swait.ge [sflag:s24], $0x4000  }
0x56: {  	[sflag:s24] =	ssyncset.done $0x0  }
0x57: {  	s30 =	simm.s32 $0x180;
	s29 =	simm.s32 $0xFFFFB800;
	[sflag:s24] =	ssyncadd.s32 $0xFFFFC000  }
.LBB2_4:
0x58: {  	[tilespmem:s21], [sflag:$0x2] =	stream.indirect.gather [hbm4b:s4+s19], $0x80, s30, s19, $0xb8;
	[tilespmem:$0x1E800] =	vst v63  }
0x59: {  	s30 =	smov.u32 s29  }
0x5a: {  	p0 =	sne.s32 s29, $0xFFFFFC00;
	s29 =	sadd.s32 $0x400, s29;
	_ =	swait.ge [sflag:s22], $0x4000  }
0x5b: {  	s30 =	sshra.s32 s30, $0x2;
	[sflag:s22] =	ssyncset.done $0x0  }
0x5c: {  	s31 =	sadd.s32 $0x2780, s30;
	[sflag:s22] =	ssyncadd.s32 $0xFFFFC000  }
0x5d: {  	[spmem:s1] =	stream.indirect.scatter.add.f32 [tilespmem:s21], [sflag:$0x4], $0x80, s31, s19, $0xb8;
	[tilespmem:$0x1E800] =	vst v63  }
0x5e: {  	_ =	swait.ge [sflag:s23], $0x4000  }
0x5f: {  	[sflag:s23] =	ssyncset.done $0x0  }
0x60: {  	s31 =	sadd.s32 $0x1400, s30;
	[sflag:s23] =	ssyncadd.s32 $0xFFFFC000  }
0x61: {  	[tilespmem:s16], [sflag:$0x1] =	stream.indirect.gather [hbm4b:s4+s19], $0x80, s31, s19, $0xb8;
	[tilespmem:$0x1E800] =	vst v63  }
0x62: {  	_ =	swait.ge [sflag:s20], $0x4000  }
0x63: {  	[sflag:s20] =	ssyncset.done $0x0  }
.Ltmp1:
0x64: {  	s31 =	sadd.s32 $0x2800, s30;
	[sflag:s20] =	ssyncadd.s32 $0xFFFFC000;
	(pc) =	sbr.rel @p0 .LBB2_4-.Ltmp1, $4  }
0x65: {  	[spmem:s1] =	stream.indirect.scatter.add.f32 [tilespmem:s16], [sflag:$0x3], $0x80, s31, s19, $0xb8;
	[tilespmem:$0x1E800] =	vst v63  }
0x66: {  	_ =	swait.ge [sflag:s24], $0x4000  }
0x67: {  	[sflag:s24] =	ssyncset.done $0x0  }
0x68: {  	s30 =	sadd.s32 $0x1480, s30;
	[sflag:s24] =	ssyncadd.s32 $0xFFFFC000  }
0x69: {  	[tilespmem:s21], [sflag:$0x2] =	stream.indirect.gather [hbm4b:s4+s19], $0x80, s30, s19, $0xb8;
	[tilespmem:$0x1E800] =	vst v63  }
0x6a: {  	_ =	swait.ge [sflag:s22], $0x4000  }
0x6b: {  	[sflag:s22] =	ssyncset.done $0x0  }
0x6c: {  	[sflag:s22] =	ssyncadd.s32 $0xFFFFC000  }
0x6d: {  	[spmem:s1] =	stream.indirect.scatter.add.f32 [tilespmem:s21], [sflag:$0x4], $0x80, s26, s19, $0xb8;
	[tilespmem:$0x1E800] =	vst v63  }
0x6e: {  	_ =	swait.ge [sflag:s23], $0x4000  }
0x6f: {  	[sflag:s23] =	ssyncset.done $0x0  }
0x70: {  	[sflag:s23] =	ssyncadd.s32 $0xFFFFC000  }
0x71: {  	_ =	swait.ge [sflag:s24], $0x4000  }
0x72: {  	[sflag:s24] =	ssyncset.done $0x0  }
0x73: {  	[sflag:s24] =	ssyncadd.s32 $0xFFFFC000  }
0x74: {  	[tilespmem:s3], [sflag:$0x5] =	stream.linear.gather [hbm4b:s12+s3], $0x1400, $0x38;
	[tilespmem:$0x1E800] =	vst v63  }
0x75: {  	_ =	swait.ge [sflag:s17], $0x1400  }
0x76: {  	[sflag:s17] =	ssyncset.done $0x0  }
0x77: {  	[sflag:s17] =	ssyncadd.s32 $0xFFFFEC00  }
0x78: {  	[tilespmem:s18], [sflag:$0x5] =	stream.linear.gather [hbm4b:s13+s3], $0x1400, $0x38;
	[tilespmem:$0x1E800] =	vst v63  }
0x79: {  	_ =	swait.ge [sflag:s17], $0x1400  }
0x7a: {  	[sflag:s17] =	ssyncset.done $0x0  }
0x7b: {  	[sflag:s17] =	ssyncadd.s32 $0xFFFFEC00  }
0x7c: {  	[tilespmem:s16], [sflag:$0x1] =	stream.indirect.gather [hbm4b:s4+s19], $0x80, s3, s19, $0xb8;
	[tilespmem:$0x1E800] =	vst v63  }
0x7d: {  	_ =	swait.ge [sflag:s20], $0x4000  }
0x7e: {  	[sflag:s20] =	ssyncset.done $0x0  }
0x7f: {  	[sflag:s20] =	ssyncadd.s32 $0xFFFFC000  }
0x80: {  	[spmem:s1] =	stream.indirect.scatter.add.f32 [tilespmem:s16], [sflag:$0x3], $0x80, s18, s19, $0xb8;
	[tilespmem:$0x1E800] =	vst v63  }
0x81: {  	_ = 	snop  }
0x82: {  	[tilespmem:s21], [sflag:$0x2] =	stream.indirect.gather [hbm4b:s4+s19], $0x80, s19, s19, $0xb8;
	[tilespmem:$0x1E800] =	vst v63  }
0x83: {  	_ =	swait.ge [sflag:s22], $0x4000  }
0x84: {  	[sflag:s22] =	ssyncset.done $0x0  }
0x85: {  	s29 =	simm.s32 $0x1480;
	[sflag:s22] =	ssyncadd.s32 $0xFFFFC000  }
0x86: {  	[spmem:s1] =	stream.indirect.scatter.add.f32 [tilespmem:s21], [sflag:$0x4], $0x80, s29, s19, $0xb8;
	[tilespmem:$0x1E800] =	vst v63  }
0x87: {  	_ =	swait.ge [sflag:s23], $0x4000  }
0x88: {  	[sflag:s23] =	ssyncset.done $0x0  }
0x89: {  	s29 =	simm.s32 $0x100;
	[sflag:s23] =	ssyncadd.s32 $0xFFFFC000  }
0x8a: {  	[tilespmem:s16], [sflag:$0x1] =	stream.indirect.gather [hbm4b:s4+s19], $0x80, s29, s19, $0xb8;
	[tilespmem:$0x1E800] =	vst v63  }
0x8b: {  	_ =	swait.ge [sflag:s20], $0x4000  }
0x8c: {  	[sflag:s20] =	ssyncset.done $0x0  }
0x8d: {  	s29 =	simm.s32 $0x1500;
	[sflag:s20] =	ssyncadd.s32 $0xFFFFC000  }
0x8e: {  	[spmem:s1] =	stream.indirect.scatter.add.f32 [tilespmem:s16], [sflag:$0x3], $0x80, s29, s19, $0xb8;
	[tilespmem:$0x1E800] =	vst v63  }
0x8f: {  	_ =	swait.ge [sflag:s24], $0x4000  }
0x90: {  	[sflag:s24] =	ssyncset.done $0x0  }
0x91: {  	s30 =	simm.s32 $0x180;
	s29 =	simm.s32 $0xFFFFB800;
	[sflag:s24] =	ssyncadd.s32 $0xFFFFC000  }
.LBB2_6:
0x92: {  	[tilespmem:s21], [sflag:$0x2] =	stream.indirect.gather [hbm4b:s4+s19], $0x80, s30, s19, $0xb8;
	[tilespmem:$0x1E800] =	vst v63  }
0x93: {  	s30 =	smov.u32 s29  }
0x94: {  	p0 =	sne.s32 s29, $0xFFFFFC00;
	s29 =	sadd.s32 $0x400, s29;
	_ =	swait.ge [sflag:s22], $0x4000  }
0x95: {  	s30 =	sshra.s32 s30, $0x2;
	[sflag:s22] =	ssyncset.done $0x0  }
0x96: {  	s31 =	sadd.s32 $0x2780, s30;
	[sflag:s22] =	ssyncadd.s32 $0xFFFFC000  }
0x97: {  	[spmem:s1] =	stream.indirect.scatter.add.f32 [tilespmem:s21], [sflag:$0x4], $0x80, s31, s19, $0xb8;
	[tilespmem:$0x1E800] =	vst v63  }
0x98: {  	_ =	swait.ge [sflag:s23], $0x4000  }
0x99: {  	[sflag:s23] =	ssyncset.done $0x0  }
0x9a: {  	s31 =	sadd.s32 $0x1400, s30;
	[sflag:s23] =	ssyncadd.s32 $0xFFFFC000  }
0x9b: {  	[tilespmem:s16], [sflag:$0x1] =	stream.indirect.gather [hbm4b:s4+s19], $0x80, s31, s19, $0xb8;
	[tilespmem:$0x1E800] =	vst v63  }
0x9c: {  	_ =	swait.ge [sflag:s20], $0x4000  }
0x9d: {  	[sflag:s20] =	ssyncset.done $0x0  }
.Ltmp2:
0x9e: {  	s31 =	sadd.s32 $0x2800, s30;
	[sflag:s20] =	ssyncadd.s32 $0xFFFFC000;
	(pc) =	sbr.rel @p0 .LBB2_6-.Ltmp2, $4  }
0x9f: {  	[spmem:s1] =	stream.indirect.scatter.add.f32 [tilespmem:s16], [sflag:$0x3], $0x80, s31, s19, $0xb8;
	[tilespmem:$0x1E800] =	vst v63  }
0xa0: {  	_ =	swait.ge [sflag:s24], $0x4000  }
0xa1: {  	[sflag:s24] =	ssyncset.done $0x0  }
0xa2: {  	s30 =	sadd.s32 $0x1480, s30;
	[sflag:s24] =	ssyncadd.s32 $0xFFFFC000  }
0xa3: {  	[tilespmem:s21], [sflag:$0x2] =	stream.indirect.gather [hbm4b:s4+s19], $0x80, s30, s19, $0xb8;
	[tilespmem:$0x1E800] =	vst v63  }
0xa4: {  	_ =	swait.ge [sflag:s22], $0x4000  }
0xa5: {  	[sflag:s22] =	ssyncset.done $0x0  }
0xa6: {  	[sflag:s22] =	ssyncadd.s32 $0xFFFFC000  }
0xa7: {  	[spmem:s1] =	stream.indirect.scatter.add.f32 [tilespmem:s21], [sflag:$0x4], $0x80, s26, s19, $0xb8;
	[tilespmem:$0x1E800] =	vst v63  }
0xa8: {  	_ =	swait.ge [sflag:s23], $0x4000  }
0xa9: {  	[sflag:s23] =	ssyncset.done $0x0  }
0xaa: {  	[sflag:s23] =	ssyncadd.s32 $0xFFFFC000  }
0xab: {  	_ =	swait.ge [sflag:s24], $0x4000  }
0xac: {  	s28 =	sadd.s32 $0x1, s28;
	[sflag:s24] =	ssyncset.done $0x0  }
0xad: {  	s29 =	sshll.u32 s2, $0x6;
	p0 =	sne.s32 s28, s15;
	[sflag:s24] =	ssyncadd.s32 $0xFFFFC000  }
.Ltmp3:
0xae: {  	s29 =	sor.u32 $0x1C05, s29;
	[bflag:$0x0] =	sbarrier.arrive $0xFFFF;
	(pc) =	sbr.rel @p0 .LBB2_1-.Ltmp3, $4  }
0xaf: {  	[hbm:s14], [sflag:s29] =	dma.local [spmem:s25], $0x2780  }
0xb0: {  	_ =	swait.ge [sflag:s17], $0x2780  }
0xb1: {  	[sflag:s17] =	ssyncset.done $0x0  }
0xb2: {  	[sflag:s17] =	ssyncadd.s32 $0xFFFFD880  }
0xb3: {  	_ =	sfence.sel $0x180000  }
0xb4: {  	[bflag:$0x0] =	sbarrier.arrive $0xFFFF  }
0xb5: {  	p0 =	sne.s32 s2, $0x0;
	_ =	strace $0x9000004D  }
0xb6: {  	s0 =	sadd.s32 @!p0 $0x100000, s0;
	[bflag:$0x2] =	sbarrier.arrive $0xFFFF  }
0xb7: {  	[sflag:s0] =	ssyncadd.tile.s32 @!p0 $0x1;
	_ =	shalt  }
.Lfunc_end2:
_tile_overlayer_lowered:
.L_overlay_start_2:
0xb8: {  	(tag) =	ssettag $0x2  }
0xb9: {  	s0 =	rddreg [dreg:$0x0];
	s2 =	stileid.u32  }
0xba: {  	s1 =	rddreg [dreg:$0x1];
	p0 =	sne.s32 s2, $0x0  }
0xbb: {  	s3 =	rddreg [dreg:$0x2];
	[bflag:$0x3] =	sbarrier.arrive $0xFFFF;
	s2 =	simm.s32 @!p0 $0x1C05  }
0xbc: {  	[timem:s3], [sflag:s2] =	dma.local @!p0 [hbm:s0], s1  }
0xbd: {  	s0 =	simm.s32 @!p0 $0x5  }
0xbe: {  	_ =	swait.ge @!p0 [sflag:s0], s1  }
0xbf: {  	s1 =	ssub.s32 @!p0 $0x0, s1;
	[sflag:s0] =	ssyncset.done @!p0 $0x0  }
0xc0: {  	[sflag:s0] =	ssyncadd.s32 @!p0 s1  }
0xc1: {  	[bflag:$0x3] =	sbarrier.arrive $0xFFFF  }
0xc2: {  	_ =	shalt  }

// kernel: kernel.9.cloned.1.call-start
scs
__scs_entry_jumppad:
0x0: {  	(pc) =	sbr.rel $0x88, $3  }
0x1: {  	(tag) =	ssettag $0x0;
	lr =	simm.s32 $0x1  }
0x2: {  	[smem:$0x3F96] =	sst lr;
	_ =	strace $0xD0000000  }
0x3: {  	_ = 	snop  }
0x4: {  	_ = 	snop  }
0x5: {  	_ = 	snop  }
0x6: {  	_ = 	snop  }
0x7: {  	_ = 	snop  }
__scs_overlays_trampoline_lowered:
0x8: {  	[smem:$0x3FA5] =	sst s0  }
0x9: {  	[smem:$0x3FA6] =	sst s1  }
0xa: {  	[smem:$0x3FA7] =	sst s2  }
0xb: {  	[smem:$0x3FA8] =	sst s3  }
0xc: {  	[smem:$0x3FA9] =	sst s4  }
0xd: {  	[smem:$0x3FAA] =	sst s5  }
0xe: {  	[smem:$0x3FAB] =	sst s6  }
0xf: {  	[smem:$0x3FAC] =	sst s7  }
0x10: {  	[smem:$0x3FAD] =	sst s8  }
0x11: {  	[smem:$0x3FAE] =	sst s9;
	s0 =	simm.s32 @!p0 $0x0  }
0x12: {  	s1 =	sld [smem:$0x3F94];
	s0 =	simm.s32 @p0 $0x1  }
0x13: {  	[smem:$0x3FAF] =	sst s0;
	s0 =	simm.s32 @!p1 $0x0  }
0x14: {  	s2 =	sld [smem:$0x3F93];
	s0 =	simm.s32 @p1 $0x1  }
0x15: {  	[smem:$0x3FB0] =	sst s0;
	s0 =	simm.s32 @!p2 $0x0  }
0x16: {  	s3 =	sld [smem:$0x3FDB];
	s0 =	simm.s32 @p2 $0x1  }
0x17: {  	s4 =	simm.s32 $0x1BF5;
	[smem:$0x3FB2] =	sst s0  }
0x18: {  	s0 =	sld [smem:$0x3F95];
	_ =	swait.ge [sflag:s4], $0x0  }
0x19: {  	s7 =	sld [smem:$0x3F96]  }
0x1a: {  	s8 =	sadd.s32 $0xFFFFE003, lr  }
0x1b: {  	s9 =	sadd.s32 $0xFFFFFEF7, lr;
	s5 =	simm.s32 $0xFFFFFFFF;
	p2 =	slt.u32 s8, $0xFFFFF086  }
0x1c: {  	p1 =	slt.u32 s9, $0xF7A;
	s5 =	simm.s32 @!p2 $0x0  }
0x1d: {  	s5 =	simm.s32 @p1 $0x1;
	p0 =	seq.s32 s7, s2  }
0x1e: {  	s7 =	smul.u32 @!p0 $0xF7A, s2;
	p2 =	seq.s32 @!p0 s5, $0x0  }
0x1f: {  	s9 =	smul.u32 $0xF7A, s1;
	s8 =	simm.s32 @!p0 $0x1BF5;
	p2 =	por !p2, p0  }
0x20: {  	[sflag:s8] =	ssyncset.s32 @!p0 $0xFFFFF086;
	s6 =	sadd.s32 @!p0 s3, s7;
	s7 =	simm.s32 @!p0 $0x108  }
0x21: {  	s3 =	sadd.s32 s3, s9;
	s6 =	sadd.s32 @!p0 $0x88, s6;
	s7 =	simm.s32 @p2 $0x1082  }
0x22: {  	[simem:s7], [sflag:s8] =	dma.local @!p0 [hbm:s6], $0xF7A  }
0x23: {  	s9 =	sor.u32 $0xD0000000, s2;
	s6 =	simm.s32 $0x108;
	_ =	swait.ge @!p0 [sflag:s8], $0x0  }
0x24: {  	s3 =	sadd.s32 $0x88, s3;
	s6 =	simm.s32 @!p1 $0x1082;
	[sflag:s4] =	ssyncset.s32 $0xFFFFF086  }
0x25: {  	[simem:s6], [sflag:s4] =	dma.local [hbm:s3], $0xF7A  }
0x26: {  	[smem:$0x3F96] =	sst s1;
	(tag) =	ssettag s2;
	_ =	strace s9  }
0x27: {  	s1 =	sld [smem:$0x3FA6]  }
0x28: {  	s2 =	sld [smem:$0x3FA7]  }
0x29: {  	s4 =	sld [smem:$0x3FA9]  }
0x2a: {  	p0 =	seq.s32 s5, $0x0;
	s5 =	sld [smem:$0x3FAA]  }
0x2b: {  	s6 =	sld [smem:$0x3FAB]  }
0x2c: {  	s7 =	sld [smem:$0x3FAC]  }
0x2d: {  	s3 =	simm.s32 $0x108;
	s8 =	sld [smem:$0x3FAD]  }
0x2e: {  	s3 =	simm.s32 @!p0 $0x1082;
	s9 =	sld [smem:$0x3FAE]  }
0x2f: {  	lr =	sadd.s32 s0, s3;
	s0 =	sld [smem:$0x3FA5]  }
0x30: {  	s3 =	sld [smem:$0x3FA8]  }
0x31: {  	[smem:$0x3FB1] =	sst s10  }
0x32: {  	s10 =	sld [smem:$0x3FAF];
	_ =	sdelay $0x3  }
0x33: {  	p0 =	seq.s32 s10, $0x1;
	s10 =	sld [smem:$0x3FB1];
	_ =	sdelay $0x3  }
0x34: {  	[smem:$0x3FB1] =	sst s10  }
0x35: {  	s10 =	sld [smem:$0x3FB0];
	_ =	sdelay $0x3  }
0x36: {  	p1 =	seq.s32 s10, $0x1;
	s10 =	sld [smem:$0x3FB1];
	_ =	sdelay $0x3  }
0x37: {  	[smem:$0x3FB1] =	sst s10  }
0x38: {  	s10 =	sld [smem:$0x3FB2]  }
0x39: {  	_ = 	snop;
	(pc) =	sbr.ind lr, $3  }
0x3a: {  	_ = 	snop  }
0x3b: {  	_ = 	snop  }
0x3c: {  	p2 =	seq.s32 s10, $0x1;
	s10 =	sld [smem:$0x3FB1]  }
0x3d: {  	_ =	shalt  }
0x3e: {  	_ =	shalt  }
0x3f: {  	_ =	shalt  }
0x40: {  	_ =	shalt  }
0x41: {  	_ =	shalt  }
0x42: {  	_ =	shalt  }
0x43: {  	_ =	shalt  }
0x44: {  	_ =	shalt  }
0x45: {  	_ =	shalt  }
0x46: {  	_ =	shalt  }
0x47: {  	_ =	shalt  }
0x48: {  	_ =	shalt  }
0x49: {  	_ =	shalt  }
0x4a: {  	_ =	shalt  }
0x4b: {  	_ =	shalt  }
0x4c: {  	_ =	shalt  }
0x4d: {  	_ =	shalt  }
0x4e: {  	_ =	shalt  }
0x4f: {  	_ =	shalt  }
0x50: {  	_ =	shalt  }
0x51: {  	_ =	shalt  }
0x52: {  	_ =	shalt  }
0x53: {  	_ =	shalt  }
0x54: {  	_ =	shalt  }
0x55: {  	_ =	shalt  }
0x56: {  	_ =	shalt  }
0x57: {  	_ =	shalt  }
0x58: {  	_ =	shalt  }
0x59: {  	_ =	shalt  }
0x5a: {  	_ =	shalt  }
0x5b: {  	_ =	shalt  }
0x5c: {  	_ =	shalt  }
0x5d: {  	_ =	shalt  }
0x5e: {  	_ =	shalt  }
0x5f: {  	_ =	shalt  }
0x60: {  	_ =	shalt  }
0x61: {  	_ =	shalt  }
0x62: {  	_ =	shalt  }
0x63: {  	_ =	shalt  }
0x64: {  	_ =	shalt  }
0x65: {  	_ =	shalt  }
0x66: {  	_ =	shalt  }
0x67: {  	_ =	shalt  }
0x68: {  	_ =	shalt  }
0x69: {  	_ =	shalt  }
0x6a: {  	_ =	shalt  }
0x6b: {  	_ =	shalt  }
0x6c: {  	_ =	shalt  }
0x6d: {  	_ =	shalt  }
0x6e: {  	_ =	shalt  }
0x6f: {  	_ =	shalt  }
0x70: {  	_ =	shalt  }
0x71: {  	_ =	shalt  }
0x72: {  	_ =	shalt  }
0x73: {  	_ =	shalt  }
0x74: {  	_ =	shalt  }
0x75: {  	_ =	shalt  }
0x76: {  	_ =	shalt  }
0x77: {  	_ =	shalt  }
0x78: {  	_ =	shalt  }
0x79: {  	_ =	shalt  }
0x7a: {  	_ =	shalt  }
0x7b: {  	_ =	shalt  }
0x7c: {  	_ =	shalt  }
0x7d: {  	_ =	shalt  }
0x7e: {  	_ =	shalt  }
0x7f: {  	_ =	shalt  }
0x80: {  	_ =	shalt  }
0x81: {  	_ =	shalt  }
0x82: {  	_ =	shalt  }
0x83: {  	_ =	shalt  }
0x84: {  	_ =	shalt  }
0x85: {  	_ =	shalt  }
0x86: {  	_ =	shalt  }
0x87: {  	_ =	shalt  }
.Lfunc_end0:
.L_simem_size_0:
called_computation_lowered:
.L_overlay_start_0:
0x88: {  	s2 =	sld [smem:$0x3FD9]  }
0x89: {  	s3 =	sld [smem:$0x3FFE];
	_ =	sdelay $0x1  }
0x8a: {  	s1 =	srdreg.scid  }
0x8b: {  	s0 =	sand.u32 $0x1, s1  }
0x8c: {  	s16 =	sshll.u32 s0, $0xA;
	s2 =	sadd.s32 s3, s2  }
0x8d: {  	s2 =	sadd.s32 s2, s16  }
0x8e: {  	[smem:$0x3FBD] =	sst s2  }
0x8f: {  	_ = 	snop  }
0x90: {  	(tm) =	ssettm $0x1  }
0x91: {  	s17 =	sld [smem:$0x3FFB];
	_ =	sdelay $0x3  }
0x92: {  	_ =	strace s17  }
0x93: {  	s2 =	sld [smem:$0x3FFC];
	_ =	sdelay $0x3  }
0x94: {  	_ =	strace s2  }
0x95: {  	s2 =	sld [smem:$0x3FFD];
	_ =	sdelay $0x3  }
0x96: {  	_ =	strace s2  }
0x97: {  	_ =	strace $0x8FFFFFFF  }
0x98: {  	s18 =	sld [smem:$0x3FDB];
	_ =	sdelay $0x1  }
0x99: {  	s19 =	simm.s32 $_scs_section_size  }
0x9a: {  	s4 =	simm.s32 $_size__tile_overlayer_lowered;
	s5 =	simm.s32 $_tile_overlayer_lowered  }
0x9b: {  	s22 =	simm.s32 $0x1BFF;
	s21 =	sshll.u32 s5, $0x1;
	s2 =	sadd.s32 s19, s18  }
0x9c: {  	s6 =	simm.s32 $0x0;
	s20 =	sshll.u32 s4, $0x1;
	s4 =	sadd.s32 s21, s2  }
0x9d: {  	[timem:s6], [sflag:s22] =	dma.local [hbm:s4], s20  }
0x9e: {  	_ =	swait.ge [sflag:s22], s20  }
0x9f: {  	s3 =	ssub.s32 $0x0, s20;
	[sflag:s22] =	ssyncset.done $0x0  }
0xa0: {  	[sflag:s22] =	ssyncadd.s32 s3;
	_ =	sdelay $0x1  }
0xa1: {  	s23 =	simm.s32 $0x1B8B  }
0xa2: {  	_ =	swait.ge [sflag:s23], $0x1  }
0xa3: {  	[sflag:s23] =	ssyncset.done $0x0  }
0xa4: {  	s25 =	simm.s32 $0x1B8E;
	s24 =	sld [smem:$0x3FFE];
	[sflag:s23] =	ssyncadd.s32 $0xFFFFFFFF  }
0xa5: {  	s26 =	simm.s32 $execute0_lowered;
	[smem:$0x3FD2] =	sst s25  }
0xa6: {  	s4 =	sshll.u32 s26, $0x1;
	_ =	strace $0x80000046;
	[dreg:$0x1] =	wrdreg $0xFFFFFFFF  }
0xa7: {  	s28 =	simm.s32 $_size_execute0_lowered;
	s2 =	sadd.s32 s2, s4;
	[dreg:$0x0] =	wrdreg $0x0  }
0xa8: {  	s4 =	sshll.u32 s28, $0x1;
	[dreg:$0x2] =	wrdreg s2  }
0xa9: {  	[dreg:$0x3] =	wrdreg s4  }
0xaa: {  	[dreg:$0x4] =	wrdreg $0xC0  }
0xab: {  	_ =	task [dreg:s6], $0x5FFFF  }
0xac: {  	[dreg:$0x1] =	wrdreg $0xFFFFFFFF  }
0xad: {  	[dreg:$0x0] =	wrdreg $0x60  }
0xae: {  	[dreg:$0x2] =	wrdreg s24  }
0xaf: {  	[dreg:$0x3] =	wrdreg $0xA8000  }
0xb0: {  	[dreg:$0x4] =	wrdreg $0x9  }
0xb1: {  	_ =	task.clear_ibuf [dreg:s6], $0x5FFFF;
	_ =	strace $0x90000046  }
0xb2: {  	s29 =	simm.s32 $0x9;
	_ =	strace $0x80000048  }
0xb3: {  	_ =	swait.ge [sflag:s29], $0x1  }
0xb4: {  	[sflag:s29] =	ssyncadd.s32 $0xFFFFFFFF  }
0xb5: {  	_ =	strace $0x90000048  }
0xb6: {  	_ =	sfence  }
0xb7: {  	s30 =	sld [smem:$0x0];
	_ =	sdelay $0x2  }
0xb8: {  	s31 =	sshll.u32 s1, $0xD;
	s1 =	sshrl.u32 s1, $0x2  }
0xb9: {  	s3 =	sand.u32 $0x4000, s31;
	s1 =	sadd.s32 s1, s30  }
0xba: {  	s0 =	sor.u32 s3, s0;
	s1 =	sshll.u32 s1, $0x11  }
0xbb: {  	s0 =	sor.u32 s1, s0  }
0xbc: {  	s0 =	sadd.s32 $0x8F2B, s0  }
0xbd: {  	[sflag:s0] =	ssyncadd.remote.s32 $0x1  }
0xbe: {  	_ =	sfence.sel $0xFFFF  }
0xbf: {  	[dreg:$0x0] =	wrdreg $0xFFFFFFFF;
	(pc) =	sbr.abs _section_cstart, $3  }
0xc0: {  	[dreg:$0x1] =	wrdreg $0xFFFFFFFF  }
0xc1: {  	_ =	task.clear_ibuf [dreg:s6], $0x2FFFF;
	_ =	strace $0x9FFFFFFF  }
0xc2: {  	(tm) =	ssettm $0x7FFFFFFF  }
0xc3: {  	_ =	shalt  }
tec
execute0_lowered:
.L_overlay_start_1:
0x0: {  	(tag) =	ssettag $0x1  }
0x1: {  	s4 =	rddreg [dreg:$0x0];
	s0 =	srdreg.scid  }
0x2: {  	s2 =	rddreg [dreg:$0x1];
	s1 =	stileid.u32  }
0x3: {  	s3 =	simm.s32 $0x0;
	s13 =	simm.s32 $0x6800;
	s14 =	simm.s32 $0x80  }
0x4: {  	s15 =	simm.s32 $0x2800;
	s16 =	simm.s32 $0x1;
	s8 =	smul.u32 $0x13C00, s1  }
0x5: {  	s19 =	simm.s32 $0x0;
	s5 =	sand.u32 $0x1, s0;
	s29 =	smul.u32 $0x50000, s1  }
0x6: {  	s0 =	rddreg [dreg:$0x2];
	s6 =	sshll.u32 s1, $0x1;
	s12 =	smul.u32 $0x4F000, s1  }
0x7: {  	[smem:$0x7FF] =	sst s3;
	s17 =	sshll.u32 s1, $0x6;
	s7 =	smul.u32 $0x13C000, s5  }
0x8: {  	s6 =	sor.u32 s5, s6;
	_ =	strace $0x80000047;
	s5 =	ssub.s32 $0x2, s5  }
0x9: {  	s17 =	sor.u32 $0x1C02, s17;
	s6 =	smul.u32 $0x500, s6;
	s30 =	sshrl.u32 s5, $0x1  }
0xa: {  	s31 =	sshrl.u32 s29, $0x2;
	s12 =	sshrl.u32 s12, $0x2;
	s7 =	sadd.s32 s8, s7  }
0xb: {  	s11 =	ssub.s32 s5, s30;
	s18 =	sadd.s32 s12, s2;
	s12 =	simm.s32 $0x2  }
0xc: {  	s6 =	sadd.s32 s6, s4;
	s7 =	sshrl.u32 s7, $0x3;
	s11 =	smax.u32 s11, $0x1  }
0xd: {  	s18 =	sshrl.u32 s18, $0x3;
	s10 =	sadd.s32 s7, s4;
	s4 =	sadd.s32 s31, s2  }
0xe: {  	s5 =	sadd.s32 $0x2E00, s6;
	s6 =	sadd.s32 $0x4000, s4;
	s7 =	sadd.s32 $0x8000, s4  }
0xf: {  	v0 =	vimm.f32 $1.000000000e+00;
	v1 =	vimm.f32 $0.0e+00;
	s8 =	sadd.s32 $0xC000, s4;
	s9 =	sadd.s32 $0x10000, s4;
	s10 =	sadd.s32 $0x16E00, s10  }
.LBB2_1:
0x10: {  	[tilespmem:s3], [sflag:$0x2] =	stream.linear.gather [hbm4b:s5+s3], $0x2800, $0x38;
	[tilespmem:$0xD000] =	vst v63  }
0x11: {  	_ =	swait.ge [sflag:s12], $0x2800  }
0x12: {  	[sflag:s12] =	ssyncset.done $0x0  }
0x13: {  	s20 =	simm.s32 $0x200;
	s21 =	simm.s32 $0x0;
	[sflag:s12] =	ssyncadd.s32 $0xFFFFD800  }
.LBB2_2:
0x14: {  	p0 =	sne.s32 s20, $0xFE00;
	[tilespmem:s21+$0x2800] =	vst v0;
	s22 =	smov.u32 s20;
	s20 =	sadd.s32 $0x200, s20  }
.Ltmp0:
0x15: {  	[tilespmem:s21+$0x6800] =	vst v1;
	(pc) =	sbr.rel @p0 .LBB2_2-.Ltmp0, $2  }
0x16: {  	_ =	sdelay $0x2  }
0x17: {  	s21 =	sshra.s32 s22, $0x2  }
0x18: {  	[tilespmem:s21+$0x2800] =	vst v0  }
0x19: {  	[tilespmem:s21+$0x6800] =	vst v1  }
0x1a: {  	[spmem:s4] =	stream.linear.scatter [tilespmem:s13], [sflag:$0x2], $0x4000, $0x38;
	[tilespmem:$0xD000] =	vst v63  }
0x1b: {  	_ =	swait.ge [sflag:s12], $0x4000  }
0x1c: {  	[sflag:s12] =	ssyncset.done $0x0  }
0x1d: {  	[sflag:s12] =	ssyncadd.s32 $0xFFFFC000  }
0x1e: {  	[spmem:s6] =	stream.linear.scatter [tilespmem:s13], [sflag:$0x2], $0x4000, $0x38;
	[tilespmem:$0xD000] =	vst v63  }
0x1f: {  	_ =	swait.ge [sflag:s12], $0x4000  }
0x20: {  	[sflag:s12] =	ssyncset.done $0x0  }
0x21: {  	[sflag:s12] =	ssyncadd.s32 $0xFFFFC000  }
0x22: {  	[spmem:s7] =	stream.linear.scatter [tilespmem:s13], [sflag:$0x2], $0x4000, $0x38;
	[tilespmem:$0xD000] =	vst v63  }
0x23: {  	_ =	swait.ge [sflag:s12], $0x4000  }
0x24: {  	[sflag:s12] =	ssyncset.done $0x0  }
0x25: {  	[sflag:s12] =	ssyncadd.s32 $0xFFFFC000  }
0x26: {  	[spmem:s8] =	stream.linear.scatter [tilespmem:s13], [sflag:$0x2], $0x4000, $0x38;
	[tilespmem:$0xD000] =	vst v63  }
0x27: {  	_ =	swait.ge [sflag:s12], $0x4000  }
0x28: {  	[sflag:s12] =	ssyncset.done $0x0  }
0x29: {  	[sflag:s12] =	ssyncadd.s32 $0xFFFFC000  }
0x2a: {  	[spmem:s9] =	stream.linear.scatter [tilespmem:s13], [sflag:$0x2], $0x4000, $0x38;
	[tilespmem:$0xD000] =	vst v63  }
0x2b: {  	_ =	swait.ge [sflag:s12], $0x4000  }
0x2c: {  	[sflag:s12] =	ssyncset.done $0x0  }
0x2d: {  	[sflag:s12] =	ssyncadd.s32 $0xFFFFC000  }
0x2e: {  	s20 =	simm.s32 $0x0;
	[bflag:$0x0] =	sbarrier.arrive $0xFFFF  }
0x2f: {  	[spmem:s2] =	stream.indirect.scatter.add.f32 [tilespmem:s15], [sflag:$0x1], $0x10, s20, s14, $0xb8;
	[tilespmem:$0xD000] =	vst v63  }
0x30: {  	s24 =	simm.s32 $0x80  }
0x31: {  	[spmem:s2] =	stream.indirect.scatter.add.f32 [tilespmem:s15], [sflag:$0x1], $0x10, s24, s14, $0xb8;
	[tilespmem:$0xD000] =	vst v63  }
0x32: {  	s25 =	simm.s32 $0x100  }
0x33: {  	[spmem:s2] =	stream.indirect.scatter.add.f32 [tilespmem:s15], [sflag:$0x1], $0x10, s25, s14, $0xb8;
	[tilespmem:$0xD000] =	vst v63  }
0x34: {  	s26 =	simm.s32 $0x180  }
0x35: {  	[spmem:s2] =	stream.indirect.scatter.add.f32 [tilespmem:s15], [sflag:$0x1], $0x10, s26, s14, $0xb8;
	[tilespmem:$0xD000] =	vst v63  }
0x36: {  	s28 =	simm.s32 $0x200  }
0x37: {  	[spmem:s2] =	stream.indirect.scatter.add.f32 [tilespmem:s15], [sflag:$0x1], $0x10, s28, s14, $0xb8;
	[tilespmem:$0xD000] =	vst v63  }
0x38: {  	s29 =	simm.s32 $0x280  }
0x39: {  	[spmem:s2] =	stream.indirect.scatter.add.f32 [tilespmem:s15], [sflag:$0x1], $0x10, s29, s14, $0xb8;
	[tilespmem:$0xD000] =	vst v63  }
0x3a: {  	s30 =	simm.s32 $0x300  }
0x3b: {  	[spmem:s2] =	stream.indirect.scatter.add.f32 [tilespmem:s15], [sflag:$0x1], $0x10, s30, s14, $0xb8;
	[tilespmem:$0xD000] =	vst v63  }
0x3c: {  	s31 =	simm.s32 $0x380  }
0x3d: {  	[spmem:s2] =	stream.indirect.scatter.add.f32 [tilespmem:s15], [sflag:$0x1], $0x10, s31, s14, $0xb8;
	[tilespmem:$0xD000] =	vst v63  }
0x3e: {  	_ =	swait.ge [sflag:s16], $0x800  }
0x3f: {  	[sflag:s16] =	ssyncset.done $0x0  }
0x40: {  	[sflag:s16] =	ssyncadd.s32 $0xFFFFF800  }
0x41: {  	_ =	swait.ge [sflag:s16], $0x800  }
0x42: {  	[sflag:s16] =	ssyncset.done $0x0  }
0x43: {  	[sflag:s16] =	ssyncadd.s32 $0xFFFFF800  }
0x44: {  	_ =	swait.ge [sflag:s16], $0x800  }
0x45: {  	[sflag:s16] =	ssyncset.done $0x0  }
0x46: {  	[sflag:s16] =	ssyncadd.s32 $0xFFFFF800  }
0x47: {  	_ =	swait.ge [sflag:s16], $0x800  }
0x48: {  	[sflag:s16] =	ssyncset.done $0x0  }
0x49: {  	[sflag:s16] =	ssyncadd.s32 $0xFFFFF800  }
0x4a: {  	_ =	swait.ge [sflag:s16], $0x800  }
0x4b: {  	[sflag:s16] =	ssyncset.done $0x0  }
0x4c: {  	[sflag:s16] =	ssyncadd.s32 $0xFFFFF800  }
0x4d: {  	_ =	swait.ge [sflag:s16], $0x800  }
0x4e: {  	[sflag:s16] =	ssyncset.done $0x0  }
0x4f: {  	[sflag:s16] =	ssyncadd.s32 $0xFFFFF800  }
0x50: {  	_ =	swait.ge [sflag:s16], $0x800  }
0x51: {  	[sflag:s16] =	ssyncset.done $0x0  }
0x52: {  	[sflag:s16] =	ssyncadd.s32 $0xFFFFF800  }
0x53: {  	_ =	swait.ge [sflag:s16], $0x800  }
0x54: {  	s22 =	simm.s32 $0x2000;
	s20 =	simm.s32 $0x1000;
	[sflag:s16] =	ssyncset.done $0x0  }
.LBB2_4:
0x55: {  	s23 =	sshra.s32 s20, $0x2  }
0x56: {  	[sflag:s16] =	ssyncadd.s32 $0xFFFFF800;
	s20 =	smov.u32 s22;
	s21 =	sadd.s32 $0x1000, s22  }
0x57: {  	[spmem:s2] =	stream.indirect.scatter.add.f32 [tilespmem:s15], [sflag:$0x1], $0x10, s23, s14, $0xb8;
	[tilespmem:$0xD000] =	vst v63  }
0x58: {  	p0 =	sne.s32 s22, $0x9000;
	s22 =	sadd.s32 $0x80, s23  }
0x59: {  	[spmem:s2] =	stream.indirect.scatter.add.f32 [tilespmem:s15], [sflag:$0x1], $0x10, s22, s14, $0xb8;
	[tilespmem:$0xD000] =	vst v63  }
0x5a: {  	s22 =	sadd.s32 $0x100, s23  }
0x5b: {  	[spmem:s2] =	stream.indirect.scatter.add.f32 [tilespmem:s15], [sflag:$0x1], $0x10, s22, s14, $0xb8;
	[tilespmem:$0xD000] =	vst v63  }
0x5c: {  	s22 =	sadd.s32 $0x180, s23  }
0x5d: {  	[spmem:s2] =	stream.indirect.scatter.add.f32 [tilespmem:s15], [sflag:$0x1], $0x10, s22, s14, $0xb8;
	[tilespmem:$0xD000] =	vst v63  }
0x5e: {  	s22 =	sadd.s32 $0x200, s23  }
0x5f: {  	[spmem:s2] =	stream.indirect.scatter.add.f32 [tilespmem:s15], [sflag:$0x1], $0x10, s22, s14, $0xb8;
	[tilespmem:$0xD000] =	vst v63  }
0x60: {  	s22 =	sadd.s32 $0x280, s23  }
0x61: {  	[spmem:s2] =	stream.indirect.scatter.add.f32 [tilespmem:s15], [sflag:$0x1], $0x10, s22, s14, $0xb8;
	[tilespmem:$0xD000] =	vst v63  }
0x62: {  	s22 =	sadd.s32 $0x300, s23  }
0x63: {  	[spmem:s2] =	stream.indirect.scatter.add.f32 [tilespmem:s15], [sflag:$0x1], $0x10, s22, s14, $0xb8;
	[tilespmem:$0xD000] =	vst v63  }
0x64: {  	s22 =	sadd.s32 $0x380, s23  }
0x65: {  	[spmem:s2] =	stream.indirect.scatter.add.f32 [tilespmem:s15], [sflag:$0x1], $0x10, s22, s14, $0xb8;
	[tilespmem:$0xD000] =	vst v63  }
0x66: {  	_ =	swait.ge [sflag:s16], $0x800  }
0x67: {  	[sflag:s16] =	ssyncset.done $0x0  }
0x68: {  	[sflag:s16] =	ssyncadd.s32 $0xFFFFF800  }
0x69: {  	_ =	swait.ge [sflag:s16], $0x800  }
0x6a: {  	[sflag:s16] =	ssyncset.done $0x0  }
0x6b: {  	[sflag:s16] =	ssyncadd.s32 $0xFFFFF800  }
0x6c: {  	_ =	swait.ge [sflag:s16], $0x800  }
0x6d: {  	[sflag:s16] =	ssyncset.done $0x0  }
0x6e: {  	[sflag:s16] =	ssyncadd.s32 $0xFFFFF800  }
0x6f: {  	_ =	swait.ge [sflag:s16], $0x800  }
0x70: {  	[sflag:s16] =	ssyncset.done $0x0  }
0x71: {  	[sflag:s16] =	ssyncadd.s32 $0xFFFFF800  }
0x72: {  	_ =	swait.ge [sflag:s16], $0x800  }
0x73: {  	[sflag:s16] =	ssyncset.done $0x0  }
0x74: {  	[sflag:s16] =	ssyncadd.s32 $0xFFFFF800  }
0x75: {  	_ =	swait.ge [sflag:s16], $0x800  }
0x76: {  	[sflag:s16] =	ssyncset.done $0x0  }
0x77: {  	[sflag:s16] =	ssyncadd.s32 $0xFFFFF800  }
.Ltmp1:
0x78: {  	_ =	swait.ge [sflag:s16], $0x800;
	(pc) =	sbr.rel @p0 .LBB2_4-.Ltmp1, $4  }
0x79: {  	[sflag:s16] =	ssyncset.done $0x0  }
0x7a: {  	[sflag:s16] =	ssyncadd.s32 $0xFFFFF800  }
0x7b: {  	_ =	swait.ge [sflag:s16], $0x800  }
0x7c: {  	s22 =	smov.u32 s21;
	[sflag:s16] =	ssyncset.done $0x0  }
0x7d: {  	s20 =	sshra.s32 s20, $0x2;
	[sflag:s16] =	ssyncadd.s32 $0xFFFFF800  }
0x7e: {  	[spmem:s2] =	stream.indirect.scatter.add.f32 [tilespmem:s15], [sflag:$0x1], $0x10, s20, s14, $0xb8;
	[tilespmem:$0xD000] =	vst v63  }
0x7f: {  	s21 =	sadd.s32 $0x80, s20  }
0x80: {  	[spmem:s2] =	stream.indirect.scatter.add.f32 [tilespmem:s15], [sflag:$0x1], $0x10, s21, s14, $0xb8;
	[tilespmem:$0xD000] =	vst v63  }
0x81: {  	s26 =	sadd.s32 $0x100, s20  }
0x82: {  	[spmem:s2] =	stream.indirect.scatter.add.f32 [tilespmem:s15], [sflag:$0x1], $0x10, s26, s14, $0xb8;
	[tilespmem:$0xD000] =	vst v63  }
0x83: {  	s28 =	sadd.s32 $0x180, s20  }
0x84: {  	[spmem:s2] =	stream.indirect.scatter.add.f32 [tilespmem:s15], [sflag:$0x1], $0x10, s28, s14, $0xb8;
	[tilespmem:$0xD000] =	vst v63  }
0x85: {  	s29 =	sadd.s32 $0x200, s20  }
0x86: {  	[spmem:s2] =	stream.indirect.scatter.add.f32 [tilespmem:s15], [sflag:$0x1], $0x10, s29, s14, $0xb8;
	[tilespmem:$0xD000] =	vst v63  }
0x87: {  	s30 =	sadd.s32 $0x280, s20  }
0x88: {  	[spmem:s2] =	stream.indirect.scatter.add.f32 [tilespmem:s15], [sflag:$0x1], $0x10, s30, s14, $0xb8;
	[tilespmem:$0xD000] =	vst v63  }
0x89: {  	s31 =	sadd.s32 $0x300, s20  }
0x8a: {  	[spmem:s2] =	stream.indirect.scatter.add.f32 [tilespmem:s15], [sflag:$0x1], $0x10, s31, s14, $0xb8;
	[tilespmem:$0xD000] =	vst v63  }
0x8b: {  	s20 =	sadd.s32 $0x380, s20  }
0x8c: {  	[spmem:s2] =	stream.indirect.scatter.add.f32 [tilespmem:s15], [sflag:$0x1], $0x10, s20, s14, $0xb8;
	[tilespmem:$0xD000] =	vst v63  }
0x8d: {  	_ =	swait.ge [sflag:s16], $0x800  }
0x8e: {  	[sflag:s16] =	ssyncset.done $0x0  }
0x8f: {  	[sflag:s16] =	ssyncadd.s32 $0xFFFFF800  }
0x90: {  	_ =	swait.ge [sflag:s16], $0x800  }
0x91: {  	[sflag:s16] =	ssyncset.done $0x0  }
0x92: {  	[sflag:s16] =	ssyncadd.s32 $0xFFFFF800  }
0x93: {  	_ =	swait.ge [sflag:s16], $0x800  }
0x94: {  	[sflag:s16] =	ssyncset.done $0x0  }
0x95: {  	[sflag:s16] =	ssyncadd.s32 $0xFFFFF800  }
0x96: {  	_ =	swait.ge [sflag:s16], $0x800  }
0x97: {  	[sflag:s16] =	ssyncset.done $0x0  }
0x98: {  	[sflag:s16] =	ssyncadd.s32 $0xFFFFF800  }
0x99: {  	_ =	swait.ge [sflag:s16], $0x800  }
0x9a: {  	[sflag:s16] =	ssyncset.done $0x0  }
0x9b: {  	[sflag:s16] =	ssyncadd.s32 $0xFFFFF800  }
0x9c: {  	_ =	swait.ge [sflag:s16], $0x800  }
0x9d: {  	[sflag:s16] =	ssyncset.done $0x0  }
0x9e: {  	[sflag:s16] =	ssyncadd.s32 $0xFFFFF800  }
0x9f: {  	_ =	swait.ge [sflag:s16], $0x800  }
0xa0: {  	[sflag:s16] =	ssyncset.done $0x0  }
0xa1: {  	[sflag:s16] =	ssyncadd.s32 $0xFFFFF800  }
0xa2: {  	_ =	swait.ge [sflag:s16], $0x800  }
0xa3: {  	s19 =	sadd.s32 $0x1, s19;
	[sflag:s16] =	ssyncset.done $0x0  }
0xa4: {  	p0 =	sne.s32 s19, s11;
	[sflag:s16] =	ssyncadd.s32 $0xFFFFF800  }
.Ltmp2:
0xa5: {  	[bflag:$0x0] =	sbarrier.arrive $0xFFFF;
	(pc) =	sbr.rel @p0 .LBB2_1-.Ltmp2, $4  }
0xa6: {  	[hbm:s10], [sflag:s17] =	dma.local [spmem:s18], $0x2780  }
0xa7: {  	_ =	swait.ge [sflag:s12], $0x2780  }
0xa8: {  	[sflag:s12] =	ssyncset.done $0x0  }
0xa9: {  	[sflag:s12] =	ssyncadd.s32 $0xFFFFD880  }
0xaa: {  	_ =	sfence.sel $0x180000  }
0xab: {  	[bflag:$0x0] =	sbarrier.arrive $0xFFFF  }
0xac: {  	p0 =	sne.s32 s1, $0x0;
	_ =	strace $0x90000047  }
0xad: {  	s0 =	sadd.s32 @!p0 $0x100000, s0;
	[bflag:$0x2] =	sbarrier.arrive $0xFFFF  }
0xae: {  	[sflag:s0] =	ssyncadd.tile.s32 @!p0 $0x1;
	_ =	shalt  }
.Lfunc_end2:
_tile_overlayer_lowered:
.L_overlay_start_2:
0xaf: {  	(tag) =	ssettag $0x2  }
0xb0: {  	s0 =	rddreg [dreg:$0x0];
	s2 =	stileid.u32  }
0xb1: {  	s1 =	rddreg [dreg:$0x1];
	p0 =	sne.s32 s2, $0x0  }
0xb2: {  	s3 =	rddreg [dreg:$0x2];
	[bflag:$0x3] =	sbarrier.arrive $0xFFFF;
	s2 =	simm.s32 @!p0 $0x1C02  }
0xb3: {  	[timem:s3], [sflag:s2] =	dma.local @!p0 [hbm:s0], s1  }
0xb4: {  	s0 =	simm.s32 @!p0 $0x2  }
0xb5: {  	_ =	swait.ge @!p0 [sflag:s0], s1  }
0xb6: {  	s1 =	ssub.s32 @!p0 $0x0, s1;
	[sflag:s0] =	ssyncset.done @!p0 $0x0  }
0xb7: {  	[sflag:s0] =	ssyncadd.s32 @!p0 s1  }
0xb8: {  	[bflag:$0x3] =	sbarrier.arrive $0xFFFF  }
0xb9: {  	_ =	shalt  }

</sc_bundles>
